<compile_context>
chip_gen: v7x
topology: tpu7x:2x2x1
jax: 0.10.2.dev20260603
libtpu: 0.0.44.dev20260713+nightly
codegen_flags: <defaults>
</compile_context>

<pallas_src>
import functools

import jax
import jax.numpy as jnp
from jax import lax
from jax.experimental import pallas as pl
from jax.experimental.pallas import tpu as pltpu
from jax.experimental.pallas import tpu_sc as plsc

N = 10000
E = 320000
D = 128
H = 128
G = 64
EPS = 1e-5

NC = 2
NS = 16
NW = NC * NS
CH = 128
NCH = 164
NBUF = 4
HF = H // 2
EPW = NCH * CH
TOT = NS * EPW
N_PAD = 10240
RPT = N_PAD // NS
N_PAD_A = 10112
RPT_A = N_PAD_A // NS
NB = 25
RB = 400

_mesh = plsc.VectorSubcoreMesh(core_axis_name="c", subcore_axis_name="s")



@functools.partial(
    pl.kernel,
    out_type=jax.ShapeDtypeStruct((NC, N_PAD), jnp.float32),
    mesh=_mesh,
    scratch_types=[
        pltpu.VMEM_SHARED((N_PAD,), jnp.float32),
        pltpu.VMEM((NCH // 2, CH), jnp.int32),
        pltpu.VMEM((CH,), jnp.float32),
    ],
)
def _deg_kernel(dst_hbm, zcol_hbm, out_hbm, deg_sh, dstv, onesv):
    c = lax.axis_index("c")
    s = lax.axis_index("s")
    wid = c * NS + s
    pltpu.sync_copy(zcol_hbm, deg_sh.at[pl.ds(s * RPT, RPT)])
    pltpu.sync_copy(dst_hbm.at[wid], dstv)
    for i in range(CH // 16):
        onesv[pl.ds(i * 16, 16)] = jnp.ones((16,), jnp.float32)
    plsc.subcore_barrier()

    def body(j, carry):
        pltpu.sync_copy(onesv, deg_sh.at[dstv.at[j]], add=True)
        return carry

    lax.fori_loop(0, NCH // 2, body, 0)
    plsc.subcore_barrier()
    pltpu.sync_copy(deg_sh.at[pl.ds(s * RPT, RPT)],
                    out_hbm.at[c, pl.ds(s * RPT, RPT)])


@functools.partial(
    pl.kernel,
    out_type=jax.ShapeDtypeStruct((NC, N_PAD_A, HF), jnp.bfloat16),
    mesh=_mesh,
    compiler_params=pltpu.CompilerParams(use_tc_tiling_on_sc=False),
    scratch_types=[
        pltpu.VMEM_SHARED((N_PAD_A, HF), jnp.bfloat16),
        pltpu.VMEM((NCH, CH), jnp.int32),
        pltpu.VMEM((NCH, CH), jnp.int32),
        [pltpu.VMEM((CH, HF), jnp.bfloat16) for _ in range(NBUF)],
        [pltpu.SemaphoreType.DMA for _ in range(NBUF)],
        [pltpu.SemaphoreType.DMA for _ in range(NBUF)],
    ],
)
def _scatter_kernel(hp_hbm, src_hbm, dst_hbm, zrows_hbm, out_hbm,
                    acc_sh, srcv, dstv, rows, gsems, ssems):
    c = lax.axis_index("c")
    s = lax.axis_index("s")
    pltpu.sync_copy(src_hbm.at[c, s], srcv)
    pltpu.sync_copy(dst_hbm.at[s], dstv)
    pltpu.sync_copy(zrows_hbm, acc_sh.at[pl.ds(s * RPT_A, RPT_A)])
    for b in range(NBUF):
        pltpu.async_copy(hp_hbm.at[srcv.at[b]], rows[b], gsems[b])
    plsc.subcore_barrier()

    def body(i, carry):
        for b in range(NBUF):
            j = i * NBUF + b
            bp = (b - 1) % NBUF
            pltpu.make_async_copy(hp_hbm.at[srcv.at[j]], rows[b],
                                  gsems[b]).wait()
            pltpu.async_copy(rows[b], acc_sh.at[dstv.at[j]], ssems[b],
                             add=True)
            jp = j - 1 + NBUF

            @pl.when((j >= 1) & (jp < NCH))
            def _():
                pltpu.make_async_copy(rows[bp], acc_sh.at[dstv.at[0]],
                                      ssems[bp]).wait()
                pltpu.async_copy(hp_hbm.at[srcv.at[jp]], rows[bp], gsems[bp])

        return carry

    lax.fori_loop(0, NCH // NBUF, body, 0)
    for b in range(NBUF):
        pltpu.make_async_copy(rows[b], acc_sh.at[dstv.at[0]],
                              ssems[b]).wait()
    plsc.subcore_barrier()
    pltpu.sync_copy(acc_sh.at[pl.ds(s * RPT_A, RPT_A)],
                    out_hbm.at[c, pl.ds(s * RPT_A, RPT_A)])



def _mm_body(x_ref, w_ref, deg_ref, o_ref):
    dinv = lax.rsqrt(deg_ref[0] + deg_ref[1])
    t = (jnp.dot(x_ref[...], w_ref[...],
                 preferred_element_type=jnp.float32)
         * dinv).astype(jnp.bfloat16)
    o_ref[0] = t[:, :HF]
    o_ref[1] = t[:, HF:]


def _mm_call(x, w, degs):
    return pl.pallas_call(
        _mm_body,
        grid=(NB,),
        in_specs=[
            pl.BlockSpec((RB, D), lambda i: (i, 0)),
            pl.BlockSpec((D, H), lambda i: (0, 0)),
            pl.BlockSpec((NC, RB, 1), lambda i: (0, i, 0)),
        ],
        out_specs=pl.BlockSpec((NC, RB, HF), lambda i: (0, i, 0)),
        out_shape=jax.ShapeDtypeStruct((NC, N, HF), jnp.bfloat16),
    )(x, w, degs)


def _post_body(acc_ref, deg_ref, b_ref, conv_ref, st_ref, sums):
    i = pl.program_id(0)
    dinv = lax.rsqrt(deg_ref[0] + deg_ref[1])
    conv = jnp.concatenate([acc_ref[0], acc_ref[1]],
                           axis=1).astype(jnp.float32) * dinv + b_ref[...]
    conv_ref[...] = conv

    @pl.when(i == 0)
    def _():
        sums[...] = jnp.zeros_like(sums)

    sums[0:1, :] += jnp.sum(conv, axis=0, keepdims=True)
    sums[1:2, :] += jnp.sum(conv * conv, axis=0, keepdims=True)

    @pl.when(i == NB - 1)
    def _():
        m = sums[0:1, :] / N
        v = sums[1:2, :] / N - m * m
        st_ref[...] = jnp.concatenate([m, v], axis=0)


def _post_call(acc, degs, b):
    return pl.pallas_call(
        _post_body,
        grid=(NB,),
        in_specs=[
            pl.BlockSpec((NC, RB, HF), lambda i: (0, i, 0)),
            pl.BlockSpec((NC, RB, 1), lambda i: (0, i, 0)),
            pl.BlockSpec((1, H), lambda i: (0, 0)),
        ],
        out_specs=[
            pl.BlockSpec((RB, H), lambda i: (i, 0)),
            pl.BlockSpec((2, H), lambda i: (0, 0)),
        ],
        out_shape=[
            jax.ShapeDtypeStruct((N, H), jnp.float32),
            jax.ShapeDtypeStruct((2, H), jnp.float32),
        ],
        scratch_shapes=[pltpu.VMEM((2, H), jnp.float32)],
    )(acc, degs, b)


def _bnmm_body(conv_ref, st_ref, g_ref, be_ref, w_ref, deg_ref, o_ref):
    m = st_ref[0:1, :]
    v = st_ref[1:2, :]
    y = jnp.maximum((conv_ref[...] - m) * lax.rsqrt(v + EPS)
                    * g_ref[...] + be_ref[...], 0.0)
    dinv = lax.rsqrt(deg_ref[0] + deg_ref[1])
    t = (jnp.dot(y, w_ref[...], preferred_element_type=jnp.float32)
         * dinv).astype(jnp.bfloat16)
    o_ref[0] = t[:, :HF]
    o_ref[1] = t[:, HF:]


def _bnmm_call(conv, st, g, be, w, degs):
    return pl.pallas_call(
        _bnmm_body,
        grid=(NB,),
        in_specs=[
            pl.BlockSpec((RB, H), lambda i: (i, 0)),
            pl.BlockSpec((2, H), lambda i: (0, 0)),
            pl.BlockSpec((1, H), lambda i: (0, 0)),
            pl.BlockSpec((1, H), lambda i: (0, 0)),
            pl.BlockSpec((H, H), lambda i: (0, 0)),
            pl.BlockSpec((NC, RB, 1), lambda i: (0, i, 0)),
        ],
        out_specs=pl.BlockSpec((NC, RB, HF), lambda i: (0, i, 0)),
        out_shape=jax.ShapeDtypeStruct((NC, N, HF), jnp.bfloat16),
    )(conv, st, g, be, w, degs)


def _head_body(conv_ref, st_ref, g_ref, be_ref, batch_ref,
               lw1_ref, lb1_ref, lw2_ref, lb2_ref, o_ref, sums, cnt):
    i = pl.program_id(0)
    m = st_ref[0:1, :]
    v = st_ref[1:2, :]
    y = jnp.maximum((conv_ref[...] - m) * lax.rsqrt(v + EPS)
                    * g_ref[...] + be_ref[...], 0.0)

    @pl.when(i == 0)
    def _():
        sums[...] = jnp.zeros_like(sums)
        cnt[...] = jnp.zeros_like(cnt)

    onehot = (batch_ref[...] ==
              lax.broadcasted_iota(jnp.int32, (1, G), 1)).astype(jnp.float32)
    sums[...] += lax.dot_general(onehot, y, (((0,), (0,)), ((), ())),
                                 preferred_element_type=jnp.float32)
    cnt[...] += lax.dot_general(onehot, jnp.ones((RB, 1), jnp.float32),
                                (((0,), (0,)), ((), ())),
                                preferred_element_type=jnp.float32)

    @pl.when(i == NB - 1)
    def _():
        pooled = sums[...] / jnp.maximum(cnt[...], 1.0)
        h = jnp.maximum(jnp.dot(pooled, lw1_ref[...],
                                preferred_element_type=jnp.float32)
                        + lb1_ref[...], 0.0)
        o_ref[...] = jnp.dot(h, lw2_ref[...],
                             preferred_element_type=jnp.float32) + lb2_ref[...]


def _head_call(conv, st, g, be, batchcol, lw1, lb1, lw2, lb2):
    return pl.pallas_call(
        _head_body,
        grid=(NB,),
        in_specs=[
            pl.BlockSpec((RB, H), lambda i: (i, 0)),
            pl.BlockSpec((2, H), lambda i: (0, 0)),
            pl.BlockSpec((1, H), lambda i: (0, 0)),
            pl.BlockSpec((1, H), lambda i: (0, 0)),
            pl.BlockSpec((RB, 1), lambda i: (i, 0)),
            pl.BlockSpec((H, G), lambda i: (0, 0)),
            pl.BlockSpec((1, G), lambda i: (0, 0)),
            pl.BlockSpec((G, 1), lambda i: (0, 0)),
            pl.BlockSpec((1, 1), lambda i: (0, 0)),
        ],
        out_specs=pl.BlockSpec((G, 1), lambda i: (0, 0)),
        out_shape=jax.ShapeDtypeStruct((G, 1), jnp.float32),
        scratch_shapes=[
            pltpu.VMEM((G, H), jnp.float32),
            pltpu.VMEM((G, 1), jnp.float32),
        ],
    )(conv, st, g, be, batchcol, lw1, lb1, lw2, lb2)



def kernel(x, edge_index, batch, W1, b1, W2, b2, W3, b3,
           g1, be1, g2, be2, g3, be3, lw1, lb1, lw2, lb2):
    loop = jnp.arange(N, dtype=jnp.int32)
    pad = TOT - (E + N)
    src_t = jnp.concatenate(
        [edge_index[0], loop, jnp.zeros((pad,), jnp.int32)]).reshape(NS, NCH, CH)
    src_all = jnp.stack([src_t, src_t + N])
    dst_all = jnp.concatenate(
        [edge_index[1], loop, jnp.full((pad,), N, jnp.int32)]).reshape(NS, NCH, CH)
    zcol = jnp.zeros((RPT,), jnp.float32)
    zrows = jnp.zeros((RPT_A, HF), jnp.bfloat16)

    degs = _deg_kernel(dst_all.reshape(NW, NCH // 2, CH),
                       zcol).reshape(NC, N_PAD, 1)

    hp = _mm_call(x, W1, degs)
    acc = _scatter_kernel(hp.reshape(NC * N, HF), src_all, dst_all, zrows)
    conv, st = _post_call(acc, degs, b1.reshape(1, H))

    hp = _bnmm_call(conv, st, g1.reshape(1, H), be1.reshape(1, H), W2, degs)
    acc = _scatter_kernel(hp.reshape(NC * N, HF), src_all, dst_all, zrows)
    conv, st = _post_call(acc, degs, b2.reshape(1, H))

    hp = _bnmm_call(conv, st, g2.reshape(1, H), be2.reshape(1, H), W3, degs)
    acc = _scatter_kernel(hp.reshape(NC * N, HF), src_all, dst_all, zrows)
    conv, st = _post_call(acc, degs, b3.reshape(1, H))

    return _head_call(conv, st, g3.reshape(1, H), be3.reshape(1, H),
                      batch.reshape(N, 1).astype(jnp.int32),
                      lw1, lb1.reshape(1, G), lw2, lb2.reshape(1, 1))

# --- scband reference (transcript-rebuilt; emitter-appended) ---
"""Pipeline reference for scband-gcn-6700148982155 (READ-ONLY COPY).

The authoritative reference and input builder live on the scoring server;
editing this copy changes nothing except your own understanding.
"""

import jax, jax.numpy as jnp
import numpy as np

N = 10000
E = 320000
D = 128
H = 128
G = 64
EPS = 1e-5


def setup_inputs(seed: int = 0):
    key = jax.random.key(seed)
    ks = jax.random.split(key, 16)

    def lin(k, fi, fo):
        return jax.random.normal(k, (fi, fo), dtype=jnp.float32) / np.sqrt(fi)

    inp = {}
    inp["x"] = jax.random.normal(ks[0], (N, D), dtype=jnp.float32)
    inp["edge_index"] = jax.random.randint(ks[1], (2, E), 0, N, dtype=jnp.int32)
    inp["batch"] = jnp.sort(jax.random.randint(ks[2], (N,), 0, G, dtype=jnp.int32))
    inp["W1"] = lin(ks[3], D, H); inp["b1"] = jnp.zeros((H,), jnp.float32)
    inp["W2"] = lin(ks[4], H, H); inp["b2"] = jnp.zeros((H,), jnp.float32)
    inp["W3"] = lin(ks[5], H, H); inp["b3"] = jnp.zeros((H,), jnp.float32)
    inp["g1"] = jnp.ones((H,), jnp.float32); inp["be1"] = jnp.zeros((H,), jnp.float32)
    inp["g2"] = jnp.ones((H,), jnp.float32); inp["be2"] = jnp.zeros((H,), jnp.float32)
    inp["g3"] = jnp.ones((H,), jnp.float32); inp["be3"] = jnp.zeros((H,), jnp.float32)
    inp["lw1"] = lin(ks[6], H, H // 2); inp["lb1"] = jnp.zeros((H // 2,), jnp.float32)
    inp["lw2"] = lin(ks[7], H // 2, 1); inp["lb2"] = jnp.zeros((1,), jnp.float32)
    return inp


def _gcn_norm(edge_index, n):
    loop = jnp.arange(n, dtype=edge_index.dtype)
    src = jnp.concatenate([edge_index[0], loop])
    dst = jnp.concatenate([edge_index[1], loop])
    deg = jnp.zeros((n,), jnp.float32).at[dst].add(1.0)
    dinv = jax.lax.rsqrt(deg)
    norm = dinv[src] * dinv[dst]
    return src, dst, norm


def _conv(x, src, dst, norm, W, b):
    h = x @ W
    msg = h[src] * norm[:, None]
    out = jnp.zeros((x.shape[0], W.shape[1]), h.dtype).at[dst].add(msg)
    return out + b


def _bn(h, g, b):
    m = jnp.mean(h, axis=0)
    v = jnp.var(h, axis=0)
    return (h - m) * jax.lax.rsqrt(v + EPS) * g + b


def reference(x, edge_index, batch, W1, b1, W2, b2, W3, b3, g1, be1, g2, be2, g3, be3, lw1, lb1, lw2, lb2):
    src, dst, norm = _gcn_norm(edge_index, x.shape[0])
    h = jax.nn.relu(_bn(_conv(x, src, dst, norm, W1, b1), g1, be1))
    h = jax.nn.relu(_bn(_conv(h, src, dst, norm, W2, b2), g2, be2))
    h = jax.nn.relu(_bn(_conv(h, src, dst, norm, W3, b3), g3, be3))
    sums = jax.ops.segment_sum(h, batch, num_segments=G)
    cnt = jax.ops.segment_sum(jnp.ones((h.shape[0],), h.dtype), batch, num_segments=G)
    pooled = sums / jnp.maximum(cnt, 1.0)[:, None]
    h = jax.nn.relu(pooled @ lw1 + lb1)
    return h @ lw2 + lb2

if __name__ == "__main__":
    import jax
    _d = setup_inputs()
    print(jax.jit(kernel)(*tuple(_d.values())))

</pallas_src>

<mosaic_0001>
#map = affine_map<(d0, d1) -> (0, 0)>
#map1 = affine_map<(d0, d1) -> (0, 0, 0, 0)>
#map2 = affine_map<(d0, d1) -> (0, 0, 0)>
module attributes {stable_mosaic.version = 14 : i64} {
  func.func @_scatter_kernel(%arg0: i32, %arg1: i32, %arg2: memref<20000x64xbf16, #tpu.memory_space<hbm>>, %arg3: memref<2x16x164x128xi32, #tpu.memory_space<hbm>>, %arg4: memref<16x164x128xi32, #tpu.memory_space<hbm>>, %arg5: memref<632x64xbf16, #tpu.memory_space<hbm>>, %arg6: memref<2x10112x64xbf16, #tpu.memory_space<hbm>>, %arg7: memref<10112x64xbf16, #tpu.memory_space<vmem_shared>>, %arg8: memref<164x128xi32, #tpu.memory_space<vmem>>, %arg9: memref<164x128xi32, #tpu.memory_space<vmem>>, %arg10: memref<128x64xbf16, #tpu.memory_space<vmem>>, %arg11: memref<128x64xbf16, #tpu.memory_space<vmem>>, %arg12: memref<128x64xbf16, #tpu.memory_space<vmem>>, %arg13: memref<128x64xbf16, #tpu.memory_space<vmem>>, %arg14: memref<!tpu.dma_semaphore, #tpu.memory_space<semaphore_mem>>, %arg15: memref<!tpu.dma_semaphore, #tpu.memory_space<semaphore_mem>>, %arg16: memref<!tpu.dma_semaphore, #tpu.memory_space<semaphore_mem>>, %arg17: memref<!tpu.dma_semaphore, #tpu.memory_space<semaphore_mem>>, %arg18: memref<!tpu.dma_semaphore, #tpu.memory_space<semaphore_mem>>, %arg19: memref<!tpu.dma_semaphore, #tpu.memory_space<semaphore_mem>>, %arg20: memref<!tpu.dma_semaphore, #tpu.memory_space<semaphore_mem>>, %arg21: memref<!tpu.dma_semaphore, #tpu.memory_space<semaphore_mem>>) attributes {dimension_semantics = [#tpu.dimension_semantics<core_parallel>, #tpu.dimension_semantics<subcore_parallel>], iteration_bounds = array<i64: 2, 16>, scalar_prefetch = 0 : i64, scratch_operands = 15 : i64, tpu.core_type = #tpu.core_type<sc_vector_subcore>, window_params = [{transform_indices = #map}, {transform_indices = #map1}, {transform_indices = #map2}, {transform_indices = #map}, {transform_indices = #map2}]} {
    "tpu.region"() ({
      %run_scoped3A = tpu.sem_alloc : memref<!tpu.dma_semaphore, #tpu.memory_space<semaphore_mem>>
      %dma_start3A_65 = arith.constant 0 : i32
      %dma_start3A_66 = arith.constant 0 : i32
      %dma_start3A_67 = tpu.memref_slice %arg3[%arg0, %arg1, %dma_start3A_65, %dma_start3A_66] : memref<2x16x164x128xi32, #tpu.memory_space<hbm>> -> memref<1x1x164x128xi32, #tpu.memory_space<hbm>>
      %dma_start3A_68 = tpu.memref_squeeze %dma_start3A_67 : memref<1x1x164x128xi32, #tpu.memory_space<hbm>> -> memref<164x128xi32, #tpu.memory_space<hbm>>
      %dma_start3A_69 = arith.constant 0 : i32
      %dma_start3A_70 = arith.constant 0 : i32
      %dma_start3A_71 = tpu.memref_slice %arg3[%arg0, %arg1, %dma_start3A_69, %dma_start3A_70] : memref<2x16x164x128xi32, #tpu.memory_space<hbm>> -> memref<1x1x164x128xi32, #tpu.memory_space<hbm>>
      %dma_start3A_72 = tpu.memref_squeeze %dma_start3A_71 : memref<1x1x164x128xi32, #tpu.memory_space<hbm>> -> memref<164x128xi32, #tpu.memory_space<hbm>>
      tpu.enqueue_dma source(%dma_start3A_72 : memref<164x128xi32, #tpu.memory_space<hbm>>) target(%arg8 : memref<164x128xi32, #tpu.memory_space<vmem>>) target_semaphore(%run_scoped3A : memref<!tpu.dma_semaphore, #tpu.memory_space<semaphore_mem>>)
      %dma_wait3A_73 = arith.constant 0 : i32
      %dma_wait3A_74 = arith.constant 0 : i32
      %dma_wait3A_75 = tpu.memref_slice %arg3[%arg0, %arg1, %dma_wait3A_73, %dma_wait3A_74] : memref<2x16x164x128xi32, #tpu.memory_space<hbm>> -> memref<1x1x164x128xi32, #tpu.memory_space<hbm>>
      %dma_wait3A_76 = tpu.memref_squeeze %dma_wait3A_75 : memref<1x1x164x128xi32, #tpu.memory_space<hbm>> -> memref<164x128xi32, #tpu.memory_space<hbm>>
      %dma_wait3A_77 = arith.constant 0 : i32
      %dma_wait3A_78 = arith.constant 0 : i32
      %dma_wait3A_79 = tpu.memref_slice %arg3[%arg0, %arg1, %dma_wait3A_77, %dma_wait3A_78] : memref<2x16x164x128xi32, #tpu.memory_space<hbm>> -> memref<1x1x164x128xi32, #tpu.memory_space<hbm>>
      %dma_wait3A_80 = tpu.memref_squeeze %dma_wait3A_79 : memref<1x1x164x128xi32, #tpu.memory_space<hbm>> -> memref<164x128xi32, #tpu.memory_space<hbm>>
      tpu.wait_dma2 semaphore(%run_scoped3A : memref<!tpu.dma_semaphore, #tpu.memory_space<semaphore_mem>>) src(%dma_wait3A_80 : memref<164x128xi32, #tpu.memory_space<hbm>>) dst(%arg8 : memref<164x128xi32, #tpu.memory_space<vmem>>)
      tpu.yield
    }) : () -> ()
    "tpu.region"() ({
      %run_scoped3A = tpu.sem_alloc : memref<!tpu.dma_semaphore, #tpu.memory_space<semaphore_mem>>
      %dma_start3A_65 = arith.constant 0 : i32
      %dma_start3A_66 = arith.constant 0 : i32
      %dma_start3A_67 = tpu.memref_slice %arg4[%arg1, %dma_start3A_65, %dma_start3A_66] : memref<16x164x128xi32, #tpu.memory_space<hbm>> -> memref<1x164x128xi32, #tpu.memory_space<hbm>>
      %dma_start3A_68 = tpu.memref_squeeze %dma_start3A_67 : memref<1x164x128xi32, #tpu.memory_space<hbm>> -> memref<164x128xi32, #tpu.memory_space<hbm>>
      %dma_start3A_69 = arith.constant 0 : i32
      %dma_start3A_70 = arith.constant 0 : i32
      %dma_start3A_71 = tpu.memref_slice %arg4[%arg1, %dma_start3A_69, %dma_start3A_70] : memref<16x164x128xi32, #tpu.memory_space<hbm>> -> memref<1x164x128xi32, #tpu.memory_space<hbm>>
      %dma_start3A_72 = tpu.memref_squeeze %dma_start3A_71 : memref<1x164x128xi32, #tpu.memory_space<hbm>> -> memref<164x128xi32, #tpu.memory_space<hbm>>
      tpu.enqueue_dma source(%dma_start3A_72 : memref<164x128xi32, #tpu.memory_space<hbm>>) target(%arg9 : memref<164x128xi32, #tpu.memory_space<vmem>>) target_semaphore(%run_scoped3A : memref<!tpu.dma_semaphore, #tpu.memory_space<semaphore_mem>>)
      %dma_wait3A_73 = arith.constant 0 : i32
      %dma_wait3A_74 = arith.constant 0 : i32
      %dma_wait3A_75 = tpu.memref_slice %arg4[%arg1, %dma_wait3A_73, %dma_wait3A_74] : memref<16x164x128xi32, #tpu.memory_space<hbm>> -> memref<1x164x128xi32, #tpu.memory_space<hbm>>
      %dma_wait3A_76 = tpu.memref_squeeze %dma_wait3A_75 : memref<1x164x128xi32, #tpu.memory_space<hbm>> -> memref<164x128xi32, #tpu.memory_space<hbm>>
      %dma_wait3A_77 = arith.constant 0 : i32
      %dma_wait3A_78 = arith.constant 0 : i32
      %dma_wait3A_79 = tpu.memref_slice %arg4[%arg1, %dma_wait3A_77, %dma_wait3A_78] : memref<16x164x128xi32, #tpu.memory_space<hbm>> -> memref<1x164x128xi32, #tpu.memory_space<hbm>>
      %dma_wait3A_80 = tpu.memref_squeeze %dma_wait3A_79 : memref<1x164x128xi32, #tpu.memory_space<hbm>> -> memref<164x128xi32, #tpu.memory_space<hbm>>
      tpu.wait_dma2 semaphore(%run_scoped3A : memref<!tpu.dma_semaphore, #tpu.memory_space<semaphore_mem>>) src(%dma_wait3A_80 : memref<164x128xi32, #tpu.memory_space<hbm>>) dst(%arg9 : memref<164x128xi32, #tpu.memory_space<vmem>>)
      tpu.yield
    }) : () -> ()
    %mul3A = arith.constant 632 : i32
    %mul3A_0 = arith.muli %arg1, %mul3A : i32
    "tpu.region"() ({
      %run_scoped3A = tpu.sem_alloc : memref<!tpu.dma_semaphore, #tpu.memory_space<semaphore_mem>>
      %dma_start3A_65 = arith.constant 0 : i32
      %dma_start3A_66 = tpu.memref_slice %arg7[%mul3A_0, %dma_start3A_65] : memref<10112x64xbf16, #tpu.memory_space<vmem_shared>> -> memref<632x64xbf16, #tpu.memory_space<vmem_shared>>
      tpu.enqueue_dma source(%arg5 : memref<632x64xbf16, #tpu.memory_space<hbm>>) target(%dma_start3A_66 : memref<632x64xbf16, #tpu.memory_space<vmem_shared>>) target_semaphore(%run_scoped3A : memref<!tpu.dma_semaphore, #tpu.memory_space<semaphore_mem>>)
      %dma_wait3A_67 = arith.constant 0 : i32
      %dma_wait3A_68 = tpu.memref_slice %arg7[%mul3A_0, %dma_wait3A_67] : memref<10112x64xbf16, #tpu.memory_space<vmem_shared>> -> memref<632x64xbf16, #tpu.memory_space<vmem_shared>>
      tpu.wait_dma2 semaphore(%run_scoped3A : memref<!tpu.dma_semaphore, #tpu.memory_space<semaphore_mem>>) src(%arg5 : memref<632x64xbf16, #tpu.memory_space<hbm>>) dst(%dma_wait3A_68 : memref<632x64xbf16, #tpu.memory_space<vmem_shared>>)
      tpu.yield
    }) : () -> ()
    %dma_start3A = arith.constant 0 : i32
    %dma_start3A_1 = arith.constant 0 : i32
    %dma_start3A_2 = tpu.memref_slice %arg8[%dma_start3A, %dma_start3A_1] : memref<164x128xi32, #tpu.memory_space<vmem>> -> memref<1x128xi32, #tpu.memory_space<vmem>>
    %dma_start3A_3 = tpu.memref_squeeze %dma_start3A_2 : memref<1x128xi32, #tpu.memory_space<vmem>> -> memref<128xi32, #tpu.memory_space<vmem>>
    %dma_start3A_4 = arith.constant 0 : i32
    %dma_start3A_5 = arith.constant 0 : i32
    %dma_start3A_6 = tpu.memref_slice %arg2[%dma_start3A_4, %dma_start3A_5] : memref<20000x64xbf16, #tpu.memory_space<hbm>> -> memref<20000x64xbf16, #tpu.memory_space<hbm>>
    tpu.enqueue_indirect_dma source(%dma_start3A_6 : memref<20000x64xbf16, #tpu.memory_space<hbm>>) target(%arg10 : memref<128x64xbf16, #tpu.memory_space<vmem>>) offsets(%dma_start3A_3 : memref<128xi32, #tpu.memory_space<vmem>>) semaphore(%arg14 : memref<!tpu.dma_semaphore, #tpu.memory_space<semaphore_mem>>)
    %dma_start3A_7 = arith.constant 1 : i32
    %dma_start3A_8 = arith.constant 0 : i32
    %dma_start3A_9 = tpu.memref_slice %arg8[%dma_start3A_7, %dma_start3A_8] : memref<164x128xi32, #tpu.memory_space<vmem>> -> memref<1x128xi32, #tpu.memory_space<vmem>>
    %dma_start3A_10 = tpu.memref_squeeze %dma_start3A_9 : memref<1x128xi32, #tpu.memory_space<vmem>> -> memref<128xi32, #tpu.memory_space<vmem>>
    %dma_start3A_11 = arith.constant 0 : i32
    %dma_start3A_12 = arith.constant 0 : i32
    %dma_start3A_13 = tpu.memref_slice %arg2[%dma_start3A_11, %dma_start3A_12] : memref<20000x64xbf16, #tpu.memory_space<hbm>> -> memref<20000x64xbf16, #tpu.memory_space<hbm>>
    tpu.enqueue_indirect_dma source(%dma_start3A_13 : memref<20000x64xbf16, #tpu.memory_space<hbm>>) target(%arg11 : memref<128x64xbf16, #tpu.memory_space<vmem>>) offsets(%dma_start3A_10 : memref<128xi32, #tpu.memory_space<vmem>>) semaphore(%arg15 : memref<!tpu.dma_semaphore, #tpu.memory_space<semaphore_mem>>)
    %dma_start3A_14 = arith.constant 2 : i32
    %dma_start3A_15 = arith.constant 0 : i32
    %dma_start3A_16 = tpu.memref_slice %arg8[%dma_start3A_14, %dma_start3A_15] : memref<164x128xi32, #tpu.memory_space<vmem>> -> memref<1x128xi32, #tpu.memory_space<vmem>>
    %dma_start3A_17 = tpu.memref_squeeze %dma_start3A_16 : memref<1x128xi32, #tpu.memory_space<vmem>> -> memref<128xi32, #tpu.memory_space<vmem>>
    %dma_start3A_18 = arith.constant 0 : i32
    %dma_start3A_19 = arith.constant 0 : i32
    %dma_start3A_20 = tpu.memref_slice %arg2[%dma_start3A_18, %dma_start3A_19] : memref<20000x64xbf16, #tpu.memory_space<hbm>> -> memref<20000x64xbf16, #tpu.memory_space<hbm>>
    tpu.enqueue_indirect_dma source(%dma_start3A_20 : memref<20000x64xbf16, #tpu.memory_space<hbm>>) target(%arg12 : memref<128x64xbf16, #tpu.memory_space<vmem>>) offsets(%dma_start3A_17 : memref<128xi32, #tpu.memory_space<vmem>>) semaphore(%arg16 : memref<!tpu.dma_semaphore, #tpu.memory_space<semaphore_mem>>)
    %dma_start3A_21 = arith.constant 3 : i32
    %dma_start3A_22 = arith.constant 0 : i32
    %dma_start3A_23 = tpu.memref_slice %arg8[%dma_start3A_21, %dma_start3A_22] : memref<164x128xi32, #tpu.memory_space<vmem>> -> memref<1x128xi32, #tpu.memory_space<vmem>>
    %dma_start3A_24 = tpu.memref_squeeze %dma_start3A_23 : memref<1x128xi32, #tpu.memory_space<vmem>> -> memref<128xi32, #tpu.memory_space<vmem>>
    %dma_start3A_25 = arith.constant 0 : i32
    %dma_start3A_26 = arith.constant 0 : i32
    %dma_start3A_27 = tpu.memref_slice %arg2[%dma_start3A_25, %dma_start3A_26] : memref<20000x64xbf16, #tpu.memory_space<hbm>> -> memref<20000x64xbf16, #tpu.memory_space<hbm>>
    tpu.enqueue_indirect_dma source(%dma_start3A_27 : memref<20000x64xbf16, #tpu.memory_space<hbm>>) target(%arg13 : memref<128x64xbf16, #tpu.memory_space<vmem>>) offsets(%dma_start3A_24 : memref<128xi32, #tpu.memory_space<vmem>>) semaphore(%arg17 : memref<!tpu.dma_semaphore, #tpu.memory_space<semaphore_mem>>)
    %barrier3A = arith.constant 0 : index
    tpu.barrier barrier_id(%barrier3A)
    %scan3A = arith.constant 0 : i32
    %scan3A_28 = arith.constant 0 : i32
    %scan3A_29 = arith.constant 41 : i32
    %scan3A_30 = arith.addi %scan3A_28, %scan3A_29 : i32
    %scan3A_31 = arith.constant 1 : i32
    scf.for %scan3A_65 = %scan3A_28 to %scan3A_30 step %scan3A_31  : i32 {
      %mul3A_66 = arith.constant 4 : i32
      %mul3A_67 = arith.muli %scan3A_65, %mul3A_66 : i32
      %add3A = arith.constant 0 : i32
      %add3A_68 = arith.addi %mul3A_67, %add3A : i32
      %dma_wait3A_69 = arith.constant 0 : i32
      %dma_wait3A_70 = tpu.memref_slice %arg8[%add3A_68, %dma_wait3A_69] : memref<164x128xi32, #tpu.memory_space<vmem>> -> memref<1x128xi32, #tpu.memory_space<vmem>>
      %dma_wait3A_71 = tpu.memref_squeeze %dma_wait3A_70 : memref<1x128xi32, #tpu.memory_space<vmem>> -> memref<128xi32, #tpu.memory_space<vmem>>
      %dma_wait3A_72 = arith.constant 0 : i32
      %dma_wait3A_73 = arith.constant 0 : i32
      %dma_wait3A_74 = tpu.memref_slice %arg2[%dma_wait3A_72, %dma_wait3A_73] : memref<20000x64xbf16, #tpu.memory_space<hbm>> -> memref<20000x64xbf16, #tpu.memory_space<hbm>>
      tpu.wait_indirect_dma semaphore(%arg14 : memref<!tpu.dma_semaphore, #tpu.memory_space<semaphore_mem>>) src(%dma_wait3A_74 : memref<20000x64xbf16, #tpu.memory_space<hbm>>) dst(%arg10 : memref<128x64xbf16, #tpu.memory_space<vmem>>)
      %dma_start3A_75 = arith.constant 0 : i32
      %dma_start3A_76 = tpu.memref_slice %arg9[%add3A_68, %dma_start3A_75] : memref<164x128xi32, #tpu.memory_space<vmem>> -> memref<1x128xi32, #tpu.memory_space<vmem>>
      %dma_start3A_77 = tpu.memref_squeeze %dma_start3A_76 : memref<1x128xi32, #tpu.memory_space<vmem>> -> memref<128xi32, #tpu.memory_space<vmem>>
      %dma_start3A_78 = arith.constant 0 : i32
      %dma_start3A_79 = arith.constant 0 : i32
      %dma_start3A_80 = tpu.memref_slice %arg7[%dma_start3A_78, %dma_start3A_79] : memref<10112x64xbf16, #tpu.memory_space<vmem_shared>> -> memref<10112x64xbf16, #tpu.memory_space<vmem_shared>>
      tpu.enqueue_indirect_dma source(%arg10 : memref<128x64xbf16, #tpu.memory_space<vmem>>) target(%dma_start3A_80 : memref<10112x64xbf16, #tpu.memory_space<vmem_shared>>) offsets(%dma_start3A_77 : memref<128xi32, #tpu.memory_space<vmem>>) semaphore(%arg18 : memref<!tpu.dma_semaphore, #tpu.memory_space<semaphore_mem>>) {add = true}
      %sub3A = arith.constant 1 : i32
      %sub3A_81 = arith.subi %add3A_68, %sub3A : i32
      %add3A_82 = arith.constant 4 : i32
      %add3A_83 = arith.addi %sub3A_81, %add3A_82 : i32
      %ge3A = arith.constant 1 : i32
      %ge3A_84 = arith.cmpi sge, %add3A_68, %ge3A : i32
      %lt3A = arith.constant 164 : i32
      %lt3A_85 = arith.cmpi slt, %add3A_83, %lt3A : i32
      %and3A = arith.andi %ge3A_84, %lt3A_85 : i1
      %convert_element_type3A = arith.extui %and3A : i1 to i32
      %cond3A = arith.constant 0 : i32
      %cond3A_86 = arith.cmpi ne, %convert_element_type3A, %cond3A : i32
      scf.if %cond3A_86 {
        %dma_wait3A_171 = arith.constant 0 : i32
        %dma_wait3A_172 = arith.constant 0 : i32
        %dma_wait3A_173 = tpu.memref_slice %arg9[%dma_wait3A_171, %dma_wait3A_172] : memref<164x128xi32, #tpu.memory_space<vmem>> -> memref<1x128xi32, #tpu.memory_space<vmem>>
        %dma_wait3A_174 = tpu.memref_squeeze %dma_wait3A_173 : memref<1x128xi32, #tpu.memory_space<vmem>> -> memref<128xi32, #tpu.memory_space<vmem>>
        %dma_wait3A_175 = arith.constant 0 : i32
        %dma_wait3A_176 = arith.constant 0 : i32
        %dma_wait3A_177 = tpu.memref_slice %arg7[%dma_wait3A_175, %dma_wait3A_176] : memref<10112x64xbf16, #tpu.memory_space<vmem_shared>> -> memref<10112x64xbf16, #tpu.memory_space<vmem_shared>>
        tpu.wait_indirect_dma semaphore(%arg21 : memref<!tpu.dma_semaphore, #tpu.memory_space<semaphore_mem>>) src(%arg13 : memref<128x64xbf16, #tpu.memory_space<vmem>>) dst(%dma_wait3A_177 : memref<10112x64xbf16, #tpu.memory_space<vmem_shared>>)
        %dma_start3A_178 = arith.constant 0 : i32
        %dma_start3A_179 = tpu.memref_slice %arg8[%add3A_83, %dma_start3A_178] : memref<164x128xi32, #tpu.memory_space<vmem>> -> memref<1x128xi32, #tpu.memory_space<vmem>>
        %dma_start3A_180 = tpu.memref_squeeze %dma_start3A_179 : memref<1x128xi32, #tpu.memory_space<vmem>> -> memref<128xi32, #tpu.memory_space<vmem>>
        %dma_start3A_181 = arith.constant 0 : i32
        %dma_start3A_182 = arith.constant 0 : i32
        %dma_start3A_183 = tpu.memref_slice %arg2[%dma_start3A_181, %dma_start3A_182] : memref<20000x64xbf16, #tpu.memory_space<hbm>> -> memref<20000x64xbf16, #tpu.memory_space<hbm>>
        tpu.enqueue_indirect_dma source(%dma_start3A_183 : memref<20000x64xbf16, #tpu.memory_space<hbm>>) target(%arg13 : memref<128x64xbf16, #tpu.memory_space<vmem>>) offsets(%dma_start3A_180 : memref<128xi32, #tpu.memory_space<vmem>>) semaphore(%arg17 : memref<!tpu.dma_semaphore, #tpu.memory_space<semaphore_mem>>)
      } else {
      }
      %mul3A_87 = arith.constant 4 : i32
      %mul3A_88 = arith.muli %scan3A_65, %mul3A_87 : i32
      %add3A_89 = arith.constant 1 : i32
      %add3A_90 = arith.addi %mul3A_88, %add3A_89 : i32
      %dma_wait3A_91 = arith.constant 0 : i32
      %dma_wait3A_92 = tpu.memref_slice %arg8[%add3A_90, %dma_wait3A_91] : memref<164x128xi32, #tpu.memory_space<vmem>> -> memref<1x128xi32, #tpu.memory_space<vmem>>
      %dma_wait3A_93 = tpu.memref_squeeze %dma_wait3A_92 : memref<1x128xi32, #tpu.memory_space<vmem>> -> memref<128xi32, #tpu.memory_space<vmem>>
      %dma_wait3A_94 = arith.constant 0 : i32
      %dma_wait3A_95 = arith.constant 0 : i32
      %dma_wait3A_96 = tpu.memref_slice %arg2[%dma_wait3A_94, %dma_wait3A_95] : memref<20000x64xbf16, #tpu.memory_space<hbm>> -> memref<20000x64xbf16, #tpu.memory_space<hbm>>
      tpu.wait_indirect_dma semaphore(%arg15 : memref<!tpu.dma_semaphore, #tpu.memory_space<semaphore_mem>>) src(%dma_wait3A_96 : memref<20000x64xbf16, #tpu.memory_space<hbm>>) dst(%arg11 : memref<128x64xbf16, #tpu.memory_space<vmem>>)
      %dma_start3A_97 = arith.constant 0 : i32
      %dma_start3A_98 = tpu.memref_slice %arg9[%add3A_90, %dma_start3A_97] : memref<164x128xi32, #tpu.memory_space<vmem>> -> memref<1x128xi32, #tpu.memory_space<vmem>>
      %dma_start3A_99 = tpu.memref_squeeze %dma_start3A_98 : memref<1x128xi32, #tpu.memory_space<vmem>> -> memref<128xi32, #tpu.memory_space<vmem>>
      %dma_start3A_100 = arith.constant 0 : i32
      %dma_start3A_101 = arith.constant 0 : i32
      %dma_start3A_102 = tpu.memref_slice %arg7[%dma_start3A_100, %dma_start3A_101] : memref<10112x64xbf16, #tpu.memory_space<vmem_shared>> -> memref<10112x64xbf16, #tpu.memory_space<vmem_shared>>
      tpu.enqueue_indirect_dma source(%arg11 : memref<128x64xbf16, #tpu.memory_space<vmem>>) target(%dma_start3A_102 : memref<10112x64xbf16, #tpu.memory_space<vmem_shared>>) offsets(%dma_start3A_99 : memref<128xi32, #tpu.memory_space<vmem>>) semaphore(%arg19 : memref<!tpu.dma_semaphore, #tpu.memory_space<semaphore_mem>>) {add = true}
      %sub3A_103 = arith.constant 1 : i32
      %sub3A_104 = arith.subi %add3A_90, %sub3A_103 : i32
      %add3A_105 = arith.constant 4 : i32
      %add3A_106 = arith.addi %sub3A_104, %add3A_105 : i32
      %ge3A_107 = arith.constant 1 : i32
      %ge3A_108 = arith.cmpi sge, %add3A_90, %ge3A_107 : i32
      %lt3A_109 = arith.constant 164 : i32
      %lt3A_110 = arith.cmpi slt, %add3A_106, %lt3A_109 : i32
      %and3A_111 = arith.andi %ge3A_108, %lt3A_110 : i1
      %convert_element_type3A_112 = arith.extui %and3A_111 : i1 to i32
      %cond3A_113 = arith.constant 0 : i32
      %cond3A_114 = arith.cmpi ne, %convert_element_type3A_112, %cond3A_113 : i32
      scf.if %cond3A_114 {
        %dma_wait3A_171 = arith.constant 0 : i32
        %dma_wait3A_172 = arith.constant 0 : i32
        %dma_wait3A_173 = tpu.memref_slice %arg9[%dma_wait3A_171, %dma_wait3A_172] : memref<164x128xi32, #tpu.memory_space<vmem>> -> memref<1x128xi32, #tpu.memory_space<vmem>>
        %dma_wait3A_174 = tpu.memref_squeeze %dma_wait3A_173 : memref<1x128xi32, #tpu.memory_space<vmem>> -> memref<128xi32, #tpu.memory_space<vmem>>
        %dma_wait3A_175 = arith.constant 0 : i32
        %dma_wait3A_176 = arith.constant 0 : i32
        %dma_wait3A_177 = tpu.memref_slice %arg7[%dma_wait3A_175, %dma_wait3A_176] : memref<10112x64xbf16, #tpu.memory_space<vmem_shared>> -> memref<10112x64xbf16, #tpu.memory_space<vmem_shared>>
        tpu.wait_indirect_dma semaphore(%arg18 : memref<!tpu.dma_semaphore, #tpu.memory_space<semaphore_mem>>) src(%arg10 : memref<128x64xbf16, #tpu.memory_space<vmem>>) dst(%dma_wait3A_177 : memref<10112x64xbf16, #tpu.memory_space<vmem_shared>>)
        %dma_start3A_178 = arith.constant 0 : i32
        %dma_start3A_179 = tpu.memref_slice %arg8[%add3A_106, %dma_start3A_178] : memref<164x128xi32, #tpu.memory_space<vmem>> -> memref<1x128xi32, #tpu.memory_space<vmem>>
        %dma_start3A_180 = tpu.memref_squeeze %dma_start3A_179 : memref<1x128xi32, #tpu.memory_space<vmem>> -> memref<128xi32, #tpu.memory_space<vmem>>
        %dma_start3A_181 = arith.constant 0 : i32
        %dma_start3A_182 = arith.constant 0 : i32
        %dma_start3A_183 = tpu.memref_slice %arg2[%dma_start3A_181, %dma_start3A_182] : memref<20000x64xbf16, #tpu.memory_space<hbm>> -> memref<20000x64xbf16, #tpu.memory_space<hbm>>
        tpu.enqueue_indirect_dma source(%dma_start3A_183 : memref<20000x64xbf16, #tpu.memory_space<hbm>>) target(%arg10 : memref<128x64xbf16, #tpu.memory_space<vmem>>) offsets(%dma_start3A_180 : memref<128xi32, #tpu.memory_space<vmem>>) semaphore(%arg14 : memref<!tpu.dma_semaphore, #tpu.memory_space<semaphore_mem>>)
      } else {
      }
      %mul3A_115 = arith.constant 4 : i32
      %mul3A_116 = arith.muli %scan3A_65, %mul3A_115 : i32
      %add3A_117 = arith.constant 2 : i32
      %add3A_118 = arith.addi %mul3A_116, %add3A_117 : i32
      %dma_wait3A_119 = arith.constant 0 : i32
      %dma_wait3A_120 = tpu.memref_slice %arg8[%add3A_118, %dma_wait3A_119] : memref<164x128xi32, #tpu.memory_space<vmem>> -> memref<1x128xi32, #tpu.memory_space<vmem>>
      %dma_wait3A_121 = tpu.memref_squeeze %dma_wait3A_120 : memref<1x128xi32, #tpu.memory_space<vmem>> -> memref<128xi32, #tpu.memory_space<vmem>>
      %dma_wait3A_122 = arith.constant 0 : i32
      %dma_wait3A_123 = arith.constant 0 : i32
      %dma_wait3A_124 = tpu.memref_slice %arg2[%dma_wait3A_122, %dma_wait3A_123] : memref<20000x64xbf16, #tpu.memory_space<hbm>> -> memref<20000x64xbf16, #tpu.memory_space<hbm>>
      tpu.wait_indirect_dma semaphore(%arg16 : memref<!tpu.dma_semaphore, #tpu.memory_space<semaphore_mem>>) src(%dma_wait3A_124 : memref<20000x64xbf16, #tpu.memory_space<hbm>>) dst(%arg12 : memref<128x64xbf16, #tpu.memory_space<vmem>>)
      %dma_start3A_125 = arith.constant 0 : i32
      %dma_start3A_126 = tpu.memref_slice %arg9[%add3A_118, %dma_start3A_125] : memref<164x128xi32, #tpu.memory_space<vmem>> -> memref<1x128xi32, #tpu.memory_space<vmem>>
      %dma_start3A_127 = tpu.memref_squeeze %dma_start3A_126 : memref<1x128xi32, #tpu.memory_space<vmem>> -> memref<128xi32, #tpu.memory_space<vmem>>
      %dma_start3A_128 = arith.constant 0 : i32
      %dma_start3A_129 = arith.constant 0 : i32
      %dma_start3A_130 = tpu.memref_slice %arg7[%dma_start3A_128, %dma_start3A_129] : memref<10112x64xbf16, #tpu.memory_space<vmem_shared>> -> memref<10112x64xbf16, #tpu.memory_space<vmem_shared>>
      tpu.enqueue_indirect_dma source(%arg12 : memref<128x64xbf16, #tpu.memory_space<vmem>>) target(%dma_start3A_130 : memref<10112x64xbf16, #tpu.memory_space<vmem_shared>>) offsets(%dma_start3A_127 : memref<128xi32, #tpu.memory_space<vmem>>) semaphore(%arg20 : memref<!tpu.dma_semaphore, #tpu.memory_space<semaphore_mem>>) {add = true}
      %sub3A_131 = arith.constant 1 : i32
      %sub3A_132 = arith.subi %add3A_118, %sub3A_131 : i32
      %add3A_133 = arith.constant 4 : i32
      %add3A_134 = arith.addi %sub3A_132, %add3A_133 : i32
      %ge3A_135 = arith.constant 1 : i32
      %ge3A_136 = arith.cmpi sge, %add3A_118, %ge3A_135 : i32
      %lt3A_137 = arith.constant 164 : i32
      %lt3A_138 = arith.cmpi slt, %add3A_134, %lt3A_137 : i32
      %and3A_139 = arith.andi %ge3A_136, %lt3A_138 : i1
      %convert_element_type3A_140 = arith.extui %and3A_139 : i1 to i32
      %cond3A_141 = arith.constant 0 : i32
      %cond3A_142 = arith.cmpi ne, %convert_element_type3A_140, %cond3A_141 : i32
      scf.if %cond3A_142 {
        %dma_wait3A_171 = arith.constant 0 : i32
        %dma_wait3A_172 = arith.constant 0 : i32
        %dma_wait3A_173 = tpu.memref_slice %arg9[%dma_wait3A_171, %dma_wait3A_172] : memref<164x128xi32, #tpu.memory_space<vmem>> -> memref<1x128xi32, #tpu.memory_space<vmem>>
        %dma_wait3A_174 = tpu.memref_squeeze %dma_wait3A_173 : memref<1x128xi32, #tpu.memory_space<vmem>> -> memref<128xi32, #tpu.memory_space<vmem>>
        %dma_wait3A_175 = arith.constant 0 : i32
        %dma_wait3A_176 = arith.constant 0 : i32
        %dma_wait3A_177 = tpu.memref_slice %arg7[%dma_wait3A_175, %dma_wait3A_176] : memref<10112x64xbf16, #tpu.memory_space<vmem_shared>> -> memref<10112x64xbf16, #tpu.memory_space<vmem_shared>>
        tpu.wait_indirect_dma semaphore(%arg19 : memref<!tpu.dma_semaphore, #tpu.memory_space<semaphore_mem>>) src(%arg11 : memref<128x64xbf16, #tpu.memory_space<vmem>>) dst(%dma_wait3A_177 : memref<10112x64xbf16, #tpu.memory_space<vmem_shared>>)
        %dma_start3A_178 = arith.constant 0 : i32
        %dma_start3A_179 = tpu.memref_slice %arg8[%add3A_134, %dma_start3A_178] : memref<164x128xi32, #tpu.memory_space<vmem>> -> memref<1x128xi32, #tpu.memory_space<vmem>>
        %dma_start3A_180 = tpu.memref_squeeze %dma_start3A_179 : memref<1x128xi32, #tpu.memory_space<vmem>> -> memref<128xi32, #tpu.memory_space<vmem>>
        %dma_start3A_181 = arith.constant 0 : i32
        %dma_start3A_182 = arith.constant 0 : i32
        %dma_start3A_183 = tpu.memref_slice %arg2[%dma_start3A_181, %dma_start3A_182] : memref<20000x64xbf16, #tpu.memory_space<hbm>> -> memref<20000x64xbf16, #tpu.memory_space<hbm>>
        tpu.enqueue_indirect_dma source(%dma_start3A_183 : memref<20000x64xbf16, #tpu.memory_space<hbm>>) target(%arg11 : memref<128x64xbf16, #tpu.memory_space<vmem>>) offsets(%dma_start3A_180 : memref<128xi32, #tpu.memory_space<vmem>>) semaphore(%arg15 : memref<!tpu.dma_semaphore, #tpu.memory_space<semaphore_mem>>)
      } else {
      }
      %mul3A_143 = arith.constant 4 : i32
      %mul3A_144 = arith.muli %scan3A_65, %mul3A_143 : i32
      %add3A_145 = arith.constant 3 : i32
      %add3A_146 = arith.addi %mul3A_144, %add3A_145 : i32
      %dma_wait3A_147 = arith.constant 0 : i32
      %dma_wait3A_148 = tpu.memref_slice %arg8[%add3A_146, %dma_wait3A_147] : memref<164x128xi32, #tpu.memory_space<vmem>> -> memref<1x128xi32, #tpu.memory_space<vmem>>
      %dma_wait3A_149 = tpu.memref_squeeze %dma_wait3A_148 : memref<1x128xi32, #tpu.memory_space<vmem>> -> memref<128xi32, #tpu.memory_space<vmem>>
      %dma_wait3A_150 = arith.constant 0 : i32
      %dma_wait3A_151 = arith.constant 0 : i32
      %dma_wait3A_152 = tpu.memref_slice %arg2[%dma_wait3A_150, %dma_wait3A_151] : memref<20000x64xbf16, #tpu.memory_space<hbm>> -> memref<20000x64xbf16, #tpu.memory_space<hbm>>
      tpu.wait_indirect_dma semaphore(%arg17 : memref<!tpu.dma_semaphore, #tpu.memory_space<semaphore_mem>>) src(%dma_wait3A_152 : memref<20000x64xbf16, #tpu.memory_space<hbm>>) dst(%arg13 : memref<128x64xbf16, #tpu.memory_space<vmem>>)
      %dma_start3A_153 = arith.constant 0 : i32
      %dma_start3A_154 = tpu.memref_slice %arg9[%add3A_146, %dma_start3A_153] : memref<164x128xi32, #tpu.memory_space<vmem>> -> memref<1x128xi32, #tpu.memory_space<vmem>>
      %dma_start3A_155 = tpu.memref_squeeze %dma_start3A_154 : memref<1x128xi32, #tpu.memory_space<vmem>> -> memref<128xi32, #tpu.memory_space<vmem>>
      %dma_start3A_156 = arith.constant 0 : i32
      %dma_start3A_157 = arith.constant 0 : i32
      %dma_start3A_158 = tpu.memref_slice %arg7[%dma_start3A_156, %dma_start3A_157] : memref<10112x64xbf16, #tpu.memory_space<vmem_shared>> -> memref<10112x64xbf16, #tpu.memory_space<vmem_shared>>
      tpu.enqueue_indirect_dma source(%arg13 : memref<128x64xbf16, #tpu.memory_space<vmem>>) target(%dma_start3A_158 : memref<10112x64xbf16, #tpu.memory_space<vmem_shared>>) offsets(%dma_start3A_155 : memref<128xi32, #tpu.memory_space<vmem>>) semaphore(%arg21 : memref<!tpu.dma_semaphore, #tpu.memory_space<semaphore_mem>>) {add = true}
      %sub3A_159 = arith.constant 1 : i32
      %sub3A_160 = arith.subi %add3A_146, %sub3A_159 : i32
      %add3A_161 = arith.constant 4 : i32
      %add3A_162 = arith.addi %sub3A_160, %add3A_161 : i32
      %ge3A_163 = arith.constant 1 : i32
      %ge3A_164 = arith.cmpi sge, %add3A_146, %ge3A_163 : i32
      %lt3A_165 = arith.constant 164 : i32
      %lt3A_166 = arith.cmpi slt, %add3A_162, %lt3A_165 : i32
      %and3A_167 = arith.andi %ge3A_164, %lt3A_166 : i1
      %convert_element_type3A_168 = arith.extui %and3A_167 : i1 to i32
      %cond3A_169 = arith.constant 0 : i32
      %cond3A_170 = arith.cmpi ne, %convert_element_type3A_168, %cond3A_169 : i32
      scf.if %cond3A_170 {
        %dma_wait3A_171 = arith.constant 0 : i32
        %dma_wait3A_172 = arith.constant 0 : i32
        %dma_wait3A_173 = tpu.memref_slice %arg9[%dma_wait3A_171, %dma_wait3A_172] : memref<164x128xi32, #tpu.memory_space<vmem>> -> memref<1x128xi32, #tpu.memory_space<vmem>>
        %dma_wait3A_174 = tpu.memref_squeeze %dma_wait3A_173 : memref<1x128xi32, #tpu.memory_space<vmem>> -> memref<128xi32, #tpu.memory_space<vmem>>
        %dma_wait3A_175 = arith.constant 0 : i32
        %dma_wait3A_176 = arith.constant 0 : i32
        %dma_wait3A_177 = tpu.memref_slice %arg7[%dma_wait3A_175, %dma_wait3A_176] : memref<10112x64xbf16, #tpu.memory_space<vmem_shared>> -> memref<10112x64xbf16, #tpu.memory_space<vmem_shared>>
        tpu.wait_indirect_dma semaphore(%arg20 : memref<!tpu.dma_semaphore, #tpu.memory_space<semaphore_mem>>) src(%arg12 : memref<128x64xbf16, #tpu.memory_space<vmem>>) dst(%dma_wait3A_177 : memref<10112x64xbf16, #tpu.memory_space<vmem_shared>>)
        %dma_start3A_178 = arith.constant 0 : i32
        %dma_start3A_179 = tpu.memref_slice %arg8[%add3A_162, %dma_start3A_178] : memref<164x128xi32, #tpu.memory_space<vmem>> -> memref<1x128xi32, #tpu.memory_space<vmem>>
        %dma_start3A_180 = tpu.memref_squeeze %dma_start3A_179 : memref<1x128xi32, #tpu.memory_space<vmem>> -> memref<128xi32, #tpu.memory_space<vmem>>
        %dma_start3A_181 = arith.constant 0 : i32
        %dma_start3A_182 = arith.constant 0 : i32
        %dma_start3A_183 = tpu.memref_slice %arg2[%dma_start3A_181, %dma_start3A_182] : memref<20000x64xbf16, #tpu.memory_space<hbm>> -> memref<20000x64xbf16, #tpu.memory_space<hbm>>
        tpu.enqueue_indirect_dma source(%dma_start3A_183 : memref<20000x64xbf16, #tpu.memory_space<hbm>>) target(%arg12 : memref<128x64xbf16, #tpu.memory_space<vmem>>) offsets(%dma_start3A_180 : memref<128xi32, #tpu.memory_space<vmem>>) semaphore(%arg16 : memref<!tpu.dma_semaphore, #tpu.memory_space<semaphore_mem>>)
      } else {
      }
    }
    %scan3A_32 = arith.constant 41 : i32
    %dma_wait3A = arith.constant 0 : i32
    %dma_wait3A_33 = arith.constant 0 : i32
    %dma_wait3A_34 = tpu.memref_slice %arg9[%dma_wait3A, %dma_wait3A_33] : memref<164x128xi32, #tpu.memory_space<vmem>> -> memref<1x128xi32, #tpu.memory_space<vmem>>
    %dma_wait3A_35 = tpu.memref_squeeze %dma_wait3A_34 : memref<1x128xi32, #tpu.memory_space<vmem>> -> memref<128xi32, #tpu.memory_space<vmem>>
    %dma_wait3A_36 = arith.constant 0 : i32
    %dma_wait3A_37 = arith.constant 0 : i32
    %dma_wait3A_38 = tpu.memref_slice %arg7[%dma_wait3A_36, %dma_wait3A_37] : memref<10112x64xbf16, #tpu.memory_space<vmem_shared>> -> memref<10112x64xbf16, #tpu.memory_space<vmem_shared>>
    tpu.wait_indirect_dma semaphore(%arg18 : memref<!tpu.dma_semaphore, #tpu.memory_space<semaphore_mem>>) src(%arg10 : memref<128x64xbf16, #tpu.memory_space<vmem>>) dst(%dma_wait3A_38 : memref<10112x64xbf16, #tpu.memory_space<vmem_shared>>)
    %dma_wait3A_39 = arith.constant 0 : i32
    %dma_wait3A_40 = arith.constant 0 : i32
    %dma_wait3A_41 = tpu.memref_slice %arg9[%dma_wait3A_39, %dma_wait3A_40] : memref<164x128xi32, #tpu.memory_space<vmem>> -> memref<1x128xi32, #tpu.memory_space<vmem>>
    %dma_wait3A_42 = tpu.memref_squeeze %dma_wait3A_41 : memref<1x128xi32, #tpu.memory_space<vmem>> -> memref<128xi32, #tpu.memory_space<vmem>>
    %dma_wait3A_43 = arith.constant 0 : i32
    %dma_wait3A_44 = arith.constant 0 : i32
    %dma_wait3A_45 = tpu.memref_slice %arg7[%dma_wait3A_43, %dma_wait3A_44] : memref<10112x64xbf16, #tpu.memory_space<vmem_shared>> -> memref<10112x64xbf16, #tpu.memory_space<vmem_shared>>
    tpu.wait_indirect_dma semaphore(%arg19 : memref<!tpu.dma_semaphore, #tpu.memory_space<semaphore_mem>>) src(%arg11 : memref<128x64xbf16, #tpu.memory_space<vmem>>) dst(%dma_wait3A_45 : memref<10112x64xbf16, #tpu.memory_space<vmem_shared>>)
    %dma_wait3A_46 = arith.constant 0 : i32
    %dma_wait3A_47 = arith.constant 0 : i32
    %dma_wait3A_48 = tpu.memref_slice %arg9[%dma_wait3A_46, %dma_wait3A_47] : memref<164x128xi32, #tpu.memory_space<vmem>> -> memref<1x128xi32, #tpu.memory_space<vmem>>
    %dma_wait3A_49 = tpu.memref_squeeze %dma_wait3A_48 : memref<1x128xi32, #tpu.memory_space<vmem>> -> memref<128xi32, #tpu.memory_space<vmem>>
    %dma_wait3A_50 = arith.constant 0 : i32
    %dma_wait3A_51 = arith.constant 0 : i32
    %dma_wait3A_52 = tpu.memref_slice %arg7[%dma_wait3A_50, %dma_wait3A_51] : memref<10112x64xbf16, #tpu.memory_space<vmem_shared>> -> memref<10112x64xbf16, #tpu.memory_space<vmem_shared>>
    tpu.wait_indirect_dma semaphore(%arg20 : memref<!tpu.dma_semaphore, #tpu.memory_space<semaphore_mem>>) src(%arg12 : memref<128x64xbf16, #tpu.memory_space<vmem>>) dst(%dma_wait3A_52 : memref<10112x64xbf16, #tpu.memory_space<vmem_shared>>)
    %dma_wait3A_53 = arith.constant 0 : i32
    %dma_wait3A_54 = arith.constant 0 : i32
    %dma_wait3A_55 = tpu.memref_slice %arg9[%dma_wait3A_53, %dma_wait3A_54] : memref<164x128xi32, #tpu.memory_space<vmem>> -> memref<1x128xi32, #tpu.memory_space<vmem>>
    %dma_wait3A_56 = tpu.memref_squeeze %dma_wait3A_55 : memref<1x128xi32, #tpu.memory_space<vmem>> -> memref<128xi32, #tpu.memory_space<vmem>>
    %dma_wait3A_57 = arith.constant 0 : i32
    %dma_wait3A_58 = arith.constant 0 : i32
    %dma_wait3A_59 = tpu.memref_slice %arg7[%dma_wait3A_57, %dma_wait3A_58] : memref<10112x64xbf16, #tpu.memory_space<vmem_shared>> -> memref<10112x64xbf16, #tpu.memory_space<vmem_shared>>
    tpu.wait_indirect_dma semaphore(%arg21 : memref<!tpu.dma_semaphore, #tpu.memory_space<semaphore_mem>>) src(%arg13 : memref<128x64xbf16, #tpu.memory_space<vmem>>) dst(%dma_wait3A_59 : memref<10112x64xbf16, #tpu.memory_space<vmem_shared>>)
    %barrier3A_60 = arith.constant 0 : index
    tpu.barrier barrier_id(%barrier3A_60)
    %mul3A_61 = arith.constant 632 : i32
    %mul3A_62 = arith.muli %arg1, %mul3A_61 : i32
    %mul3A_63 = arith.constant 632 : i32
    %mul3A_64 = arith.muli %arg1, %mul3A_63 : i32
    "tpu.region"() ({
      %run_scoped3A = tpu.sem_alloc : memref<!tpu.dma_semaphore, #tpu.memory_space<semaphore_mem>>
      %dma_start3A_65 = arith.constant 0 : i32
      %dma_start3A_66 = tpu.memref_slice %arg6[%arg0, %mul3A_64, %dma_start3A_65] : memref<2x10112x64xbf16, #tpu.memory_space<hbm>> -> memref<1x632x64xbf16, #tpu.memory_space<hbm>>
      %dma_start3A_67 = tpu.memref_squeeze %dma_start3A_66 : memref<1x632x64xbf16, #tpu.memory_space<hbm>> -> memref<632x64xbf16, #tpu.memory_space<hbm>>
      %dma_start3A_68 = arith.constant 0 : i32
      %dma_start3A_69 = tpu.memref_slice %arg7[%mul3A_62, %dma_start3A_68] : memref<10112x64xbf16, #tpu.memory_space<vmem_shared>> -> memref<632x64xbf16, #tpu.memory_space<vmem_shared>>
      tpu.enqueue_dma source(%dma_start3A_69 : memref<632x64xbf16, #tpu.memory_space<vmem_shared>>) target(%dma_start3A_67 : memref<632x64xbf16, #tpu.memory_space<hbm>>) target_semaphore(%run_scoped3A : memref<!tpu.dma_semaphore, #tpu.memory_space<semaphore_mem>>)
      %dma_wait3A_70 = arith.constant 0 : i32
      %dma_wait3A_71 = tpu.memref_slice %arg6[%arg0, %mul3A_64, %dma_wait3A_70] : memref<2x10112x64xbf16, #tpu.memory_space<hbm>> -> memref<1x632x64xbf16, #tpu.memory_space<hbm>>
      %dma_wait3A_72 = tpu.memref_squeeze %dma_wait3A_71 : memref<1x632x64xbf16, #tpu.memory_space<hbm>> -> memref<632x64xbf16, #tpu.memory_space<hbm>>
      %dma_wait3A_73 = arith.constant 0 : i32
      %dma_wait3A_74 = tpu.memref_slice %arg7[%mul3A_62, %dma_wait3A_73] : memref<10112x64xbf16, #tpu.memory_space<vmem_shared>> -> memref<632x64xbf16, #tpu.memory_space<vmem_shared>>
      tpu.wait_dma2 semaphore(%run_scoped3A : memref<!tpu.dma_semaphore, #tpu.memory_space<semaphore_mem>>) src(%dma_wait3A_74 : memref<632x64xbf16, #tpu.memory_space<vmem_shared>>) dst(%dma_wait3A_72 : memref<632x64xbf16, #tpu.memory_space<hbm>>)
      tpu.yield
    }) : () -> ()
    return
  }
}

#map = affine_map<(d0, d1) -> (0, 0, 0)>
#map1 = affine_map<(d0, d1) -> (0)>
#map2 = affine_map<(d0, d1) -> (0, 0)>
module attributes {stable_mosaic.version = 14 : i64} {
  func.func @_deg_kernel(%arg0: i32, %arg1: i32, %arg2: memref<32x82x128xi32, #tpu.memory_space<hbm>>, %arg3: memref<640xf32, #tpu.memory_space<hbm>>, %arg4: memref<2x10240xf32, #tpu.memory_space<hbm>>, %arg5: memref<10240xf32, #tpu.memory_space<vmem_shared>>, %arg6: memref<82x128xi32, #tpu.memory_space<vmem>>, %arg7: memref<128xf32, #tpu.memory_space<vmem>>) attributes {dimension_semantics = [#tpu.dimension_semantics<core_parallel>, #tpu.dimension_semantics<subcore_parallel>], iteration_bounds = array<i64: 2, 16>, scalar_prefetch = 0 : i64, scratch_operands = 3 : i64, tpu.core_type = #tpu.core_type<sc_vector_subcore>, window_params = [{transform_indices = #map}, {transform_indices = #map1}, {transform_indices = #map2}]} {
    %mul3A = arith.constant 16 : i32
    %mul3A_0 = arith.muli %arg0, %mul3A : i32
    %add3A = arith.addi %mul3A_0, %arg1 : i32
    %mul3A_1 = arith.constant 640 : i32
    %mul3A_2 = arith.muli %arg1, %mul3A_1 : i32
    "tpu.region"() ({
      %run_scoped3A = tpu.sem_alloc : memref<!tpu.dma_semaphore, #tpu.memory_space<semaphore_mem>>
      %dma_start3A = tpu.memref_slice %arg5[%mul3A_2] : memref<10240xf32, #tpu.memory_space<vmem_shared>> -> memref<640xf32, #tpu.memory_space<vmem_shared>>
      tpu.enqueue_dma source(%arg3 : memref<640xf32, #tpu.memory_space<hbm>>) target(%dma_start3A : memref<640xf32, #tpu.memory_space<vmem_shared>>) target_semaphore(%run_scoped3A : memref<!tpu.dma_semaphore, #tpu.memory_space<semaphore_mem>>)
      %dma_wait3A = tpu.memref_slice %arg5[%mul3A_2] : memref<10240xf32, #tpu.memory_space<vmem_shared>> -> memref<640xf32, #tpu.memory_space<vmem_shared>>
      tpu.wait_dma2 semaphore(%run_scoped3A : memref<!tpu.dma_semaphore, #tpu.memory_space<semaphore_mem>>) src(%arg3 : memref<640xf32, #tpu.memory_space<hbm>>) dst(%dma_wait3A : memref<640xf32, #tpu.memory_space<vmem_shared>>)
      tpu.yield
    }) : () -> ()
    "tpu.region"() ({
      %run_scoped3A = tpu.sem_alloc : memref<!tpu.dma_semaphore, #tpu.memory_space<semaphore_mem>>
      %dma_start3A = arith.constant 0 : i32
      %dma_start3A_59 = arith.constant 0 : i32
      %dma_start3A_60 = tpu.memref_slice %arg2[%add3A, %dma_start3A, %dma_start3A_59] : memref<32x82x128xi32, #tpu.memory_space<hbm>> -> memref<1x82x128xi32, #tpu.memory_space<hbm>>
      %dma_start3A_61 = tpu.memref_squeeze %dma_start3A_60 : memref<1x82x128xi32, #tpu.memory_space<hbm>> -> memref<82x128xi32, #tpu.memory_space<hbm>>
      %dma_start3A_62 = arith.constant 0 : i32
      %dma_start3A_63 = arith.constant 0 : i32
      %dma_start3A_64 = tpu.memref_slice %arg2[%add3A, %dma_start3A_62, %dma_start3A_63] : memref<32x82x128xi32, #tpu.memory_space<hbm>> -> memref<1x82x128xi32, #tpu.memory_space<hbm>>
      %dma_start3A_65 = tpu.memref_squeeze %dma_start3A_64 : memref<1x82x128xi32, #tpu.memory_space<hbm>> -> memref<82x128xi32, #tpu.memory_space<hbm>>
      tpu.enqueue_dma source(%dma_start3A_65 : memref<82x128xi32, #tpu.memory_space<hbm>>) target(%arg6 : memref<82x128xi32, #tpu.memory_space<vmem>>) target_semaphore(%run_scoped3A : memref<!tpu.dma_semaphore, #tpu.memory_space<semaphore_mem>>)
      %dma_wait3A = arith.constant 0 : i32
      %dma_wait3A_66 = arith.constant 0 : i32
      %dma_wait3A_67 = tpu.memref_slice %arg2[%add3A, %dma_wait3A, %dma_wait3A_66] : memref<32x82x128xi32, #tpu.memory_space<hbm>> -> memref<1x82x128xi32, #tpu.memory_space<hbm>>
      %dma_wait3A_68 = tpu.memref_squeeze %dma_wait3A_67 : memref<1x82x128xi32, #tpu.memory_space<hbm>> -> memref<82x128xi32, #tpu.memory_space<hbm>>
      %dma_wait3A_69 = arith.constant 0 : i32
      %dma_wait3A_70 = arith.constant 0 : i32
      %dma_wait3A_71 = tpu.memref_slice %arg2[%add3A, %dma_wait3A_69, %dma_wait3A_70] : memref<32x82x128xi32, #tpu.memory_space<hbm>> -> memref<1x82x128xi32, #tpu.memory_space<hbm>>
      %dma_wait3A_72 = tpu.memref_squeeze %dma_wait3A_71 : memref<1x82x128xi32, #tpu.memory_space<hbm>> -> memref<82x128xi32, #tpu.memory_space<hbm>>
      tpu.wait_dma2 semaphore(%run_scoped3A : memref<!tpu.dma_semaphore, #tpu.memory_space<semaphore_mem>>) src(%dma_wait3A_72 : memref<82x128xi32, #tpu.memory_space<hbm>>) dst(%arg6 : memref<82x128xi32, #tpu.memory_space<vmem>>)
      tpu.yield
    }) : () -> ()
    %broadcast_in_dim3A = arith.constant 1.000000e+00 : f32
    %broadcast_in_dim3A_3 = vector.broadcast %broadcast_in_dim3A : f32 to vector<16xf32>
    %swap3A = arith.constant 0 : index
    %swap3A_4 = tpu.vector_load %arg7[%swap3A] {strides = array<i32>} : memref<128xf32, #tpu.memory_space<vmem>>, vector<16xf32>,
    %swap3A_5 = vector.shape_cast %swap3A_4 : vector<16xf32> to vector<16xf32>
    %swap3A_6 = vector.shape_cast %broadcast_in_dim3A_3 : vector<16xf32> to vector<16xf32>
    tpu.vector_store %arg7[%swap3A], %swap3A_6 {strides = array<i32>} : memref<128xf32, #tpu.memory_space<vmem>>, vector<16xf32>,
    %broadcast_in_dim3A_7 = arith.constant 1.000000e+00 : f32
    %broadcast_in_dim3A_8 = vector.broadcast %broadcast_in_dim3A_7 : f32 to vector<16xf32>
    %swap3A_9 = arith.constant 16 : index
    %swap3A_10 = tpu.vector_load %arg7[%swap3A_9] {strides = array<i32>} : memref<128xf32, #tpu.memory_space<vmem>>, vector<16xf32>,
    %swap3A_11 = vector.shape_cast %swap3A_10 : vector<16xf32> to vector<16xf32>
    %swap3A_12 = vector.shape_cast %broadcast_in_dim3A_8 : vector<16xf32> to vector<16xf32>
    tpu.vector_store %arg7[%swap3A_9], %swap3A_12 {strides = array<i32>} : memref<128xf32, #tpu.memory_space<vmem>>, vector<16xf32>,
    %broadcast_in_dim3A_13 = arith.constant 1.000000e+00 : f32
    %broadcast_in_dim3A_14 = vector.broadcast %broadcast_in_dim3A_13 : f32 to vector<16xf32>
    %swap3A_15 = arith.constant 32 : index
    %swap3A_16 = tpu.vector_load %arg7[%swap3A_15] {strides = array<i32>} : memref<128xf32, #tpu.memory_space<vmem>>, vector<16xf32>,
    %swap3A_17 = vector.shape_cast %swap3A_16 : vector<16xf32> to vector<16xf32>
    %swap3A_18 = vector.shape_cast %broadcast_in_dim3A_14 : vector<16xf32> to vector<16xf32>
    tpu.vector_store %arg7[%swap3A_15], %swap3A_18 {strides = array<i32>} : memref<128xf32, #tpu.memory_space<vmem>>, vector<16xf32>,
    %broadcast_in_dim3A_19 = arith.constant 1.000000e+00 : f32
    %broadcast_in_dim3A_20 = vector.broadcast %broadcast_in_dim3A_19 : f32 to vector<16xf32>
    %swap3A_21 = arith.constant 48 : index
    %swap3A_22 = tpu.vector_load %arg7[%swap3A_21] {strides = array<i32>} : memref<128xf32, #tpu.memory_space<vmem>>, vector<16xf32>,
    %swap3A_23 = vector.shape_cast %swap3A_22 : vector<16xf32> to vector<16xf32>
    %swap3A_24 = vector.shape_cast %broadcast_in_dim3A_20 : vector<16xf32> to vector<16xf32>
    tpu.vector_store %arg7[%swap3A_21], %swap3A_24 {strides = array<i32>} : memref<128xf32, #tpu.memory_space<vmem>>, vector<16xf32>,
    %broadcast_in_dim3A_25 = arith.constant 1.000000e+00 : f32
    %broadcast_in_dim3A_26 = vector.broadcast %broadcast_in_dim3A_25 : f32 to vector<16xf32>
    %swap3A_27 = arith.constant 64 : index
    %swap3A_28 = tpu.vector_load %arg7[%swap3A_27] {strides = array<i32>} : memref<128xf32, #tpu.memory_space<vmem>>, vector<16xf32>,
    %swap3A_29 = vector.shape_cast %swap3A_28 : vector<16xf32> to vector<16xf32>
    %swap3A_30 = vector.shape_cast %broadcast_in_dim3A_26 : vector<16xf32> to vector<16xf32>
    tpu.vector_store %arg7[%swap3A_27], %swap3A_30 {strides = array<i32>} : memref<128xf32, #tpu.memory_space<vmem>>, vector<16xf32>,
    %broadcast_in_dim3A_31 = arith.constant 1.000000e+00 : f32
    %broadcast_in_dim3A_32 = vector.broadcast %broadcast_in_dim3A_31 : f32 to vector<16xf32>
    %swap3A_33 = arith.constant 80 : index
    %swap3A_34 = tpu.vector_load %arg7[%swap3A_33] {strides = array<i32>} : memref<128xf32, #tpu.memory_space<vmem>>, vector<16xf32>,
    %swap3A_35 = vector.shape_cast %swap3A_34 : vector<16xf32> to vector<16xf32>
    %swap3A_36 = vector.shape_cast %broadcast_in_dim3A_32 : vector<16xf32> to vector<16xf32>
    tpu.vector_store %arg7[%swap3A_33], %swap3A_36 {strides = array<i32>} : memref<128xf32, #tpu.memory_space<vmem>>, vector<16xf32>,
    %broadcast_in_dim3A_37 = arith.constant 1.000000e+00 : f32
    %broadcast_in_dim3A_38 = vector.broadcast %broadcast_in_dim3A_37 : f32 to vector<16xf32>
    %swap3A_39 = arith.constant 96 : index
    %swap3A_40 = tpu.vector_load %arg7[%swap3A_39] {strides = array<i32>} : memref<128xf32, #tpu.memory_space<vmem>>, vector<16xf32>,
    %swap3A_41 = vector.shape_cast %swap3A_40 : vector<16xf32> to vector<16xf32>
    %swap3A_42 = vector.shape_cast %broadcast_in_dim3A_38 : vector<16xf32> to vector<16xf32>
    tpu.vector_store %arg7[%swap3A_39], %swap3A_42 {strides = array<i32>} : memref<128xf32, #tpu.memory_space<vmem>>, vector<16xf32>,
    %broadcast_in_dim3A_43 = arith.constant 1.000000e+00 : f32
    %broadcast_in_dim3A_44 = vector.broadcast %broadcast_in_dim3A_43 : f32 to vector<16xf32>
    %swap3A_45 = arith.constant 112 : index
    %swap3A_46 = tpu.vector_load %arg7[%swap3A_45] {strides = array<i32>} : memref<128xf32, #tpu.memory_space<vmem>>, vector<16xf32>,
    %swap3A_47 = vector.shape_cast %swap3A_46 : vector<16xf32> to vector<16xf32>
    %swap3A_48 = vector.shape_cast %broadcast_in_dim3A_44 : vector<16xf32> to vector<16xf32>
    tpu.vector_store %arg7[%swap3A_45], %swap3A_48 {strides = array<i32>} : memref<128xf32, #tpu.memory_space<vmem>>, vector<16xf32>,
    %barrier3A = arith.constant 0 : index
    tpu.barrier barrier_id(%barrier3A)
    %scan3A = arith.constant 0 : i32
    %scan3A_49 = arith.constant 0 : i32
    %scan3A_50 = arith.constant 82 : i32
    %scan3A_51 = arith.addi %scan3A_49, %scan3A_50 : i32
    %scan3A_52 = arith.constant 1 : i32
    scf.for %scan3A_59 = %scan3A_49 to %scan3A_51 step %scan3A_52  : i32 {
      "tpu.region"() ({
        %run_scoped3A = tpu.sem_alloc : memref<!tpu.dma_semaphore, #tpu.memory_space<semaphore_mem>>
        %dma_start3A = arith.constant 0 : i32
        %dma_start3A_60 = tpu.memref_slice %arg6[%scan3A_59, %dma_start3A] : memref<82x128xi32, #tpu.memory_space<vmem>> -> memref<1x128xi32, #tpu.memory_space<vmem>>
        %dma_start3A_61 = tpu.memref_squeeze %dma_start3A_60 : memref<1x128xi32, #tpu.memory_space<vmem>> -> memref<128xi32, #tpu.memory_space<vmem>>
        %dma_start3A_62 = arith.constant 0 : i32
        %dma_start3A_63 = tpu.memref_slice %arg5[%dma_start3A_62] : memref<10240xf32, #tpu.memory_space<vmem_shared>> -> memref<10240xf32, #tpu.memory_space<vmem_shared>>
        tpu.enqueue_indirect_dma source(%arg7 : memref<128xf32, #tpu.memory_space<vmem>>) target(%dma_start3A_63 : memref<10240xf32, #tpu.memory_space<vmem_shared>>) offsets(%dma_start3A_61 : memref<128xi32, #tpu.memory_space<vmem>>) semaphore(%run_scoped3A : memref<!tpu.dma_semaphore, #tpu.memory_space<semaphore_mem>>) {add = true}
        %dma_wait3A = arith.constant 0 : i32
        %dma_wait3A_64 = tpu.memref_slice %arg6[%scan3A_59, %dma_wait3A] : memref<82x128xi32, #tpu.memory_space<vmem>> -> memref<1x128xi32, #tpu.memory_space<vmem>>
        %dma_wait3A_65 = tpu.memref_squeeze %dma_wait3A_64 : memref<1x128xi32, #tpu.memory_space<vmem>> -> memref<128xi32, #tpu.memory_space<vmem>>
        %dma_wait3A_66 = arith.constant 0 : i32
        %dma_wait3A_67 = tpu.memref_slice %arg5[%dma_wait3A_66] : memref<10240xf32, #tpu.memory_space<vmem_shared>> -> memref<10240xf32, #tpu.memory_space<vmem_shared>>
        tpu.wait_indirect_dma semaphore(%run_scoped3A : memref<!tpu.dma_semaphore, #tpu.memory_space<semaphore_mem>>) src(%arg7 : memref<128xf32, #tpu.memory_space<vmem>>) dst(%dma_wait3A_67 : memref<10240xf32, #tpu.memory_space<vmem_shared>>)
        tpu.yield
      }) : () -> ()
    }
    %scan3A_53 = arith.constant 82 : i32
    %barrier3A_54 = arith.constant 0 : index
    tpu.barrier barrier_id(%barrier3A_54)
    %mul3A_55 = arith.constant 640 : i32
    %mul3A_56 = arith.muli %arg1, %mul3A_55 : i32
    %mul3A_57 = arith.constant 640 : i32
    %mul3A_58 = arith.muli %arg1, %mul3A_57 : i32
    "tpu.region"() ({
      %run_scoped3A = tpu.sem_alloc : memref<!tpu.dma_semaphore, #tpu.memory_space<semaphore_mem>>
      %dma_start3A = tpu.memref_slice %arg4[%arg0, %mul3A_58] : memref<2x10240xf32, #tpu.memory_space<hbm>> -> memref<1x640xf32, #tpu.memory_space<hbm>>
      %dma_start3A_59 = tpu.memref_squeeze %dma_start3A : memref<1x640xf32, #tpu.memory_space<hbm>> -> memref<640xf32, #tpu.memory_space<hbm>>
      %dma_start3A_60 = tpu.memref_slice %arg5[%mul3A_56] : memref<10240xf32, #tpu.memory_space<vmem_shared>> -> memref<640xf32, #tpu.memory_space<vmem_shared>>
      tpu.enqueue_dma source(%dma_start3A_60 : memref<640xf32, #tpu.memory_space<vmem_shared>>) target(%dma_start3A_59 : memref<640xf32, #tpu.memory_space<hbm>>) target_semaphore(%run_scoped3A : memref<!tpu.dma_semaphore, #tpu.memory_space<semaphore_mem>>)
      %dma_wait3A = tpu.memref_slice %arg4[%arg0, %mul3A_58] : memref<2x10240xf32, #tpu.memory_space<hbm>> -> memref<1x640xf32, #tpu.memory_space<hbm>>
      %dma_wait3A_61 = tpu.memref_squeeze %dma_wait3A : memref<1x640xf32, #tpu.memory_space<hbm>> -> memref<640xf32, #tpu.memory_space<hbm>>
      %dma_wait3A_62 = tpu.memref_slice %arg5[%mul3A_56] : memref<10240xf32, #tpu.memory_space<vmem_shared>> -> memref<640xf32, #tpu.memory_space<vmem_shared>>
      tpu.wait_dma2 semaphore(%run_scoped3A : memref<!tpu.dma_semaphore, #tpu.memory_space<semaphore_mem>>) src(%dma_wait3A_62 : memref<640xf32, #tpu.memory_space<vmem_shared>>) dst(%dma_wait3A_61 : memref<640xf32, #tpu.memory_space<hbm>>)
      tpu.yield
    }) : () -> ()
    return
  }
}

#map = affine_map<(d0, d1) -> (0, 0)>
#map1 = affine_map<(d0, d1) -> (0, 0, 0, 0)>
#map2 = affine_map<(d0, d1) -> (0, 0, 0)>
module attributes {stable_mosaic.version = 14 : i64} {
  func.func @_scatter_kernel(%arg0: i32, %arg1: i32, %arg2: memref<20000x64xbf16, #tpu.memory_space<hbm>>, %arg3: memref<2x16x164x128xi32, #tpu.memory_space<hbm>>, %arg4: memref<16x164x128xi32, #tpu.memory_space<hbm>>, %arg5: memref<632x64xbf16, #tpu.memory_space<hbm>>, %arg6: memref<2x10112x64xbf16, #tpu.memory_space<hbm>>, %arg7: memref<10112x64xbf16, #tpu.memory_space<vmem_shared>>, %arg8: memref<164x128xi32, #tpu.memory_space<vmem>>, %arg9: memref<164x128xi32, #tpu.memory_space<vmem>>, %arg10: memref<128x64xbf16, #tpu.memory_space<vmem>>, %arg11: memref<128x64xbf16, #tpu.memory_space<vmem>>, %arg12: memref<128x64xbf16, #tpu.memory_space<vmem>>, %arg13: memref<128x64xbf16, #tpu.memory_space<vmem>>, %arg14: memref<!tpu.dma_semaphore, #tpu.memory_space<semaphore_mem>>, %arg15: memref<!tpu.dma_semaphore, #tpu.memory_space<semaphore_mem>>, %arg16: memref<!tpu.dma_semaphore, #tpu.memory_space<semaphore_mem>>, %arg17: memref<!tpu.dma_semaphore, #tpu.memory_space<semaphore_mem>>, %arg18: memref<!tpu.dma_semaphore, #tpu.memory_space<semaphore_mem>>, %arg19: memref<!tpu.dma_semaphore, #tpu.memory_space<semaphore_mem>>, %arg20: memref<!tpu.dma_semaphore, #tpu.memory_space<semaphore_mem>>, %arg21: memref<!tpu.dma_semaphore, #tpu.memory_space<semaphore_mem>>) attributes {dimension_semantics = [#tpu.dimension_semantics<core_parallel>, #tpu.dimension_semantics<subcore_parallel>], iteration_bounds = array<i64: 2, 16>, scalar_prefetch = 0 : i64, scratch_operands = 15 : i64, tpu.core_type = #tpu.core_type<sc_vector_subcore>, window_params = [{transform_indices = #map}, {transform_indices = #map1}, {transform_indices = #map2}, {transform_indices = #map}, {transform_indices = #map2}]} {
    "tpu.region"() ({
      %run_scoped3A = tpu.sem_alloc : memref<!tpu.dma_semaphore, #tpu.memory_space<semaphore_mem>>
      %dma_start3A_65 = arith.constant 0 : i32
      %dma_start3A_66 = arith.constant 0 : i32
      %dma_start3A_67 = tpu.memref_slice %arg3[%arg0, %arg1, %dma_start3A_65, %dma_start3A_66] : memref<2x16x164x128xi32, #tpu.memory_space<hbm>> -> memref<1x1x164x128xi32, #tpu.memory_space<hbm>>
      %dma_start3A_68 = tpu.memref_squeeze %dma_start3A_67 : memref<1x1x164x128xi32, #tpu.memory_space<hbm>> -> memref<164x128xi32, #tpu.memory_space<hbm>>
      %dma_start3A_69 = arith.constant 0 : i32
      %dma_start3A_70 = arith.constant 0 : i32
      %dma_start3A_71 = tpu.memref_slice %arg3[%arg0, %arg1, %dma_start3A_69, %dma_start3A_70] : memref<2x16x164x128xi32, #tpu.memory_space<hbm>> -> memref<1x1x164x128xi32, #tpu.memory_space<hbm>>
      %dma_start3A_72 = tpu.memref_squeeze %dma_start3A_71 : memref<1x1x164x128xi32, #tpu.memory_space<hbm>> -> memref<164x128xi32, #tpu.memory_space<hbm>>
      tpu.enqueue_dma source(%dma_start3A_72 : memref<164x128xi32, #tpu.memory_space<hbm>>) target(%arg8 : memref<164x128xi32, #tpu.memory_space<vmem>>) target_semaphore(%run_scoped3A : memref<!tpu.dma_semaphore, #tpu.memory_space<semaphore_mem>>)
      %dma_wait3A_73 = arith.constant 0 : i32
      %dma_wait3A_74 = arith.constant 0 : i32
      %dma_wait3A_75 = tpu.memref_slice %arg3[%arg0, %arg1, %dma_wait3A_73, %dma_wait3A_74] : memref<2x16x164x128xi32, #tpu.memory_space<hbm>> -> memref<1x1x164x128xi32, #tpu.memory_space<hbm>>
      %dma_wait3A_76 = tpu.memref_squeeze %dma_wait3A_75 : memref<1x1x164x128xi32, #tpu.memory_space<hbm>> -> memref<164x128xi32, #tpu.memory_space<hbm>>
      %dma_wait3A_77 = arith.constant 0 : i32
      %dma_wait3A_78 = arith.constant 0 : i32
      %dma_wait3A_79 = tpu.memref_slice %arg3[%arg0, %arg1, %dma_wait3A_77, %dma_wait3A_78] : memref<2x16x164x128xi32, #tpu.memory_space<hbm>> -> memref<1x1x164x128xi32, #tpu.memory_space<hbm>>
      %dma_wait3A_80 = tpu.memref_squeeze %dma_wait3A_79 : memref<1x1x164x128xi32, #tpu.memory_space<hbm>> -> memref<164x128xi32, #tpu.memory_space<hbm>>
      tpu.wait_dma2 semaphore(%run_scoped3A : memref<!tpu.dma_semaphore, #tpu.memory_space<semaphore_mem>>) src(%dma_wait3A_80 : memref<164x128xi32, #tpu.memory_space<hbm>>) dst(%arg8 : memref<164x128xi32, #tpu.memory_space<vmem>>)
      tpu.yield
    }) : () -> ()
    "tpu.region"() ({
      %run_scoped3A = tpu.sem_alloc : memref<!tpu.dma_semaphore, #tpu.memory_space<semaphore_mem>>
      %dma_start3A_65 = arith.constant 0 : i32
      %dma_start3A_66 = arith.constant 0 : i32
      %dma_start3A_67 = tpu.memref_slice %arg4[%arg1, %dma_start3A_65, %dma_start3A_66] : memref<16x164x128xi32, #tpu.memory_space<hbm>> -> memref<1x164x128xi32, #tpu.memory_space<hbm>>
      %dma_start3A_68 = tpu.memref_squeeze %dma_start3A_67 : memref<1x164x128xi32, #tpu.memory_space<hbm>> -> memref<164x128xi32, #tpu.memory_space<hbm>>
      %dma_start3A_69 = arith.constant 0 : i32
      %dma_start3A_70 = arith.constant 0 : i32
      %dma_start3A_71 = tpu.memref_slice %arg4[%arg1, %dma_start3A_69, %dma_start3A_70] : memref<16x164x128xi32, #tpu.memory_space<hbm>> -> memref<1x164x128xi32, #tpu.memory_space<hbm>>
      %dma_start3A_72 = tpu.memref_squeeze %dma_start3A_71 : memref<1x164x128xi32, #tpu.memory_space<hbm>> -> memref<164x128xi32, #tpu.memory_space<hbm>>
      tpu.enqueue_dma source(%dma_start3A_72 : memref<164x128xi32, #tpu.memory_space<hbm>>) target(%arg9 : memref<164x128xi32, #tpu.memory_space<vmem>>) target_semaphore(%run_scoped3A : memref<!tpu.dma_semaphore, #tpu.memory_space<semaphore_mem>>)
      %dma_wait3A_73 = arith.constant 0 : i32
      %dma_wait3A_74 = arith.constant 0 : i32
      %dma_wait3A_75 = tpu.memref_slice %arg4[%arg1, %dma_wait3A_73, %dma_wait3A_74] : memref<16x164x128xi32, #tpu.memory_space<hbm>> -> memref<1x164x128xi32, #tpu.memory_space<hbm>>
      %dma_wait3A_76 = tpu.memref_squeeze %dma_wait3A_75 : memref<1x164x128xi32, #tpu.memory_space<hbm>> -> memref<164x128xi32, #tpu.memory_space<hbm>>
      %dma_wait3A_77 = arith.constant 0 : i32
      %dma_wait3A_78 = arith.constant 0 : i32
      %dma_wait3A_79 = tpu.memref_slice %arg4[%arg1, %dma_wait3A_77, %dma_wait3A_78] : memref<16x164x128xi32, #tpu.memory_space<hbm>> -> memref<1x164x128xi32, #tpu.memory_space<hbm>>
      %dma_wait3A_80 = tpu.memref_squeeze %dma_wait3A_79 : memref<1x164x128xi32, #tpu.memory_space<hbm>> -> memref<164x128xi32, #tpu.memory_space<hbm>>
      tpu.wait_dma2 semaphore(%run_scoped3A : memref<!tpu.dma_semaphore, #tpu.memory_space<semaphore_mem>>) src(%dma_wait3A_80 : memref<164x128xi32, #tpu.memory_space<hbm>>) dst(%arg9 : memref<164x128xi32, #tpu.memory_space<vmem>>)
      tpu.yield
    }) : () -> ()
    %mul3A = arith.constant 632 : i32
    %mul3A_0 = arith.muli %arg1, %mul3A : i32
    "tpu.region"() ({
      %run_scoped3A = tpu.sem_alloc : memref<!tpu.dma_semaphore, #tpu.memory_space<semaphore_mem>>
      %dma_start3A_65 = arith.constant 0 : i32
      %dma_start3A_66 = tpu.memref_slice %arg7[%mul3A_0, %dma_start3A_65] : memref<10112x64xbf16, #tpu.memory_space<vmem_shared>> -> memref<632x64xbf16, #tpu.memory_space<vmem_shared>>
      tpu.enqueue_dma source(%arg5 : memref<632x64xbf16, #tpu.memory_space<hbm>>) target(%dma_start3A_66 : memref<632x64xbf16, #tpu.memory_space<vmem_shared>>) target_semaphore(%run_scoped3A : memref<!tpu.dma_semaphore, #tpu.memory_space<semaphore_mem>>)
      %dma_wait3A_67 = arith.constant 0 : i32
      %dma_wait3A_68 = tpu.memref_slice %arg7[%mul3A_0, %dma_wait3A_67] : memref<10112x64xbf16, #tpu.memory_space<vmem_shared>> -> memref<632x64xbf16, #tpu.memory_space<vmem_shared>>
      tpu.wait_dma2 semaphore(%run_scoped3A : memref<!tpu.dma_semaphore, #tpu.memory_space<semaphore_mem>>) src(%arg5 : memref<632x64xbf16, #tpu.memory_space<hbm>>) dst(%dma_wait3A_68 : memref<632x64xbf16, #tpu.memory_space<vmem_shared>>)
      tpu.yield
    }) : () -> ()
    %dma_start3A = arith.constant 0 : i32
    %dma_start3A_1 = arith.constant 0 : i32
    %dma_start3A_2 = tpu.memref_slice %arg8[%dma_start3A, %dma_start3A_1] : memref<164x128xi32, #tpu.memory_space<vmem>> -> memref<1x128xi32, #tpu.memory_space<vmem>>
    %dma_start3A_3 = tpu.memref_squeeze %dma_start3A_2 : memref<1x128xi32, #tpu.memory_space<vmem>> -> memref<128xi32, #tpu.memory_space<vmem>>
    %dma_start3A_4 = arith.constant 0 : i32
    %dma_start3A_5 = arith.constant 0 : i32
    %dma_start3A_6 = tpu.memref_slice %arg2[%dma_start3A_4, %dma_start3A_5] : memref<20000x64xbf16, #tpu.memory_space<hbm>> -> memref<20000x64xbf16, #tpu.memory_space<hbm>>
    tpu.enqueue_indirect_dma source(%dma_start3A_6 : memref<20000x64xbf16, #tpu.memory_space<hbm>>) target(%arg10 : memref<128x64xbf16, #tpu.memory_space<vmem>>) offsets(%dma_start3A_3 : memref<128xi32, #tpu.memory_space<vmem>>) semaphore(%arg14 : memref<!tpu.dma_semaphore, #tpu.memory_space<semaphore_mem>>)
    %dma_start3A_7 = arith.constant 1 : i32
    %dma_start3A_8 = arith.constant 0 : i32
    %dma_start3A_9 = tpu.memref_slice %arg8[%dma_start3A_7, %dma_start3A_8] : memref<164x128xi32, #tpu.memory_space<vmem>> -> memref<1x128xi32, #tpu.memory_space<vmem>>
    %dma_start3A_10 = tpu.memref_squeeze %dma_start3A_9 : memref<1x128xi32, #tpu.memory_space<vmem>> -> memref<128xi32, #tpu.memory_space<vmem>>
    %dma_start3A_11 = arith.constant 0 : i32
    %dma_start3A_12 = arith.constant 0 : i32
    %dma_start3A_13 = tpu.memref_slice %arg2[%dma_start3A_11, %dma_start3A_12] : memref<20000x64xbf16, #tpu.memory_space<hbm>> -> memref<20000x64xbf16, #tpu.memory_space<hbm>>
    tpu.enqueue_indirect_dma source(%dma_start3A_13 : memref<20000x64xbf16, #tpu.memory_space<hbm>>) target(%arg11 : memref<128x64xbf16, #tpu.memory_space<vmem>>) offsets(%dma_start3A_10 : memref<128xi32, #tpu.memory_space<vmem>>) semaphore(%arg15 : memref<!tpu.dma_semaphore, #tpu.memory_space<semaphore_mem>>)
    %dma_start3A_14 = arith.constant 2 : i32
    %dma_start3A_15 = arith.constant 0 : i32
    %dma_start3A_16 = tpu.memref_slice %arg8[%dma_start3A_14, %dma_start3A_15] : memref<164x128xi32, #tpu.memory_space<vmem>> -> memref<1x128xi32, #tpu.memory_space<vmem>>
    %dma_start3A_17 = tpu.memref_squeeze %dma_start3A_16 : memref<1x128xi32, #tpu.memory_space<vmem>> -> memref<128xi32, #tpu.memory_space<vmem>>
    %dma_start3A_18 = arith.constant 0 : i32
    %dma_start3A_19 = arith.constant 0 : i32
    %dma_start3A_20 = tpu.memref_slice %arg2[%dma_start3A_18, %dma_start3A_19] : memref<20000x64xbf16, #tpu.memory_space<hbm>> -> memref<20000x64xbf16, #tpu.memory_space<hbm>>
    tpu.enqueue_indirect_dma source(%dma_start3A_20 : memref<20000x64xbf16, #tpu.memory_space<hbm>>) target(%arg12 : memref<128x64xbf16, #tpu.memory_space<vmem>>) offsets(%dma_start3A_17 : memref<128xi32, #tpu.memory_space<vmem>>) semaphore(%arg16 : memref<!tpu.dma_semaphore, #tpu.memory_space<semaphore_mem>>)
    %dma_start3A_21 = arith.constant 3 : i32
    %dma_start3A_22 = arith.constant 0 : i32
    %dma_start3A_23 = tpu.memref_slice %arg8[%dma_start3A_21, %dma_start3A_22] : memref<164x128xi32, #tpu.memory_space<vmem>> -> memref<1x128xi32, #tpu.memory_space<vmem>>
    %dma_start3A_24 = tpu.memref_squeeze %dma_start3A_23 : memref<1x128xi32, #tpu.memory_space<vmem>> -> memref<128xi32, #tpu.memory_space<vmem>>
    %dma_start3A_25 = arith.constant 0 : i32
    %dma_start3A_26 = arith.constant 0 : i32
    %dma_start3A_27 = tpu.memref_slice %arg2[%dma_start3A_25, %dma_start3A_26] : memref<20000x64xbf16, #tpu.memory_space<hbm>> -> memref<20000x64xbf16, #tpu.memory_space<hbm>>
    tpu.enqueue_indirect_dma source(%dma_start3A_27 : memref<20000x64xbf16, #tpu.memory_space<hbm>>) target(%arg13 : memref<128x64xbf16, #tpu.memory_space<vmem>>) offsets(%dma_start3A_24 : memref<128xi32, #tpu.memory_space<vmem>>) semaphore(%arg17 : memref<!tpu.dma_semaphore, #tpu.memory_space<semaphore_mem>>)
    %barrier3A = arith.constant 0 : index
    tpu.barrier barrier_id(%barrier3A)
    %scan3A = arith.constant 0 : i32
    %scan3A_28 = arith.constant 0 : i32
    %scan3A_29 = arith.constant 41 : i32
    %scan3A_30 = arith.addi %scan3A_28, %scan3A_29 : i32
    %scan3A_31 = arith.constant 1 : i32
    scf.for %scan3A_65 = %scan3A_28 to %scan3A_30 step %scan3A_31  : i32 {
      %mul3A_66 = arith.constant 4 : i32
      %mul3A_67 = arith.muli %scan3A_65, %mul3A_66 : i32
      %add3A = arith.constant 0 : i32
      %add3A_68 = arith.addi %mul3A_67, %add3A : i32
      %dma_wait3A_69 = arith.constant 0 : i32
      %dma_wait3A_70 = tpu.memref_slice %arg8[%add3A_68, %dma_wait3A_69] : memref<164x128xi32, #tpu.memory_space<vmem>> -> memref<1x128xi32, #tpu.memory_space<vmem>>
      %dma_wait3A_71 = tpu.memref_squeeze %dma_wait3A_70 : memref<1x128xi32, #tpu.memory_space<vmem>> -> memref<128xi32, #tpu.memory_space<vmem>>
      %dma_wait3A_72 = arith.constant 0 : i32
      %dma_wait3A_73 = arith.constant 0 : i32
      %dma_wait3A_74 = tpu.memref_slice %arg2[%dma_wait3A_72, %dma_wait3A_73] : memref<20000x64xbf16, #tpu.memory_space<hbm>> -> memref<20000x64xbf16, #tpu.memory_space<hbm>>
      tpu.wait_indirect_dma semaphore(%arg14 : memref<!tpu.dma_semaphore, #tpu.memory_space<semaphore_mem>>) src(%dma_wait3A_74 : memref<20000x64xbf16, #tpu.memory_space<hbm>>) dst(%arg10 : memref<128x64xbf16, #tpu.memory_space<vmem>>)
      %dma_start3A_75 = arith.constant 0 : i32
      %dma_start3A_76 = tpu.memref_slice %arg9[%add3A_68, %dma_start3A_75] : memref<164x128xi32, #tpu.memory_space<vmem>> -> memref<1x128xi32, #tpu.memory_space<vmem>>
      %dma_start3A_77 = tpu.memref_squeeze %dma_start3A_76 : memref<1x128xi32, #tpu.memory_space<vmem>> -> memref<128xi32, #tpu.memory_space<vmem>>
      %dma_start3A_78 = arith.constant 0 : i32
      %dma_start3A_79 = arith.constant 0 : i32
      %dma_start3A_80 = tpu.memref_slice %arg7[%dma_start3A_78, %dma_start3A_79] : memref<10112x64xbf16, #tpu.memory_space<vmem_shared>> -> memref<10112x64xbf16, #tpu.memory_space<vmem_shared>>
      tpu.enqueue_indirect_dma source(%arg10 : memref<128x64xbf16, #tpu.memory_space<vmem>>) target(%dma_start3A_80 : memref<10112x64xbf16, #tpu.memory_space<vmem_shared>>) offsets(%dma_start3A_77 : memref<128xi32, #tpu.memory_space<vmem>>) semaphore(%arg18 : memref<!tpu.dma_semaphore, #tpu.memory_space<semaphore_mem>>) {add = true}
      %sub3A = arith.constant 1 : i32
      %sub3A_81 = arith.subi %add3A_68, %sub3A : i32
      %add3A_82 = arith.constant 4 : i32
      %add3A_83 = arith.addi %sub3A_81, %add3A_82 : i32
      %ge3A = arith.constant 1 : i32
      %ge3A_84 = arith.cmpi sge, %add3A_68, %ge3A : i32
      %lt3A = arith.constant 164 : i32
      %lt3A_85 = arith.cmpi slt, %add3A_83, %lt3A : i32
      %and3A = arith.andi %ge3A_84, %lt3A_85 : i1
      %convert_element_type3A = arith.extui %and3A : i1 to i32
      %cond3A = arith.constant 0 : i32
      %cond3A_86 = arith.cmpi ne, %convert_element_type3A, %cond3A : i32
      scf.if %cond3A_86 {
        %dma_wait3A_171 = arith.constant 0 : i32
        %dma_wait3A_172 = arith.constant 0 : i32
        %dma_wait3A_173 = tpu.memref_slice %arg9[%dma_wait3A_171, %dma_wait3A_172] : memref<164x128xi32, #tpu.memory_space<vmem>> -> memref<1x128xi32, #tpu.memory_space<vmem>>
        %dma_wait3A_174 = tpu.memref_squeeze %dma_wait3A_173 : memref<1x128xi32, #tpu.memory_space<vmem>> -> memref<128xi32, #tpu.memory_space<vmem>>
        %dma_wait3A_175 = arith.constant 0 : i32
        %dma_wait3A_176 = arith.constant 0 : i32
        %dma_wait3A_177 = tpu.memref_slice %arg7[%dma_wait3A_175, %dma_wait3A_176] : memref<10112x64xbf16, #tpu.memory_space<vmem_shared>> -> memref<10112x64xbf16, #tpu.memory_space<vmem_shared>>
        tpu.wait_indirect_dma semaphore(%arg21 : memref<!tpu.dma_semaphore, #tpu.memory_space<semaphore_mem>>) src(%arg13 : memref<128x64xbf16, #tpu.memory_space<vmem>>) dst(%dma_wait3A_177 : memref<10112x64xbf16, #tpu.memory_space<vmem_shared>>)
        %dma_start3A_178 = arith.constant 0 : i32
        %dma_start3A_179 = tpu.memref_slice %arg8[%add3A_83, %dma_start3A_178] : memref<164x128xi32, #tpu.memory_space<vmem>> -> memref<1x128xi32, #tpu.memory_space<vmem>>
        %dma_start3A_180 = tpu.memref_squeeze %dma_start3A_179 : memref<1x128xi32, #tpu.memory_space<vmem>> -> memref<128xi32, #tpu.memory_space<vmem>>
        %dma_start3A_181 = arith.constant 0 : i32
        %dma_start3A_182 = arith.constant 0 : i32
        %dma_start3A_183 = tpu.memref_slice %arg2[%dma_start3A_181, %dma_start3A_182] : memref<20000x64xbf16, #tpu.memory_space<hbm>> -> memref<20000x64xbf16, #tpu.memory_space<hbm>>
        tpu.enqueue_indirect_dma source(%dma_start3A_183 : memref<20000x64xbf16, #tpu.memory_space<hbm>>) target(%arg13 : memref<128x64xbf16, #tpu.memory_space<vmem>>) offsets(%dma_start3A_180 : memref<128xi32, #tpu.memory_space<vmem>>) semaphore(%arg17 : memref<!tpu.dma_semaphore, #tpu.memory_space<semaphore_mem>>)
      } else {
      }
      %mul3A_87 = arith.constant 4 : i32
      %mul3A_88 = arith.muli %scan3A_65, %mul3A_87 : i32
      %add3A_89 = arith.constant 1 : i32
      %add3A_90 = arith.addi %mul3A_88, %add3A_89 : i32
      %dma_wait3A_91 = arith.constant 0 : i32
      %dma_wait3A_92 = tpu.memref_slice %arg8[%add3A_90, %dma_wait3A_91] : memref<164x128xi32, #tpu.memory_space<vmem>> -> memref<1x128xi32, #tpu.memory_space<vmem>>
      %dma_wait3A_93 = tpu.memref_squeeze %dma_wait3A_92 : memref<1x128xi32, #tpu.memory_space<vmem>> -> memref<128xi32, #tpu.memory_space<vmem>>
      %dma_wait3A_94 = arith.constant 0 : i32
      %dma_wait3A_95 = arith.constant 0 : i32
      %dma_wait3A_96 = tpu.memref_slice %arg2[%dma_wait3A_94, %dma_wait3A_95] : memref<20000x64xbf16, #tpu.memory_space<hbm>> -> memref<20000x64xbf16, #tpu.memory_space<hbm>>
      tpu.wait_indirect_dma semaphore(%arg15 : memref<!tpu.dma_semaphore, #tpu.memory_space<semaphore_mem>>) src(%dma_wait3A_96 : memref<20000x64xbf16, #tpu.memory_space<hbm>>) dst(%arg11 : memref<128x64xbf16, #tpu.memory_space<vmem>>)
      %dma_start3A_97 = arith.constant 0 : i32
      %dma_start3A_98 = tpu.memref_slice %arg9[%add3A_90, %dma_start3A_97] : memref<164x128xi32, #tpu.memory_space<vmem>> -> memref<1x128xi32, #tpu.memory_space<vmem>>
      %dma_start3A_99 = tpu.memref_squeeze %dma_start3A_98 : memref<1x128xi32, #tpu.memory_space<vmem>> -> memref<128xi32, #tpu.memory_space<vmem>>
      %dma_start3A_100 = arith.constant 0 : i32
      %dma_start3A_101 = arith.constant 0 : i32
      %dma_start3A_102 = tpu.memref_slice %arg7[%dma_start3A_100, %dma_start3A_101] : memref<10112x64xbf16, #tpu.memory_space<vmem_shared>> -> memref<10112x64xbf16, #tpu.memory_space<vmem_shared>>
      tpu.enqueue_indirect_dma source(%arg11 : memref<128x64xbf16, #tpu.memory_space<vmem>>) target(%dma_start3A_102 : memref<10112x64xbf16, #tpu.memory_space<vmem_shared>>) offsets(%dma_start3A_99 : memref<128xi32, #tpu.memory_space<vmem>>) semaphore(%arg19 : memref<!tpu.dma_semaphore, #tpu.memory_space<semaphore_mem>>) {add = true}
      %sub3A_103 = arith.constant 1 : i32
      %sub3A_104 = arith.subi %add3A_90, %sub3A_103 : i32
      %add3A_105 = arith.constant 4 : i32
      %add3A_106 = arith.addi %sub3A_104, %add3A_105 : i32
      %ge3A_107 = arith.constant 1 : i32
      %ge3A_108 = arith.cmpi sge, %add3A_90, %ge3A_107 : i32
      %lt3A_109 = arith.constant 164 : i32
      %lt3A_110 = arith.cmpi slt, %add3A_106, %lt3A_109 : i32
      %and3A_111 = arith.andi %ge3A_108, %lt3A_110 : i1
      %convert_element_type3A_112 = arith.extui %and3A_111 : i1 to i32
      %cond3A_113 = arith.constant 0 : i32
      %cond3A_114 = arith.cmpi ne, %convert_element_type3A_112, %cond3A_113 : i32
      scf.if %cond3A_114 {
        %dma_wait3A_171 = arith.constant 0 : i32
        %dma_wait3A_172 = arith.constant 0 : i32
        %dma_wait3A_173 = tpu.memref_slice %arg9[%dma_wait3A_171, %dma_wait3A_172] : memref<164x128xi32, #tpu.memory_space<vmem>> -> memref<1x128xi32, #tpu.memory_space<vmem>>
        %dma_wait3A_174 = tpu.memref_squeeze %dma_wait3A_173 : memref<1x128xi32, #tpu.memory_space<vmem>> -> memref<128xi32, #tpu.memory_space<vmem>>
        %dma_wait3A_175 = arith.constant 0 : i32
        %dma_wait3A_176 = arith.constant 0 : i32
        %dma_wait3A_177 = tpu.memref_slice %arg7[%dma_wait3A_175, %dma_wait3A_176] : memref<10112x64xbf16, #tpu.memory_space<vmem_shared>> -> memref<10112x64xbf16, #tpu.memory_space<vmem_shared>>
        tpu.wait_indirect_dma semaphore(%arg18 : memref<!tpu.dma_semaphore, #tpu.memory_space<semaphore_mem>>) src(%arg10 : memref<128x64xbf16, #tpu.memory_space<vmem>>) dst(%dma_wait3A_177 : memref<10112x64xbf16, #tpu.memory_space<vmem_shared>>)
        %dma_start3A_178 = arith.constant 0 : i32
        %dma_start3A_179 = tpu.memref_slice %arg8[%add3A_106, %dma_start3A_178] : memref<164x128xi32, #tpu.memory_space<vmem>> -> memref<1x128xi32, #tpu.memory_space<vmem>>
        %dma_start3A_180 = tpu.memref_squeeze %dma_start3A_179 : memref<1x128xi32, #tpu.memory_space<vmem>> -> memref<128xi32, #tpu.memory_space<vmem>>
        %dma_start3A_181 = arith.constant 0 : i32
        %dma_start3A_182 = arith.constant 0 : i32
        %dma_start3A_183 = tpu.memref_slice %arg2[%dma_start3A_181, %dma_start3A_182] : memref<20000x64xbf16, #tpu.memory_space<hbm>> -> memref<20000x64xbf16, #tpu.memory_space<hbm>>
        tpu.enqueue_indirect_dma source(%dma_start3A_183 : memref<20000x64xbf16, #tpu.memory_space<hbm>>) target(%arg10 : memref<128x64xbf16, #tpu.memory_space<vmem>>) offsets(%dma_start3A_180 : memref<128xi32, #tpu.memory_space<vmem>>) semaphore(%arg14 : memref<!tpu.dma_semaphore, #tpu.memory_space<semaphore_mem>>)
      } else {
      }
      %mul3A_115 = arith.constant 4 : i32
      %mul3A_116 = arith.muli %scan3A_65, %mul3A_115 : i32
      %add3A_117 = arith.constant 2 : i32
      %add3A_118 = arith.addi %mul3A_116, %add3A_117 : i32
      %dma_wait3A_119 = arith.constant 0 : i32
      %dma_wait3A_120 = tpu.memref_slice %arg8[%add3A_118, %dma_wait3A_119] : memref<164x128xi32, #tpu.memory_space<vmem>> -> memref<1x128xi32, #tpu.memory_space<vmem>>
      %dma_wait3A_121 = tpu.memref_squeeze %dma_wait3A_120 : memref<1x128xi32, #tpu.memory_space<vmem>> -> memref<128xi32, #tpu.memory_space<vmem>>
      %dma_wait3A_122 = arith.constant 0 : i32
      %dma_wait3A_123 = arith.constant 0 : i32
      %dma_wait3A_124 = tpu.memref_slice %arg2[%dma_wait3A_122, %dma_wait3A_123] : memref<20000x64xbf16, #tpu.memory_space<hbm>> -> memref<20000x64xbf16, #tpu.memory_space<hbm>>
      tpu.wait_indirect_dma semaphore(%arg16 : memref<!tpu.dma_semaphore, #tpu.memory_space<semaphore_mem>>) src(%dma_wait3A_124 : memref<20000x64xbf16, #tpu.memory_space<hbm>>) dst(%arg12 : memref<128x64xbf16, #tpu.memory_space<vmem>>)
      %dma_start3A_125 = arith.constant 0 : i32
      %dma_start3A_126 = tpu.memref_slice %arg9[%add3A_118, %dma_start3A_125] : memref<164x128xi32, #tpu.memory_space<vmem>> -> memref<1x128xi32, #tpu.memory_space<vmem>>
      %dma_start3A_127 = tpu.memref_squeeze %dma_start3A_126 : memref<1x128xi32, #tpu.memory_space<vmem>> -> memref<128xi32, #tpu.memory_space<vmem>>
      %dma_start3A_128 = arith.constant 0 : i32
      %dma_start3A_129 = arith.constant 0 : i32
      %dma_start3A_130 = tpu.memref_slice %arg7[%dma_start3A_128, %dma_start3A_129] : memref<10112x64xbf16, #tpu.memory_space<vmem_shared>> -> memref<10112x64xbf16, #tpu.memory_space<vmem_shared>>
      tpu.enqueue_indirect_dma source(%arg12 : memref<128x64xbf16, #tpu.memory_space<vmem>>) target(%dma_start3A_130 : memref<10112x64xbf16, #tpu.memory_space<vmem_shared>>) offsets(%dma_start3A_127 : memref<128xi32, #tpu.memory_space<vmem>>) semaphore(%arg20 : memref<!tpu.dma_semaphore, #tpu.memory_space<semaphore_mem>>) {add = true}
      %sub3A_131 = arith.constant 1 : i32
      %sub3A_132 = arith.subi %add3A_118, %sub3A_131 : i32
      %add3A_133 = arith.constant 4 : i32
      %add3A_134 = arith.addi %sub3A_132, %add3A_133 : i32
      %ge3A_135 = arith.constant 1 : i32
      %ge3A_136 = arith.cmpi sge, %add3A_118, %ge3A_135 : i32
      %lt3A_137 = arith.constant 164 : i32
      %lt3A_138 = arith.cmpi slt, %add3A_134, %lt3A_137 : i32
      %and3A_139 = arith.andi %ge3A_136, %lt3A_138 : i1
      %convert_element_type3A_140 = arith.extui %and3A_139 : i1 to i32
      %cond3A_141 = arith.constant 0 : i32
      %cond3A_142 = arith.cmpi ne, %convert_element_type3A_140, %cond3A_141 : i32
      scf.if %cond3A_142 {
        %dma_wait3A_171 = arith.constant 0 : i32
        %dma_wait3A_172 = arith.constant 0 : i32
        %dma_wait3A_173 = tpu.memref_slice %arg9[%dma_wait3A_171, %dma_wait3A_172] : memref<164x128xi32, #tpu.memory_space<vmem>> -> memref<1x128xi32, #tpu.memory_space<vmem>>
        %dma_wait3A_174 = tpu.memref_squeeze %dma_wait3A_173 : memref<1x128xi32, #tpu.memory_space<vmem>> -> memref<128xi32, #tpu.memory_space<vmem>>
        %dma_wait3A_175 = arith.constant 0 : i32
        %dma_wait3A_176 = arith.constant 0 : i32
        %dma_wait3A_177 = tpu.memref_slice %arg7[%dma_wait3A_175, %dma_wait3A_176] : memref<10112x64xbf16, #tpu.memory_space<vmem_shared>> -> memref<10112x64xbf16, #tpu.memory_space<vmem_shared>>
        tpu.wait_indirect_dma semaphore(%arg19 : memref<!tpu.dma_semaphore, #tpu.memory_space<semaphore_mem>>) src(%arg11 : memref<128x64xbf16, #tpu.memory_space<vmem>>) dst(%dma_wait3A_177 : memref<10112x64xbf16, #tpu.memory_space<vmem_shared>>)
        %dma_start3A_178 = arith.constant 0 : i32
        %dma_start3A_179 = tpu.memref_slice %arg8[%add3A_134, %dma_start3A_178] : memref<164x128xi32, #tpu.memory_space<vmem>> -> memref<1x128xi32, #tpu.memory_space<vmem>>
        %dma_start3A_180 = tpu.memref_squeeze %dma_start3A_179 : memref<1x128xi32, #tpu.memory_space<vmem>> -> memref<128xi32, #tpu.memory_space<vmem>>
        %dma_start3A_181 = arith.constant 0 : i32
        %dma_start3A_182 = arith.constant 0 : i32
        %dma_start3A_183 = tpu.memref_slice %arg2[%dma_start3A_181, %dma_start3A_182] : memref<20000x64xbf16, #tpu.memory_space<hbm>> -> memref<20000x64xbf16, #tpu.memory_space<hbm>>
        tpu.enqueue_indirect_dma source(%dma_start3A_183 : memref<20000x64xbf16, #tpu.memory_space<hbm>>) target(%arg11 : memref<128x64xbf16, #tpu.memory_space<vmem>>) offsets(%dma_start3A_180 : memref<128xi32, #tpu.memory_space<vmem>>) semaphore(%arg15 : memref<!tpu.dma_semaphore, #tpu.memory_space<semaphore_mem>>)
      } else {
      }
      %mul3A_143 = arith.constant 4 : i32
      %mul3A_144 = arith.muli %scan3A_65, %mul3A_143 : i32
      %add3A_145 = arith.constant 3 : i32
      %add3A_146 = arith.addi %mul3A_144, %add3A_145 : i32
      %dma_wait3A_147 = arith.constant 0 : i32
      %dma_wait3A_148 = tpu.memref_slice %arg8[%add3A_146, %dma_wait3A_147] : memref<164x128xi32, #tpu.memory_space<vmem>> -> memref<1x128xi32, #tpu.memory_space<vmem>>
      %dma_wait3A_149 = tpu.memref_squeeze %dma_wait3A_148 : memref<1x128xi32, #tpu.memory_space<vmem>> -> memref<128xi32, #tpu.memory_space<vmem>>
      %dma_wait3A_150 = arith.constant 0 : i32
      %dma_wait3A_151 = arith.constant 0 : i32
      %dma_wait3A_152 = tpu.memref_slice %arg2[%dma_wait3A_150, %dma_wait3A_151] : memref<20000x64xbf16, #tpu.memory_space<hbm>> -> memref<20000x64xbf16, #tpu.memory_space<hbm>>
      tpu.wait_indirect_dma semaphore(%arg17 : memref<!tpu.dma_semaphore, #tpu.memory_space<semaphore_mem>>) src(%dma_wait3A_152 : memref<20000x64xbf16, #tpu.memory_space<hbm>>) dst(%arg13 : memref<128x64xbf16, #tpu.memory_space<vmem>>)
      %dma_start3A_153 = arith.constant 0 : i32
      %dma_start3A_154 = tpu.memref_slice %arg9[%add3A_146, %dma_start3A_153] : memref<164x128xi32, #tpu.memory_space<vmem>> -> memref<1x128xi32, #tpu.memory_space<vmem>>
      %dma_start3A_155 = tpu.memref_squeeze %dma_start3A_154 : memref<1x128xi32, #tpu.memory_space<vmem>> -> memref<128xi32, #tpu.memory_space<vmem>>
      %dma_start3A_156 = arith.constant 0 : i32
      %dma_start3A_157 = arith.constant 0 : i32
      %dma_start3A_158 = tpu.memref_slice %arg7[%dma_start3A_156, %dma_start3A_157] : memref<10112x64xbf16, #tpu.memory_space<vmem_shared>> -> memref<10112x64xbf16, #tpu.memory_space<vmem_shared>>
      tpu.enqueue_indirect_dma source(%arg13 : memref<128x64xbf16, #tpu.memory_space<vmem>>) target(%dma_start3A_158 : memref<10112x64xbf16, #tpu.memory_space<vmem_shared>>) offsets(%dma_start3A_155 : memref<128xi32, #tpu.memory_space<vmem>>) semaphore(%arg21 : memref<!tpu.dma_semaphore, #tpu.memory_space<semaphore_mem>>) {add = true}
      %sub3A_159 = arith.constant 1 : i32
      %sub3A_160 = arith.subi %add3A_146, %sub3A_159 : i32
      %add3A_161 = arith.constant 4 : i32
      %add3A_162 = arith.addi %sub3A_160, %add3A_161 : i32
      %ge3A_163 = arith.constant 1 : i32
      %ge3A_164 = arith.cmpi sge, %add3A_146, %ge3A_163 : i32
      %lt3A_165 = arith.constant 164 : i32
      %lt3A_166 = arith.cmpi slt, %add3A_162, %lt3A_165 : i32
      %and3A_167 = arith.andi %ge3A_164, %lt3A_166 : i1
      %convert_element_type3A_168 = arith.extui %and3A_167 : i1 to i32
      %cond3A_169 = arith.constant 0 : i32
      %cond3A_170 = arith.cmpi ne, %convert_element_type3A_168, %cond3A_169 : i32
      scf.if %cond3A_170 {
        %dma_wait3A_171 = arith.constant 0 : i32
        %dma_wait3A_172 = arith.constant 0 : i32
        %dma_wait3A_173 = tpu.memref_slice %arg9[%dma_wait3A_171, %dma_wait3A_172] : memref<164x128xi32, #tpu.memory_space<vmem>> -> memref<1x128xi32, #tpu.memory_space<vmem>>
        %dma_wait3A_174 = tpu.memref_squeeze %dma_wait3A_173 : memref<1x128xi32, #tpu.memory_space<vmem>> -> memref<128xi32, #tpu.memory_space<vmem>>
        %dma_wait3A_175 = arith.constant 0 : i32
        %dma_wait3A_176 = arith.constant 0 : i32
        %dma_wait3A_177 = tpu.memref_slice %arg7[%dma_wait3A_175, %dma_wait3A_176] : memref<10112x64xbf16, #tpu.memory_space<vmem_shared>> -> memref<10112x64xbf16, #tpu.memory_space<vmem_shared>>
        tpu.wait_indirect_dma semaphore(%arg20 : memref<!tpu.dma_semaphore, #tpu.memory_space<semaphore_mem>>) src(%arg12 : memref<128x64xbf16, #tpu.memory_space<vmem>>) dst(%dma_wait3A_177 : memref<10112x64xbf16, #tpu.memory_space<vmem_shared>>)
        %dma_start3A_178 = arith.constant 0 : i32
        %dma_start3A_179 = tpu.memref_slice %arg8[%add3A_162, %dma_start3A_178] : memref<164x128xi32, #tpu.memory_space<vmem>> -> memref<1x128xi32, #tpu.memory_space<vmem>>
        %dma_start3A_180 = tpu.memref_squeeze %dma_start3A_179 : memref<1x128xi32, #tpu.memory_space<vmem>> -> memref<128xi32, #tpu.memory_space<vmem>>
        %dma_start3A_181 = arith.constant 0 : i32
        %dma_start3A_182 = arith.constant 0 : i32
        %dma_start3A_183 = tpu.memref_slice %arg2[%dma_start3A_181, %dma_start3A_182] : memref<20000x64xbf16, #tpu.memory_space<hbm>> -> memref<20000x64xbf16, #tpu.memory_space<hbm>>
        tpu.enqueue_indirect_dma source(%dma_start3A_183 : memref<20000x64xbf16, #tpu.memory_space<hbm>>) target(%arg12 : memref<128x64xbf16, #tpu.memory_space<vmem>>) offsets(%dma_start3A_180 : memref<128xi32, #tpu.memory_space<vmem>>) semaphore(%arg16 : memref<!tpu.dma_semaphore, #tpu.memory_space<semaphore_mem>>)
      } else {
      }
    }
    %scan3A_32 = arith.constant 41 : i32
    %dma_wait3A = arith.constant 0 : i32
    %dma_wait3A_33 = arith.constant 0 : i32
    %dma_wait3A_34 = tpu.memref_slice %arg9[%dma_wait3A, %dma_wait3A_33] : memref<164x128xi32, #tpu.memory_space<vmem>> -> memref<1x128xi32, #tpu.memory_space<vmem>>
    %dma_wait3A_35 = tpu.memref_squeeze %dma_wait3A_34 : memref<1x128xi32, #tpu.memory_space<vmem>> -> memref<128xi32, #tpu.memory_space<vmem>>
    %dma_wait3A_36 = arith.constant 0 : i32
    %dma_wait3A_37 = arith.constant 0 : i32
    %dma_wait3A_38 = tpu.memref_slice %arg7[%dma_wait3A_36, %dma_wait3A_37] : memref<10112x64xbf16, #tpu.memory_space<vmem_shared>> -> memref<10112x64xbf16, #tpu.memory_space<vmem_shared>>
    tpu.wait_indirect_dma semaphore(%arg18 : memref<!tpu.dma_semaphore, #tpu.memory_space<semaphore_mem>>) src(%arg10 : memref<128x64xbf16, #tpu.memory_space<vmem>>) dst(%dma_wait3A_38 : memref<10112x64xbf16, #tpu.memory_space<vmem_shared>>)
    %dma_wait3A_39 = arith.constant 0 : i32
    %dma_wait3A_40 = arith.constant 0 : i32
    %dma_wait3A_41 = tpu.memref_slice %arg9[%dma_wait3A_39, %dma_wait3A_40] : memref<164x128xi32, #tpu.memory_space<vmem>> -> memref<1x128xi32, #tpu.memory_space<vmem>>
    %dma_wait3A_42 = tpu.memref_squeeze %dma_wait3A_41 : memref<1x128xi32, #tpu.memory_space<vmem>> -> memref<128xi32, #tpu.memory_space<vmem>>
    %dma_wait3A_43 = arith.constant 0 : i32
    %dma_wait3A_44 = arith.constant 0 : i32
    %dma_wait3A_45 = tpu.memref_slice %arg7[%dma_wait3A_43, %dma_wait3A_44] : memref<10112x64xbf16, #tpu.memory_space<vmem_shared>> -> memref<10112x64xbf16, #tpu.memory_space<vmem_shared>>
    tpu.wait_indirect_dma semaphore(%arg19 : memref<!tpu.dma_semaphore, #tpu.memory_space<semaphore_mem>>) src(%arg11 : memref<128x64xbf16, #tpu.memory_space<vmem>>) dst(%dma_wait3A_45 : memref<10112x64xbf16, #tpu.memory_space<vmem_shared>>)
    %dma_wait3A_46 = arith.constant 0 : i32
    %dma_wait3A_47 = arith.constant 0 : i32
    %dma_wait3A_48 = tpu.memref_slice %arg9[%dma_wait3A_46, %dma_wait3A_47] : memref<164x128xi32, #tpu.memory_space<vmem>> -> memref<1x128xi32, #tpu.memory_space<vmem>>
    %dma_wait3A_49 = tpu.memref_squeeze %dma_wait3A_48 : memref<1x128xi32, #tpu.memory_space<vmem>> -> memref<128xi32, #tpu.memory_space<vmem>>
    %dma_wait3A_50 = arith.constant 0 : i32
    %dma_wait3A_51 = arith.constant 0 : i32
    %dma_wait3A_52 = tpu.memref_slice %arg7[%dma_wait3A_50, %dma_wait3A_51] : memref<10112x64xbf16, #tpu.memory_space<vmem_shared>> -> memref<10112x64xbf16, #tpu.memory_space<vmem_shared>>
    tpu.wait_indirect_dma semaphore(%arg20 : memref<!tpu.dma_semaphore, #tpu.memory_space<semaphore_mem>>) src(%arg12 : memref<128x64xbf16, #tpu.memory_space<vmem>>) dst(%dma_wait3A_52 : memref<10112x64xbf16, #tpu.memory_space<vmem_shared>>)
    %dma_wait3A_53 = arith.constant 0 : i32
    %dma_wait3A_54 = arith.constant 0 : i32
    %dma_wait3A_55 = tpu.memref_slice %arg9[%dma_wait3A_53, %dma_wait3A_54] : memref<164x128xi32, #tpu.memory_space<vmem>> -> memref<1x128xi32, #tpu.memory_space<vmem>>
    %dma_wait3A_56 = tpu.memref_squeeze %dma_wait3A_55 : memref<1x128xi32, #tpu.memory_space<vmem>> -> memref<128xi32, #tpu.memory_space<vmem>>
    %dma_wait3A_57 = arith.constant 0 : i32
    %dma_wait3A_58 = arith.constant 0 : i32
    %dma_wait3A_59 = tpu.memref_slice %arg7[%dma_wait3A_57, %dma_wait3A_58] : memref<10112x64xbf16, #tpu.memory_space<vmem_shared>> -> memref<10112x64xbf16, #tpu.memory_space<vmem_shared>>
    tpu.wait_indirect_dma semaphore(%arg21 : memref<!tpu.dma_semaphore, #tpu.memory_space<semaphore_mem>>) src(%arg13 : memref<128x64xbf16, #tpu.memory_space<vmem>>) dst(%dma_wait3A_59 : memref<10112x64xbf16, #tpu.memory_space<vmem_shared>>)
    %barrier3A_60 = arith.constant 0 : index
    tpu.barrier barrier_id(%barrier3A_60)
    %mul3A_61 = arith.constant 632 : i32
    %mul3A_62 = arith.muli %arg1, %mul3A_61 : i32
    %mul3A_63 = arith.constant 632 : i32
    %mul3A_64 = arith.muli %arg1, %mul3A_63 : i32
    "tpu.region"() ({
      %run_scoped3A = tpu.sem_alloc : memref<!tpu.dma_semaphore, #tpu.memory_space<semaphore_mem>>
      %dma_start3A_65 = arith.constant 0 : i32
      %dma_start3A_66 = tpu.memref_slice %arg6[%arg0, %mul3A_64, %dma_start3A_65] : memref<2x10112x64xbf16, #tpu.memory_space<hbm>> -> memref<1x632x64xbf16, #tpu.memory_space<hbm>>
      %dma_start3A_67 = tpu.memref_squeeze %dma_start3A_66 : memref<1x632x64xbf16, #tpu.memory_space<hbm>> -> memref<632x64xbf16, #tpu.memory_space<hbm>>
      %dma_start3A_68 = arith.constant 0 : i32
      %dma_start3A_69 = tpu.memref_slice %arg7[%mul3A_62, %dma_start3A_68] : memref<10112x64xbf16, #tpu.memory_space<vmem_shared>> -> memref<632x64xbf16, #tpu.memory_space<vmem_shared>>
      tpu.enqueue_dma source(%dma_start3A_69 : memref<632x64xbf16, #tpu.memory_space<vmem_shared>>) target(%dma_start3A_67 : memref<632x64xbf16, #tpu.memory_space<hbm>>) target_semaphore(%run_scoped3A : memref<!tpu.dma_semaphore, #tpu.memory_space<semaphore_mem>>)
      %dma_wait3A_70 = arith.constant 0 : i32
      %dma_wait3A_71 = tpu.memref_slice %arg6[%arg0, %mul3A_64, %dma_wait3A_70] : memref<2x10112x64xbf16, #tpu.memory_space<hbm>> -> memref<1x632x64xbf16, #tpu.memory_space<hbm>>
      %dma_wait3A_72 = tpu.memref_squeeze %dma_wait3A_71 : memref<1x632x64xbf16, #tpu.memory_space<hbm>> -> memref<632x64xbf16, #tpu.memory_space<hbm>>
      %dma_wait3A_73 = arith.constant 0 : i32
      %dma_wait3A_74 = tpu.memref_slice %arg7[%mul3A_62, %dma_wait3A_73] : memref<10112x64xbf16, #tpu.memory_space<vmem_shared>> -> memref<632x64xbf16, #tpu.memory_space<vmem_shared>>
      tpu.wait_dma2 semaphore(%run_scoped3A : memref<!tpu.dma_semaphore, #tpu.memory_space<semaphore_mem>>) src(%dma_wait3A_74 : memref<632x64xbf16, #tpu.memory_space<vmem_shared>>) dst(%dma_wait3A_72 : memref<632x64xbf16, #tpu.memory_space<hbm>>)
      tpu.yield
    }) : () -> ()
    return
  }
}

#map = affine_map<(d0, d1) -> (0, 0)>
#map1 = affine_map<(d0, d1) -> (0, 0, 0, 0)>
#map2 = affine_map<(d0, d1) -> (0, 0, 0)>
module attributes {stable_mosaic.version = 14 : i64} {
  func.func @_scatter_kernel(%arg0: i32, %arg1: i32, %arg2: memref<20000x64xbf16, #tpu.memory_space<hbm>>, %arg3: memref<2x16x164x128xi32, #tpu.memory_space<hbm>>, %arg4: memref<16x164x128xi32, #tpu.memory_space<hbm>>, %arg5: memref<632x64xbf16, #tpu.memory_space<hbm>>, %arg6: memref<2x10112x64xbf16, #tpu.memory_space<hbm>>, %arg7: memref<10112x64xbf16, #tpu.memory_space<vmem_shared>>, %arg8: memref<164x128xi32, #tpu.memory_space<vmem>>, %arg9: memref<164x128xi32, #tpu.memory_space<vmem>>, %arg10: memref<128x64xbf16, #tpu.memory_space<vmem>>, %arg11: memref<128x64xbf16, #tpu.memory_space<vmem>>, %arg12: memref<128x64xbf16, #tpu.memory_space<vmem>>, %arg13: memref<128x64xbf16, #tpu.memory_space<vmem>>, %arg14: memref<!tpu.dma_semaphore, #tpu.memory_space<semaphore_mem>>, %arg15: memref<!tpu.dma_semaphore, #tpu.memory_space<semaphore_mem>>, %arg16: memref<!tpu.dma_semaphore, #tpu.memory_space<semaphore_mem>>, %arg17: memref<!tpu.dma_semaphore, #tpu.memory_space<semaphore_mem>>, %arg18: memref<!tpu.dma_semaphore, #tpu.memory_space<semaphore_mem>>, %arg19: memref<!tpu.dma_semaphore, #tpu.memory_space<semaphore_mem>>, %arg20: memref<!tpu.dma_semaphore, #tpu.memory_space<semaphore_mem>>, %arg21: memref<!tpu.dma_semaphore, #tpu.memory_space<semaphore_mem>>) attributes {dimension_semantics = [#tpu.dimension_semantics<core_parallel>, #tpu.dimension_semantics<subcore_parallel>], iteration_bounds = array<i64: 2, 16>, scalar_prefetch = 0 : i64, scratch_operands = 15 : i64, tpu.core_type = #tpu.core_type<sc_vector_subcore>, window_params = [{transform_indices = #map}, {transform_indices = #map1}, {transform_indices = #map2}, {transform_indices = #map}, {transform_indices = #map2}]} {
    "tpu.region"() ({
      %run_scoped3A = tpu.sem_alloc : memref<!tpu.dma_semaphore, #tpu.memory_space<semaphore_mem>>
      %dma_start3A_65 = arith.constant 0 : i32
      %dma_start3A_66 = arith.constant 0 : i32
      %dma_start3A_67 = tpu.memref_slice %arg3[%arg0, %arg1, %dma_start3A_65, %dma_start3A_66] : memref<2x16x164x128xi32, #tpu.memory_space<hbm>> -> memref<1x1x164x128xi32, #tpu.memory_space<hbm>>
      %dma_start3A_68 = tpu.memref_squeeze %dma_start3A_67 : memref<1x1x164x128xi32, #tpu.memory_space<hbm>> -> memref<164x128xi32, #tpu.memory_space<hbm>>
      %dma_start3A_69 = arith.constant 0 : i32
      %dma_start3A_70 = arith.constant 0 : i32
      %dma_start3A_71 = tpu.memref_slice %arg3[%arg0, %arg1, %dma_start3A_69, %dma_start3A_70] : memref<2x16x164x128xi32, #tpu.memory_space<hbm>> -> memref<1x1x164x128xi32, #tpu.memory_space<hbm>>
      %dma_start3A_72 = tpu.memref_squeeze %dma_start3A_71 : memref<1x1x164x128xi32, #tpu.memory_space<hbm>> -> memref<164x128xi32, #tpu.memory_space<hbm>>
      tpu.enqueue_dma source(%dma_start3A_72 : memref<164x128xi32, #tpu.memory_space<hbm>>) target(%arg8 : memref<164x128xi32, #tpu.memory_space<vmem>>) target_semaphore(%run_scoped3A : memref<!tpu.dma_semaphore, #tpu.memory_space<semaphore_mem>>)
      %dma_wait3A_73 = arith.constant 0 : i32
      %dma_wait3A_74 = arith.constant 0 : i32
      %dma_wait3A_75 = tpu.memref_slice %arg3[%arg0, %arg1, %dma_wait3A_73, %dma_wait3A_74] : memref<2x16x164x128xi32, #tpu.memory_space<hbm>> -> memref<1x1x164x128xi32, #tpu.memory_space<hbm>>
      %dma_wait3A_76 = tpu.memref_squeeze %dma_wait3A_75 : memref<1x1x164x128xi32, #tpu.memory_space<hbm>> -> memref<164x128xi32, #tpu.memory_space<hbm>>
      %dma_wait3A_77 = arith.constant 0 : i32
      %dma_wait3A_78 = arith.constant 0 : i32
      %dma_wait3A_79 = tpu.memref_slice %arg3[%arg0, %arg1, %dma_wait3A_77, %dma_wait3A_78] : memref<2x16x164x128xi32, #tpu.memory_space<hbm>> -> memref<1x1x164x128xi32, #tpu.memory_space<hbm>>
      %dma_wait3A_80 = tpu.memref_squeeze %dma_wait3A_79 : memref<1x1x164x128xi32, #tpu.memory_space<hbm>> -> memref<164x128xi32, #tpu.memory_space<hbm>>
      tpu.wait_dma2 semaphore(%run_scoped3A : memref<!tpu.dma_semaphore, #tpu.memory_space<semaphore_mem>>) src(%dma_wait3A_80 : memref<164x128xi32, #tpu.memory_space<hbm>>) dst(%arg8 : memref<164x128xi32, #tpu.memory_space<vmem>>)
      tpu.yield
    }) : () -> ()
    "tpu.region"() ({
      %run_scoped3A = tpu.sem_alloc : memref<!tpu.dma_semaphore, #tpu.memory_space<semaphore_mem>>
      %dma_start3A_65 = arith.constant 0 : i32
      %dma_start3A_66 = arith.constant 0 : i32
      %dma_start3A_67 = tpu.memref_slice %arg4[%arg1, %dma_start3A_65, %dma_start3A_66] : memref<16x164x128xi32, #tpu.memory_space<hbm>> -> memref<1x164x128xi32, #tpu.memory_space<hbm>>
      %dma_start3A_68 = tpu.memref_squeeze %dma_start3A_67 : memref<1x164x128xi32, #tpu.memory_space<hbm>> -> memref<164x128xi32, #tpu.memory_space<hbm>>
      %dma_start3A_69 = arith.constant 0 : i32
      %dma_start3A_70 = arith.constant 0 : i32
      %dma_start3A_71 = tpu.memref_slice %arg4[%arg1, %dma_start3A_69, %dma_start3A_70] : memref<16x164x128xi32, #tpu.memory_space<hbm>> -> memref<1x164x128xi32, #tpu.memory_space<hbm>>
      %dma_start3A_72 = tpu.memref_squeeze %dma_start3A_71 : memref<1x164x128xi32, #tpu.memory_space<hbm>> -> memref<164x128xi32, #tpu.memory_space<hbm>>
      tpu.enqueue_dma source(%dma_start3A_72 : memref<164x128xi32, #tpu.memory_space<hbm>>) target(%arg9 : memref<164x128xi32, #tpu.memory_space<vmem>>) target_semaphore(%run_scoped3A : memref<!tpu.dma_semaphore, #tpu.memory_space<semaphore_mem>>)
      %dma_wait3A_73 = arith.constant 0 : i32
      %dma_wait3A_74 = arith.constant 0 : i32
      %dma_wait3A_75 = tpu.memref_slice %arg4[%arg1, %dma_wait3A_73, %dma_wait3A_74] : memref<16x164x128xi32, #tpu.memory_space<hbm>> -> memref<1x164x128xi32, #tpu.memory_space<hbm>>
      %dma_wait3A_76 = tpu.memref_squeeze %dma_wait3A_75 : memref<1x164x128xi32, #tpu.memory_space<hbm>> -> memref<164x128xi32, #tpu.memory_space<hbm>>
      %dma_wait3A_77 = arith.constant 0 : i32
      %dma_wait3A_78 = arith.constant 0 : i32
      %dma_wait3A_79 = tpu.memref_slice %arg4[%arg1, %dma_wait3A_77, %dma_wait3A_78] : memref<16x164x128xi32, #tpu.memory_space<hbm>> -> memref<1x164x128xi32, #tpu.memory_space<hbm>>
      %dma_wait3A_80 = tpu.memref_squeeze %dma_wait3A_79 : memref<1x164x128xi32, #tpu.memory_space<hbm>> -> memref<164x128xi32, #tpu.memory_space<hbm>>
      tpu.wait_dma2 semaphore(%run_scoped3A : memref<!tpu.dma_semaphore, #tpu.memory_space<semaphore_mem>>) src(%dma_wait3A_80 : memref<164x128xi32, #tpu.memory_space<hbm>>) dst(%arg9 : memref<164x128xi32, #tpu.memory_space<vmem>>)
      tpu.yield
    }) : () -> ()
    %mul3A = arith.constant 632 : i32
    %mul3A_0 = arith.muli %arg1, %mul3A : i32
    "tpu.region"() ({
      %run_scoped3A = tpu.sem_alloc : memref<!tpu.dma_semaphore, #tpu.memory_space<semaphore_mem>>
      %dma_start3A_65 = arith.constant 0 : i32
      %dma_start3A_66 = tpu.memref_slice %arg7[%mul3A_0, %dma_start3A_65] : memref<10112x64xbf16, #tpu.memory_space<vmem_shared>> -> memref<632x64xbf16, #tpu.memory_space<vmem_shared>>
      tpu.enqueue_dma source(%arg5 : memref<632x64xbf16, #tpu.memory_space<hbm>>) target(%dma_start3A_66 : memref<632x64xbf16, #tpu.memory_space<vmem_shared>>) target_semaphore(%run_scoped3A : memref<!tpu.dma_semaphore, #tpu.memory_space<semaphore_mem>>)
      %dma_wait3A_67 = arith.constant 0 : i32
      %dma_wait3A_68 = tpu.memref_slice %arg7[%mul3A_0, %dma_wait3A_67] : memref<10112x64xbf16, #tpu.memory_space<vmem_shared>> -> memref<632x64xbf16, #tpu.memory_space<vmem_shared>>
      tpu.wait_dma2 semaphore(%run_scoped3A : memref<!tpu.dma_semaphore, #tpu.memory_space<semaphore_mem>>) src(%arg5 : memref<632x64xbf16, #tpu.memory_space<hbm>>) dst(%dma_wait3A_68 : memref<632x64xbf16, #tpu.memory_space<vmem_shared>>)
      tpu.yield
    }) : () -> ()
    %dma_start3A = arith.constant 0 : i32
    %dma_start3A_1 = arith.constant 0 : i32
    %dma_start3A_2 = tpu.memref_slice %arg8[%dma_start3A, %dma_start3A_1] : memref<164x128xi32, #tpu.memory_space<vmem>> -> memref<1x128xi32, #tpu.memory_space<vmem>>
    %dma_start3A_3 = tpu.memref_squeeze %dma_start3A_2 : memref<1x128xi32, #tpu.memory_space<vmem>> -> memref<128xi32, #tpu.memory_space<vmem>>
    %dma_start3A_4 = arith.constant 0 : i32
    %dma_start3A_5 = arith.constant 0 : i32
    %dma_start3A_6 = tpu.memref_slice %arg2[%dma_start3A_4, %dma_start3A_5] : memref<20000x64xbf16, #tpu.memory_space<hbm>> -> memref<20000x64xbf16, #tpu.memory_space<hbm>>
    tpu.enqueue_indirect_dma source(%dma_start3A_6 : memref<20000x64xbf16, #tpu.memory_space<hbm>>) target(%arg10 : memref<128x64xbf16, #tpu.memory_space<vmem>>) offsets(%dma_start3A_3 : memref<128xi32, #tpu.memory_space<vmem>>) semaphore(%arg14 : memref<!tpu.dma_semaphore, #tpu.memory_space<semaphore_mem>>)
    %dma_start3A_7 = arith.constant 1 : i32
    %dma_start3A_8 = arith.constant 0 : i32
    %dma_start3A_9 = tpu.memref_slice %arg8[%dma_start3A_7, %dma_start3A_8] : memref<164x128xi32, #tpu.memory_space<vmem>> -> memref<1x128xi32, #tpu.memory_space<vmem>>
    %dma_start3A_10 = tpu.memref_squeeze %dma_start3A_9 : memref<1x128xi32, #tpu.memory_space<vmem>> -> memref<128xi32, #tpu.memory_space<vmem>>
    %dma_start3A_11 = arith.constant 0 : i32
    %dma_start3A_12 = arith.constant 0 : i32
    %dma_start3A_13 = tpu.memref_slice %arg2[%dma_start3A_11, %dma_start3A_12] : memref<20000x64xbf16, #tpu.memory_space<hbm>> -> memref<20000x64xbf16, #tpu.memory_space<hbm>>
    tpu.enqueue_indirect_dma source(%dma_start3A_13 : memref<20000x64xbf16, #tpu.memory_space<hbm>>) target(%arg11 : memref<128x64xbf16, #tpu.memory_space<vmem>>) offsets(%dma_start3A_10 : memref<128xi32, #tpu.memory_space<vmem>>) semaphore(%arg15 : memref<!tpu.dma_semaphore, #tpu.memory_space<semaphore_mem>>)
    %dma_start3A_14 = arith.constant 2 : i32
    %dma_start3A_15 = arith.constant 0 : i32
    %dma_start3A_16 = tpu.memref_slice %arg8[%dma_start3A_14, %dma_start3A_15] : memref<164x128xi32, #tpu.memory_space<vmem>> -> memref<1x128xi32, #tpu.memory_space<vmem>>
    %dma_start3A_17 = tpu.memref_squeeze %dma_start3A_16 : memref<1x128xi32, #tpu.memory_space<vmem>> -> memref<128xi32, #tpu.memory_space<vmem>>
    %dma_start3A_18 = arith.constant 0 : i32
    %dma_start3A_19 = arith.constant 0 : i32
    %dma_start3A_20 = tpu.memref_slice %arg2[%dma_start3A_18, %dma_start3A_19] : memref<20000x64xbf16, #tpu.memory_space<hbm>> -> memref<20000x64xbf16, #tpu.memory_space<hbm>>
    tpu.enqueue_indirect_dma source(%dma_start3A_20 : memref<20000x64xbf16, #tpu.memory_space<hbm>>) target(%arg12 : memref<128x64xbf16, #tpu.memory_space<vmem>>) offsets(%dma_start3A_17 : memref<128xi32, #tpu.memory_space<vmem>>) semaphore(%arg16 : memref<!tpu.dma_semaphore, #tpu.memory_space<semaphore_mem>>)
    %dma_start3A_21 = arith.constant 3 : i32
    %dma_start3A_22 = arith.constant 0 : i32
    %dma_start3A_23 = tpu.memref_slice %arg8[%dma_start3A_21, %dma_start3A_22] : memref<164x128xi32, #tpu.memory_space<vmem>> -> memref<1x128xi32, #tpu.memory_space<vmem>>
    %dma_start3A_24 = tpu.memref_squeeze %dma_start3A_23 : memref<1x128xi32, #tpu.memory_space<vmem>> -> memref<128xi32, #tpu.memory_space<vmem>>
    %dma_start3A_25 = arith.constant 0 : i32
    %dma_start3A_26 = arith.constant 0 : i32
    %dma_start3A_27 = tpu.memref_slice %arg2[%dma_start3A_25, %dma_start3A_26] : memref<20000x64xbf16, #tpu.memory_space<hbm>> -> memref<20000x64xbf16, #tpu.memory_space<hbm>>
    tpu.enqueue_indirect_dma source(%dma_start3A_27 : memref<20000x64xbf16, #tpu.memory_space<hbm>>) target(%arg13 : memref<128x64xbf16, #tpu.memory_space<vmem>>) offsets(%dma_start3A_24 : memref<128xi32, #tpu.memory_space<vmem>>) semaphore(%arg17 : memref<!tpu.dma_semaphore, #tpu.memory_space<semaphore_mem>>)
    %barrier3A = arith.constant 0 : index
    tpu.barrier barrier_id(%barrier3A)
    %scan3A = arith.constant 0 : i32
    %scan3A_28 = arith.constant 0 : i32
    %scan3A_29 = arith.constant 41 : i32
    %scan3A_30 = arith.addi %scan3A_28, %scan3A_29 : i32
    %scan3A_31 = arith.constant 1 : i32
    scf.for %scan3A_65 = %scan3A_28 to %scan3A_30 step %scan3A_31  : i32 {
      %mul3A_66 = arith.constant 4 : i32
      %mul3A_67 = arith.muli %scan3A_65, %mul3A_66 : i32
      %add3A = arith.constant 0 : i32
      %add3A_68 = arith.addi %mul3A_67, %add3A : i32
      %dma_wait3A_69 = arith.constant 0 : i32
      %dma_wait3A_70 = tpu.memref_slice %arg8[%add3A_68, %dma_wait3A_69] : memref<164x128xi32, #tpu.memory_space<vmem>> -> memref<1x128xi32, #tpu.memory_space<vmem>>
      %dma_wait3A_71 = tpu.memref_squeeze %dma_wait3A_70 : memref<1x128xi32, #tpu.memory_space<vmem>> -> memref<128xi32, #tpu.memory_space<vmem>>
      %dma_wait3A_72 = arith.constant 0 : i32
      %dma_wait3A_73 = arith.constant 0 : i32
      %dma_wait3A_74 = tpu.memref_slice %arg2[%dma_wait3A_72, %dma_wait3A_73] : memref<20000x64xbf16, #tpu.memory_space<hbm>> -> memref<20000x64xbf16, #tpu.memory_space<hbm>>
      tpu.wait_indirect_dma semaphore(%arg14 : memref<!tpu.dma_semaphore, #tpu.memory_space<semaphore_mem>>) src(%dma_wait3A_74 : memref<20000x64xbf16, #tpu.memory_space<hbm>>) dst(%arg10 : memref<128x64xbf16, #tpu.memory_space<vmem>>)
      %dma_start3A_75 = arith.constant 0 : i32
      %dma_start3A_76 = tpu.memref_slice %arg9[%add3A_68, %dma_start3A_75] : memref<164x128xi32, #tpu.memory_space<vmem>> -> memref<1x128xi32, #tpu.memory_space<vmem>>
      %dma_start3A_77 = tpu.memref_squeeze %dma_start3A_76 : memref<1x128xi32, #tpu.memory_space<vmem>> -> memref<128xi32, #tpu.memory_space<vmem>>
      %dma_start3A_78 = arith.constant 0 : i32
      %dma_start3A_79 = arith.constant 0 : i32
      %dma_start3A_80 = tpu.memref_slice %arg7[%dma_start3A_78, %dma_start3A_79] : memref<10112x64xbf16, #tpu.memory_space<vmem_shared>> -> memref<10112x64xbf16, #tpu.memory_space<vmem_shared>>
      tpu.enqueue_indirect_dma source(%arg10 : memref<128x64xbf16, #tpu.memory_space<vmem>>) target(%dma_start3A_80 : memref<10112x64xbf16, #tpu.memory_space<vmem_shared>>) offsets(%dma_start3A_77 : memref<128xi32, #tpu.memory_space<vmem>>) semaphore(%arg18 : memref<!tpu.dma_semaphore, #tpu.memory_space<semaphore_mem>>) {add = true}
      %sub3A = arith.constant 1 : i32
      %sub3A_81 = arith.subi %add3A_68, %sub3A : i32
      %add3A_82 = arith.constant 4 : i32
      %add3A_83 = arith.addi %sub3A_81, %add3A_82 : i32
      %ge3A = arith.constant 1 : i32
      %ge3A_84 = arith.cmpi sge, %add3A_68, %ge3A : i32
      %lt3A = arith.constant 164 : i32
      %lt3A_85 = arith.cmpi slt, %add3A_83, %lt3A : i32
      %and3A = arith.andi %ge3A_84, %lt3A_85 : i1
      %convert_element_type3A = arith.extui %and3A : i1 to i32
      %cond3A = arith.constant 0 : i32
      %cond3A_86 = arith.cmpi ne, %convert_element_type3A, %cond3A : i32
      scf.if %cond3A_86 {
        %dma_wait3A_171 = arith.constant 0 : i32
        %dma_wait3A_172 = arith.constant 0 : i32
        %dma_wait3A_173 = tpu.memref_slice %arg9[%dma_wait3A_171, %dma_wait3A_172] : memref<164x128xi32, #tpu.memory_space<vmem>> -> memref<1x128xi32, #tpu.memory_space<vmem>>
        %dma_wait3A_174 = tpu.memref_squeeze %dma_wait3A_173 : memref<1x128xi32, #tpu.memory_space<vmem>> -> memref<128xi32, #tpu.memory_space<vmem>>
        %dma_wait3A_175 = arith.constant 0 : i32
        %dma_wait3A_176 = arith.constant 0 : i32
        %dma_wait3A_177 = tpu.memref_slice %arg7[%dma_wait3A_175, %dma_wait3A_176] : memref<10112x64xbf16, #tpu.memory_space<vmem_shared>> -> memref<10112x64xbf16, #tpu.memory_space<vmem_shared>>
        tpu.wait_indirect_dma semaphore(%arg21 : memref<!tpu.dma_semaphore, #tpu.memory_space<semaphore_mem>>) src(%arg13 : memref<128x64xbf16, #tpu.memory_space<vmem>>) dst(%dma_wait3A_177 : memref<10112x64xbf16, #tpu.memory_space<vmem_shared>>)
        %dma_start3A_178 = arith.constant 0 : i32
        %dma_start3A_179 = tpu.memref_slice %arg8[%add3A_83, %dma_start3A_178] : memref<164x128xi32, #tpu.memory_space<vmem>> -> memref<1x128xi32, #tpu.memory_space<vmem>>
        %dma_start3A_180 = tpu.memref_squeeze %dma_start3A_179 : memref<1x128xi32, #tpu.memory_space<vmem>> -> memref<128xi32, #tpu.memory_space<vmem>>
        %dma_start3A_181 = arith.constant 0 : i32
        %dma_start3A_182 = arith.constant 0 : i32
        %dma_start3A_183 = tpu.memref_slice %arg2[%dma_start3A_181, %dma_start3A_182] : memref<20000x64xbf16, #tpu.memory_space<hbm>> -> memref<20000x64xbf16, #tpu.memory_space<hbm>>
        tpu.enqueue_indirect_dma source(%dma_start3A_183 : memref<20000x64xbf16, #tpu.memory_space<hbm>>) target(%arg13 : memref<128x64xbf16, #tpu.memory_space<vmem>>) offsets(%dma_start3A_180 : memref<128xi32, #tpu.memory_space<vmem>>) semaphore(%arg17 : memref<!tpu.dma_semaphore, #tpu.memory_space<semaphore_mem>>)
      } else {
      }
      %mul3A_87 = arith.constant 4 : i32
      %mul3A_88 = arith.muli %scan3A_65, %mul3A_87 : i32
      %add3A_89 = arith.constant 1 : i32
      %add3A_90 = arith.addi %mul3A_88, %add3A_89 : i32
      %dma_wait3A_91 = arith.constant 0 : i32
      %dma_wait3A_92 = tpu.memref_slice %arg8[%add3A_90, %dma_wait3A_91] : memref<164x128xi32, #tpu.memory_space<vmem>> -> memref<1x128xi32, #tpu.memory_space<vmem>>
      %dma_wait3A_93 = tpu.memref_squeeze %dma_wait3A_92 : memref<1x128xi32, #tpu.memory_space<vmem>> -> memref<128xi32, #tpu.memory_space<vmem>>
      %dma_wait3A_94 = arith.constant 0 : i32
      %dma_wait3A_95 = arith.constant 0 : i32
      %dma_wait3A_96 = tpu.memref_slice %arg2[%dma_wait3A_94, %dma_wait3A_95] : memref<20000x64xbf16, #tpu.memory_space<hbm>> -> memref<20000x64xbf16, #tpu.memory_space<hbm>>
      tpu.wait_indirect_dma semaphore(%arg15 : memref<!tpu.dma_semaphore, #tpu.memory_space<semaphore_mem>>) src(%dma_wait3A_96 : memref<20000x64xbf16, #tpu.memory_space<hbm>>) dst(%arg11 : memref<128x64xbf16, #tpu.memory_space<vmem>>)
      %dma_start3A_97 = arith.constant 0 : i32
      %dma_start3A_98 = tpu.memref_slice %arg9[%add3A_90, %dma_start3A_97] : memref<164x128xi32, #tpu.memory_space<vmem>> -> memref<1x128xi32, #tpu.memory_space<vmem>>
      %dma_start3A_99 = tpu.memref_squeeze %dma_start3A_98 : memref<1x128xi32, #tpu.memory_space<vmem>> -> memref<128xi32, #tpu.memory_space<vmem>>
      %dma_start3A_100 = arith.constant 0 : i32
      %dma_start3A_101 = arith.constant 0 : i32
      %dma_start3A_102 = tpu.memref_slice %arg7[%dma_start3A_100, %dma_start3A_101] : memref<10112x64xbf16, #tpu.memory_space<vmem_shared>> -> memref<10112x64xbf16, #tpu.memory_space<vmem_shared>>
      tpu.enqueue_indirect_dma source(%arg11 : memref<128x64xbf16, #tpu.memory_space<vmem>>) target(%dma_start3A_102 : memref<10112x64xbf16, #tpu.memory_space<vmem_shared>>) offsets(%dma_start3A_99 : memref<128xi32, #tpu.memory_space<vmem>>) semaphore(%arg19 : memref<!tpu.dma_semaphore, #tpu.memory_space<semaphore_mem>>) {add = true}
      %sub3A_103 = arith.constant 1 : i32
      %sub3A_104 = arith.subi %add3A_90, %sub3A_103 : i32
      %add3A_105 = arith.constant 4 : i32
      %add3A_106 = arith.addi %sub3A_104, %add3A_105 : i32
      %ge3A_107 = arith.constant 1 : i32
      %ge3A_108 = arith.cmpi sge, %add3A_90, %ge3A_107 : i32
      %lt3A_109 = arith.constant 164 : i32
      %lt3A_110 = arith.cmpi slt, %add3A_106, %lt3A_109 : i32
      %and3A_111 = arith.andi %ge3A_108, %lt3A_110 : i1
      %convert_element_type3A_112 = arith.extui %and3A_111 : i1 to i32
      %cond3A_113 = arith.constant 0 : i32
      %cond3A_114 = arith.cmpi ne, %convert_element_type3A_112, %cond3A_113 : i32
      scf.if %cond3A_114 {
        %dma_wait3A_171 = arith.constant 0 : i32
        %dma_wait3A_172 = arith.constant 0 : i32
        %dma_wait3A_173 = tpu.memref_slice %arg9[%dma_wait3A_171, %dma_wait3A_172] : memref<164x128xi32, #tpu.memory_space<vmem>> -> memref<1x128xi32, #tpu.memory_space<vmem>>
        %dma_wait3A_174 = tpu.memref_squeeze %dma_wait3A_173 : memref<1x128xi32, #tpu.memory_space<vmem>> -> memref<128xi32, #tpu.memory_space<vmem>>
        %dma_wait3A_175 = arith.constant 0 : i32
        %dma_wait3A_176 = arith.constant 0 : i32
        %dma_wait3A_177 = tpu.memref_slice %arg7[%dma_wait3A_175, %dma_wait3A_176] : memref<10112x64xbf16, #tpu.memory_space<vmem_shared>> -> memref<10112x64xbf16, #tpu.memory_space<vmem_shared>>
        tpu.wait_indirect_dma semaphore(%arg18 : memref<!tpu.dma_semaphore, #tpu.memory_space<semaphore_mem>>) src(%arg10 : memref<128x64xbf16, #tpu.memory_space<vmem>>) dst(%dma_wait3A_177 : memref<10112x64xbf16, #tpu.memory_space<vmem_shared>>)
        %dma_start3A_178 = arith.constant 0 : i32
        %dma_start3A_179 = tpu.memref_slice %arg8[%add3A_106, %dma_start3A_178] : memref<164x128xi32, #tpu.memory_space<vmem>> -> memref<1x128xi32, #tpu.memory_space<vmem>>
        %dma_start3A_180 = tpu.memref_squeeze %dma_start3A_179 : memref<1x128xi32, #tpu.memory_space<vmem>> -> memref<128xi32, #tpu.memory_space<vmem>>
        %dma_start3A_181 = arith.constant 0 : i32
        %dma_start3A_182 = arith.constant 0 : i32
        %dma_start3A_183 = tpu.memref_slice %arg2[%dma_start3A_181, %dma_start3A_182] : memref<20000x64xbf16, #tpu.memory_space<hbm>> -> memref<20000x64xbf16, #tpu.memory_space<hbm>>
        tpu.enqueue_indirect_dma source(%dma_start3A_183 : memref<20000x64xbf16, #tpu.memory_space<hbm>>) target(%arg10 : memref<128x64xbf16, #tpu.memory_space<vmem>>) offsets(%dma_start3A_180 : memref<128xi32, #tpu.memory_space<vmem>>) semaphore(%arg14 : memref<!tpu.dma_semaphore, #tpu.memory_space<semaphore_mem>>)
      } else {
      }
      %mul3A_115 = arith.constant 4 : i32
      %mul3A_116 = arith.muli %scan3A_65, %mul3A_115 : i32
      %add3A_117 = arith.constant 2 : i32
      %add3A_118 = arith.addi %mul3A_116, %add3A_117 : i32
      %dma_wait3A_119 = arith.constant 0 : i32
      %dma_wait3A_120 = tpu.memref_slice %arg8[%add3A_118, %dma_wait3A_119] : memref<164x128xi32, #tpu.memory_space<vmem>> -> memref<1x128xi32, #tpu.memory_space<vmem>>
      %dma_wait3A_121 = tpu.memref_squeeze %dma_wait3A_120 : memref<1x128xi32, #tpu.memory_space<vmem>> -> memref<128xi32, #tpu.memory_space<vmem>>
      %dma_wait3A_122 = arith.constant 0 : i32
      %dma_wait3A_123 = arith.constant 0 : i32
      %dma_wait3A_124 = tpu.memref_slice %arg2[%dma_wait3A_122, %dma_wait3A_123] : memref<20000x64xbf16, #tpu.memory_space<hbm>> -> memref<20000x64xbf16, #tpu.memory_space<hbm>>
      tpu.wait_indirect_dma semaphore(%arg16 : memref<!tpu.dma_semaphore, #tpu.memory_space<semaphore_mem>>) src(%dma_wait3A_124 : memref<20000x64xbf16, #tpu.memory_space<hbm>>) dst(%arg12 : memref<128x64xbf16, #tpu.memory_space<vmem>>)
      %dma_start3A_125 = arith.constant 0 : i32
      %dma_start3A_126 = tpu.memref_slice %arg9[%add3A_118, %dma_start3A_125] : memref<164x128xi32, #tpu.memory_space<vmem>> -> memref<1x128xi32, #tpu.memory_space<vmem>>
      %dma_start3A_127 = tpu.memref_squeeze %dma_start3A_126 : memref<1x128xi32, #tpu.memory_space<vmem>> -> memref<128xi32, #tpu.memory_space<vmem>>
      %dma_start3A_128 = arith.constant 0 : i32
      %dma_start3A_129 = arith.constant 0 : i32
      %dma_start3A_130 = tpu.memref_slice %arg7[%dma_start3A_128, %dma_start3A_129] : memref<10112x64xbf16, #tpu.memory_space<vmem_shared>> -> memref<10112x64xbf16, #tpu.memory_space<vmem_shared>>
      tpu.enqueue_indirect_dma source(%arg12 : memref<128x64xbf16, #tpu.memory_space<vmem>>) target(%dma_start3A_130 : memref<10112x64xbf16, #tpu.memory_space<vmem_shared>>) offsets(%dma_start3A_127 : memref<128xi32, #tpu.memory_space<vmem>>) semaphore(%arg20 : memref<!tpu.dma_semaphore, #tpu.memory_space<semaphore_mem>>) {add = true}
      %sub3A_131 = arith.constant 1 : i32
      %sub3A_132 = arith.subi %add3A_118, %sub3A_131 : i32
      %add3A_133 = arith.constant 4 : i32
      %add3A_134 = arith.addi %sub3A_132, %add3A_133 : i32
      %ge3A_135 = arith.constant 1 : i32
      %ge3A_136 = arith.cmpi sge, %add3A_118, %ge3A_135 : i32
      %lt3A_137 = arith.constant 164 : i32
      %lt3A_138 = arith.cmpi slt, %add3A_134, %lt3A_137 : i32
      %and3A_139 = arith.andi %ge3A_136, %lt3A_138 : i1
      %convert_element_type3A_140 = arith.extui %and3A_139 : i1 to i32
      %cond3A_141 = arith.constant 0 : i32
      %cond3A_142 = arith.cmpi ne, %convert_element_type3A_140, %cond3A_141 : i32
      scf.if %cond3A_142 {
        %dma_wait3A_171 = arith.constant 0 : i32
        %dma_wait3A_172 = arith.constant 0 : i32
        %dma_wait3A_173 = tpu.memref_slice %arg9[%dma_wait3A_171, %dma_wait3A_172] : memref<164x128xi32, #tpu.memory_space<vmem>> -> memref<1x128xi32, #tpu.memory_space<vmem>>
        %dma_wait3A_174 = tpu.memref_squeeze %dma_wait3A_173 : memref<1x128xi32, #tpu.memory_space<vmem>> -> memref<128xi32, #tpu.memory_space<vmem>>
        %dma_wait3A_175 = arith.constant 0 : i32
        %dma_wait3A_176 = arith.constant 0 : i32
        %dma_wait3A_177 = tpu.memref_slice %arg7[%dma_wait3A_175, %dma_wait3A_176] : memref<10112x64xbf16, #tpu.memory_space<vmem_shared>> -> memref<10112x64xbf16, #tpu.memory_space<vmem_shared>>
        tpu.wait_indirect_dma semaphore(%arg19 : memref<!tpu.dma_semaphore, #tpu.memory_space<semaphore_mem>>) src(%arg11 : memref<128x64xbf16, #tpu.memory_space<vmem>>) dst(%dma_wait3A_177 : memref<10112x64xbf16, #tpu.memory_space<vmem_shared>>)
        %dma_start3A_178 = arith.constant 0 : i32
        %dma_start3A_179 = tpu.memref_slice %arg8[%add3A_134, %dma_start3A_178] : memref<164x128xi32, #tpu.memory_space<vmem>> -> memref<1x128xi32, #tpu.memory_space<vmem>>
        %dma_start3A_180 = tpu.memref_squeeze %dma_start3A_179 : memref<1x128xi32, #tpu.memory_space<vmem>> -> memref<128xi32, #tpu.memory_space<vmem>>
        %dma_start3A_181 = arith.constant 0 : i32
        %dma_start3A_182 = arith.constant 0 : i32
        %dma_start3A_183 = tpu.memref_slice %arg2[%dma_start3A_181, %dma_start3A_182] : memref<20000x64xbf16, #tpu.memory_space<hbm>> -> memref<20000x64xbf16, #tpu.memory_space<hbm>>
        tpu.enqueue_indirect_dma source(%dma_start3A_183 : memref<20000x64xbf16, #tpu.memory_space<hbm>>) target(%arg11 : memref<128x64xbf16, #tpu.memory_space<vmem>>) offsets(%dma_start3A_180 : memref<128xi32, #tpu.memory_space<vmem>>) semaphore(%arg15 : memref<!tpu.dma_semaphore, #tpu.memory_space<semaphore_mem>>)
      } else {
      }
      %mul3A_143 = arith.constant 4 : i32
      %mul3A_144 = arith.muli %scan3A_65, %mul3A_143 : i32
      %add3A_145 = arith.constant 3 : i32
      %add3A_146 = arith.addi %mul3A_144, %add3A_145 : i32
      %dma_wait3A_147 = arith.constant 0 : i32
      %dma_wait3A_148 = tpu.memref_slice %arg8[%add3A_146, %dma_wait3A_147] : memref<164x128xi32, #tpu.memory_space<vmem>> -> memref<1x128xi32, #tpu.memory_space<vmem>>
      %dma_wait3A_149 = tpu.memref_squeeze %dma_wait3A_148 : memref<1x128xi32, #tpu.memory_space<vmem>> -> memref<128xi32, #tpu.memory_space<vmem>>
      %dma_wait3A_150 = arith.constant 0 : i32
      %dma_wait3A_151 = arith.constant 0 : i32
      %dma_wait3A_152 = tpu.memref_slice %arg2[%dma_wait3A_150, %dma_wait3A_151] : memref<20000x64xbf16, #tpu.memory_space<hbm>> -> memref<20000x64xbf16, #tpu.memory_space<hbm>>
      tpu.wait_indirect_dma semaphore(%arg17 : memref<!tpu.dma_semaphore, #tpu.memory_space<semaphore_mem>>) src(%dma_wait3A_152 : memref<20000x64xbf16, #tpu.memory_space<hbm>>) dst(%arg13 : memref<128x64xbf16, #tpu.memory_space<vmem>>)
      %dma_start3A_153 = arith.constant 0 : i32
      %dma_start3A_154 = tpu.memref_slice %arg9[%add3A_146, %dma_start3A_153] : memref<164x128xi32, #tpu.memory_space<vmem>> -> memref<1x128xi32, #tpu.memory_space<vmem>>
      %dma_start3A_155 = tpu.memref_squeeze %dma_start3A_154 : memref<1x128xi32, #tpu.memory_space<vmem>> -> memref<128xi32, #tpu.memory_space<vmem>>
      %dma_start3A_156 = arith.constant 0 : i32
      %dma_start3A_157 = arith.constant 0 : i32
      %dma_start3A_158 = tpu.memref_slice %arg7[%dma_start3A_156, %dma_start3A_157] : memref<10112x64xbf16, #tpu.memory_space<vmem_shared>> -> memref<10112x64xbf16, #tpu.memory_space<vmem_shared>>
      tpu.enqueue_indirect_dma source(%arg13 : memref<128x64xbf16, #tpu.memory_space<vmem>>) target(%dma_start3A_158 : memref<10112x64xbf16, #tpu.memory_space<vmem_shared>>) offsets(%dma_start3A_155 : memref<128xi32, #tpu.memory_space<vmem>>) semaphore(%arg21 : memref<!tpu.dma_semaphore, #tpu.memory_space<semaphore_mem>>) {add = true}
      %sub3A_159 = arith.constant 1 : i32
      %sub3A_160 = arith.subi %add3A_146, %sub3A_159 : i32
      %add3A_161 = arith.constant 4 : i32
      %add3A_162 = arith.addi %sub3A_160, %add3A_161 : i32
      %ge3A_163 = arith.constant 1 : i32
      %ge3A_164 = arith.cmpi sge, %add3A_146, %ge3A_163 : i32
      %lt3A_165 = arith.constant 164 : i32
      %lt3A_166 = arith.cmpi slt, %add3A_162, %lt3A_165 : i32
      %and3A_167 = arith.andi %ge3A_164, %lt3A_166 : i1
      %convert_element_type3A_168 = arith.extui %and3A_167 : i1 to i32
      %cond3A_169 = arith.constant 0 : i32
      %cond3A_170 = arith.cmpi ne, %convert_element_type3A_168, %cond3A_169 : i32
      scf.if %cond3A_170 {
        %dma_wait3A_171 = arith.constant 0 : i32
        %dma_wait3A_172 = arith.constant 0 : i32
        %dma_wait3A_173 = tpu.memref_slice %arg9[%dma_wait3A_171, %dma_wait3A_172] : memref<164x128xi32, #tpu.memory_space<vmem>> -> memref<1x128xi32, #tpu.memory_space<vmem>>
        %dma_wait3A_174 = tpu.memref_squeeze %dma_wait3A_173 : memref<1x128xi32, #tpu.memory_space<vmem>> -> memref<128xi32, #tpu.memory_space<vmem>>
        %dma_wait3A_175 = arith.constant 0 : i32
        %dma_wait3A_176 = arith.constant 0 : i32
        %dma_wait3A_177 = tpu.memref_slice %arg7[%dma_wait3A_175, %dma_wait3A_176] : memref<10112x64xbf16, #tpu.memory_space<vmem_shared>> -> memref<10112x64xbf16, #tpu.memory_space<vmem_shared>>
        tpu.wait_indirect_dma semaphore(%arg20 : memref<!tpu.dma_semaphore, #tpu.memory_space<semaphore_mem>>) src(%arg12 : memref<128x64xbf16, #tpu.memory_space<vmem>>) dst(%dma_wait3A_177 : memref<10112x64xbf16, #tpu.memory_space<vmem_shared>>)
        %dma_start3A_178 = arith.constant 0 : i32
        %dma_start3A_179 = tpu.memref_slice %arg8[%add3A_162, %dma_start3A_178] : memref<164x128xi32, #tpu.memory_space<vmem>> -> memref<1x128xi32, #tpu.memory_space<vmem>>
        %dma_start3A_180 = tpu.memref_squeeze %dma_start3A_179 : memref<1x128xi32, #tpu.memory_space<vmem>> -> memref<128xi32, #tpu.memory_space<vmem>>
        %dma_start3A_181 = arith.constant 0 : i32
        %dma_start3A_182 = arith.constant 0 : i32
        %dma_start3A_183 = tpu.memref_slice %arg2[%dma_start3A_181, %dma_start3A_182] : memref<20000x64xbf16, #tpu.memory_space<hbm>> -> memref<20000x64xbf16, #tpu.memory_space<hbm>>
        tpu.enqueue_indirect_dma source(%dma_start3A_183 : memref<20000x64xbf16, #tpu.memory_space<hbm>>) target(%arg12 : memref<128x64xbf16, #tpu.memory_space<vmem>>) offsets(%dma_start3A_180 : memref<128xi32, #tpu.memory_space<vmem>>) semaphore(%arg16 : memref<!tpu.dma_semaphore, #tpu.memory_space<semaphore_mem>>)
      } else {
      }
    }
    %scan3A_32 = arith.constant 41 : i32
    %dma_wait3A = arith.constant 0 : i32
    %dma_wait3A_33 = arith.constant 0 : i32
    %dma_wait3A_34 = tpu.memref_slice %arg9[%dma_wait3A, %dma_wait3A_33] : memref<164x128xi32, #tpu.memory_space<vmem>> -> memref<1x128xi32, #tpu.memory_space<vmem>>
    %dma_wait3A_35 = tpu.memref_squeeze %dma_wait3A_34 : memref<1x128xi32, #tpu.memory_space<vmem>> -> memref<128xi32, #tpu.memory_space<vmem>>
    %dma_wait3A_36 = arith.constant 0 : i32
    %dma_wait3A_37 = arith.constant 0 : i32
    %dma_wait3A_38 = tpu.memref_slice %arg7[%dma_wait3A_36, %dma_wait3A_37] : memref<10112x64xbf16, #tpu.memory_space<vmem_shared>> -> memref<10112x64xbf16, #tpu.memory_space<vmem_shared>>
    tpu.wait_indirect_dma semaphore(%arg18 : memref<!tpu.dma_semaphore, #tpu.memory_space<semaphore_mem>>) src(%arg10 : memref<128x64xbf16, #tpu.memory_space<vmem>>) dst(%dma_wait3A_38 : memref<10112x64xbf16, #tpu.memory_space<vmem_shared>>)
    %dma_wait3A_39 = arith.constant 0 : i32
    %dma_wait3A_40 = arith.constant 0 : i32
    %dma_wait3A_41 = tpu.memref_slice %arg9[%dma_wait3A_39, %dma_wait3A_40] : memref<164x128xi32, #tpu.memory_space<vmem>> -> memref<1x128xi32, #tpu.memory_space<vmem>>
    %dma_wait3A_42 = tpu.memref_squeeze %dma_wait3A_41 : memref<1x128xi32, #tpu.memory_space<vmem>> -> memref<128xi32, #tpu.memory_space<vmem>>
    %dma_wait3A_43 = arith.constant 0 : i32
    %dma_wait3A_44 = arith.constant 0 : i32
    %dma_wait3A_45 = tpu.memref_slice %arg7[%dma_wait3A_43, %dma_wait3A_44] : memref<10112x64xbf16, #tpu.memory_space<vmem_shared>> -> memref<10112x64xbf16, #tpu.memory_space<vmem_shared>>
    tpu.wait_indirect_dma semaphore(%arg19 : memref<!tpu.dma_semaphore, #tpu.memory_space<semaphore_mem>>) src(%arg11 : memref<128x64xbf16, #tpu.memory_space<vmem>>) dst(%dma_wait3A_45 : memref<10112x64xbf16, #tpu.memory_space<vmem_shared>>)
    %dma_wait3A_46 = arith.constant 0 : i32
    %dma_wait3A_47 = arith.constant 0 : i32
    %dma_wait3A_48 = tpu.memref_slice %arg9[%dma_wait3A_46, %dma_wait3A_47] : memref<164x128xi32, #tpu.memory_space<vmem>> -> memref<1x128xi32, #tpu.memory_space<vmem>>
    %dma_wait3A_49 = tpu.memref_squeeze %dma_wait3A_48 : memref<1x128xi32, #tpu.memory_space<vmem>> -> memref<128xi32, #tpu.memory_space<vmem>>
    %dma_wait3A_50 = arith.constant 0 : i32
    %dma_wait3A_51 = arith.constant 0 : i32
    %dma_wait3A_52 = tpu.memref_slice %arg7[%dma_wait3A_50, %dma_wait3A_51] : memref<10112x64xbf16, #tpu.memory_space<vmem_shared>> -> memref<10112x64xbf16, #tpu.memory_space<vmem_shared>>
    tpu.wait_indirect_dma semaphore(%arg20 : memref<!tpu.dma_semaphore, #tpu.memory_space<semaphore_mem>>) src(%arg12 : memref<128x64xbf16, #tpu.memory_space<vmem>>) dst(%dma_wait3A_52 : memref<10112x64xbf16, #tpu.memory_space<vmem_shared>>)
    %dma_wait3A_53 = arith.constant 0 : i32
    %dma_wait3A_54 = arith.constant 0 : i32
    %dma_wait3A_55 = tpu.memref_slice %arg9[%dma_wait3A_53, %dma_wait3A_54] : memref<164x128xi32, #tpu.memory_space<vmem>> -> memref<1x128xi32, #tpu.memory_space<vmem>>
    %dma_wait3A_56 = tpu.memref_squeeze %dma_wait3A_55 : memref<1x128xi32, #tpu.memory_space<vmem>> -> memref<128xi32, #tpu.memory_space<vmem>>
    %dma_wait3A_57 = arith.constant 0 : i32
    %dma_wait3A_58 = arith.constant 0 : i32
    %dma_wait3A_59 = tpu.memref_slice %arg7[%dma_wait3A_57, %dma_wait3A_58] : memref<10112x64xbf16, #tpu.memory_space<vmem_shared>> -> memref<10112x64xbf16, #tpu.memory_space<vmem_shared>>
    tpu.wait_indirect_dma semaphore(%arg21 : memref<!tpu.dma_semaphore, #tpu.memory_space<semaphore_mem>>) src(%arg13 : memref<128x64xbf16, #tpu.memory_space<vmem>>) dst(%dma_wait3A_59 : memref<10112x64xbf16, #tpu.memory_space<vmem_shared>>)
    %barrier3A_60 = arith.constant 0 : index
    tpu.barrier barrier_id(%barrier3A_60)
    %mul3A_61 = arith.constant 632 : i32
    %mul3A_62 = arith.muli %arg1, %mul3A_61 : i32
    %mul3A_63 = arith.constant 632 : i32
    %mul3A_64 = arith.muli %arg1, %mul3A_63 : i32
    "tpu.region"() ({
      %run_scoped3A = tpu.sem_alloc : memref<!tpu.dma_semaphore, #tpu.memory_space<semaphore_mem>>
      %dma_start3A_65 = arith.constant 0 : i32
      %dma_start3A_66 = tpu.memref_slice %arg6[%arg0, %mul3A_64, %dma_start3A_65] : memref<2x10112x64xbf16, #tpu.memory_space<hbm>> -> memref<1x632x64xbf16, #tpu.memory_space<hbm>>
      %dma_start3A_67 = tpu.memref_squeeze %dma_start3A_66 : memref<1x632x64xbf16, #tpu.memory_space<hbm>> -> memref<632x64xbf16, #tpu.memory_space<hbm>>
      %dma_start3A_68 = arith.constant 0 : i32
      %dma_start3A_69 = tpu.memref_slice %arg7[%mul3A_62, %dma_start3A_68] : memref<10112x64xbf16, #tpu.memory_space<vmem_shared>> -> memref<632x64xbf16, #tpu.memory_space<vmem_shared>>
      tpu.enqueue_dma source(%dma_start3A_69 : memref<632x64xbf16, #tpu.memory_space<vmem_shared>>) target(%dma_start3A_67 : memref<632x64xbf16, #tpu.memory_space<hbm>>) target_semaphore(%run_scoped3A : memref<!tpu.dma_semaphore, #tpu.memory_space<semaphore_mem>>)
      %dma_wait3A_70 = arith.constant 0 : i32
      %dma_wait3A_71 = tpu.memref_slice %arg6[%arg0, %mul3A_64, %dma_wait3A_70] : memref<2x10112x64xbf16, #tpu.memory_space<hbm>> -> memref<1x632x64xbf16, #tpu.memory_space<hbm>>
      %dma_wait3A_72 = tpu.memref_squeeze %dma_wait3A_71 : memref<1x632x64xbf16, #tpu.memory_space<hbm>> -> memref<632x64xbf16, #tpu.memory_space<hbm>>
      %dma_wait3A_73 = arith.constant 0 : i32
      %dma_wait3A_74 = tpu.memref_slice %arg7[%mul3A_62, %dma_wait3A_73] : memref<10112x64xbf16, #tpu.memory_space<vmem_shared>> -> memref<632x64xbf16, #tpu.memory_space<vmem_shared>>
      tpu.wait_dma2 semaphore(%run_scoped3A : memref<!tpu.dma_semaphore, #tpu.memory_space<semaphore_mem>>) src(%dma_wait3A_74 : memref<632x64xbf16, #tpu.memory_space<vmem_shared>>) dst(%dma_wait3A_72 : memref<632x64xbf16, #tpu.memory_space<hbm>>)
      tpu.yield
    }) : () -> ()
    return
  }
}

module attributes {stable_mosaic.version = 14 : i64} {
  func.func @_mm_body(%arg0: i32, %arg1: memref<400x128xf32, #tpu.memory_space<vmem>>, %arg2: memref<128x128xf32, #tpu.memory_space<vmem>>, %arg3: memref<2x400x1xf32, #tpu.memory_space<vmem>>, %arg4: memref<2x400x64xbf16, #tpu.memory_space<vmem>>) attributes {dimension_semantics = [#tpu.dimension_semantics<arbitrary>], iteration_bounds = array<i64: 25>, scalar_prefetch = 0 : i64, scratch_operands = 0 : i64, tpu.core_type = #tpu.core_type<tc>, window_params = [{transform_indices = @transform_0, window_bounds = array<i64: 400, 128>}, {pipeline_mode = #tpu.pipeline_mode<synchronous>, transform_indices = @transform_1, window_bounds = array<i64: 128, 128>}, {transform_indices = @transform_2, window_bounds = array<i64: 2, 400, 1>}, {transform_indices = @transform_3, window_bounds = array<i64: 2, 400, 64>}]} {
    %get3A = arith.constant 0 : index
    %get3A_0 = arith.constant 0 : index
    %get3A_1 = arith.constant 0 : index
    %get3A_2 = vector.load %arg3[%get3A, %get3A_0, %get3A_1] : memref<2x400x1xf32, #tpu.memory_space<vmem>>, vector<1x400x1xf32>
    %get3A_3 = vector.shape_cast %get3A_2 : vector<1x400x1xf32> to vector<400x1xf32>
    %get3A_4 = arith.constant 1 : index
    %get3A_5 = arith.constant 0 : index
    %get3A_6 = arith.constant 0 : index
    %get3A_7 = vector.load %arg3[%get3A_4, %get3A_5, %get3A_6] : memref<2x400x1xf32, #tpu.memory_space<vmem>>, vector<1x400x1xf32>
    %get3A_8 = vector.shape_cast %get3A_7 : vector<1x400x1xf32> to vector<400x1xf32>
    %add3A = arith.addf %get3A_3, %get3A_8 : vector<400x1xf32>
    %rsqrt3A = math.rsqrt %add3A : vector<400x1xf32>
    %get3A_9 = arith.constant 0 : index
    %get3A_10 = arith.constant 0 : index
    %get3A_11 = vector.load %arg1[%get3A_9, %get3A_10] : memref<400x128xf32, #tpu.memory_space<vmem>>, vector<400x128xf32>
    %get3A_12 = arith.constant 0 : index
    %get3A_13 = arith.constant 0 : index
    %get3A_14 = vector.load %arg2[%get3A_12, %get3A_13] : memref<128x128xf32, #tpu.memory_space<vmem>>, vector<128x128xf32>
    %dot_general3A = arith.constant dense<0.000000e+00> : vector<400x128xf32>
    %dot_general3A_15 = tpu.matmul %get3A_11, %get3A_14, %dot_general3A {dimension_numbers = #tpu.dot_dimension_numbers<[1], [0], [0], [1], [0, 0, 1, 1], [], []>, transpose_lhs_hint = false} : vector<400x128xf32>, vector<128x128xf32>, vector<400x128xf32> -> vector<400x128xf32>
    %mul3A = vector.broadcast %rsqrt3A : vector<400x1xf32> to vector<400x128xf32>
    %mul3A_16 = arith.mulf %dot_general3A_15, %mul3A : vector<400x128xf32>
    %convert_element_type3A = arith.truncf %mul3A_16 : vector<400x128xf32> to vector<400x128xbf16>
    %slice3A = vector.extract_strided_slice %convert_element_type3A {offsets = [0, 0], sizes = [400, 64], strides = [1, 1]} : vector<400x128xbf16> to vector<400x64xbf16>
    %swap3A = arith.constant 0 : index
    %swap3A_17 = arith.constant 0 : index
    %swap3A_18 = arith.constant 0 : index
    %swap3A_19 = vector.load %arg4[%swap3A, %swap3A_17, %swap3A_18] : memref<2x400x64xbf16, #tpu.memory_space<vmem>>, vector<1x400x64xbf16>
    %swap3A_20 = vector.shape_cast %swap3A_19 : vector<1x400x64xbf16> to vector<400x64xbf16>
    %swap3A_21 = vector.shape_cast %slice3A : vector<400x64xbf16> to vector<1x400x64xbf16>
    tpu.vector_store %arg4[%swap3A, %swap3A_17, %swap3A_18], %swap3A_21 {strides = array<i32>} : memref<2x400x64xbf16, #tpu.memory_space<vmem>>, vector<1x400x64xbf16>,
    %slice3A_22 = vector.extract_strided_slice %convert_element_type3A {offsets = [0, 64], sizes = [400, 64], strides = [1, 1]} : vector<400x128xbf16> to vector<400x64xbf16>
    %swap3A_23 = arith.constant 1 : index
    %swap3A_24 = arith.constant 0 : index
    %swap3A_25 = arith.constant 0 : index
    %swap3A_26 = vector.load %arg4[%swap3A_23, %swap3A_24, %swap3A_25] : memref<2x400x64xbf16, #tpu.memory_space<vmem>>, vector<1x400x64xbf16>
    %swap3A_27 = vector.shape_cast %swap3A_26 : vector<1x400x64xbf16> to vector<400x64xbf16>
    %swap3A_28 = vector.shape_cast %slice3A_22 : vector<400x64xbf16> to vector<1x400x64xbf16>
    tpu.vector_store %arg4[%swap3A_23, %swap3A_24, %swap3A_25], %swap3A_28 {strides = array<i32>} : memref<2x400x64xbf16, #tpu.memory_space<vmem>>, vector<1x400x64xbf16>,
    return
  }
  func.func @transform_0(%arg0: i32) -> (i32, i32) {
    %c0_i32 = arith.constant 0 : i32
    %c0_i32_0 = arith.constant 0 : i32
    return %arg0, %c0_i32 : i32, i32
  }
  func.func @transform_1(%arg0: i32) -> (i32, i32) {
    %c0_i32 = arith.constant 0 : i32
    %c0_i32_0 = arith.constant 0 : i32
    %c0_i32_1 = arith.constant 0 : i32
    return %c0_i32, %c0_i32_0 : i32, i32
  }
  func.func @transform_2(%arg0: i32) -> (i32, i32, i32) {
    %c0_i32 = arith.constant 0 : i32
    %c0_i32_0 = arith.constant 0 : i32
    %c0_i32_1 = arith.constant 0 : i32
    return %c0_i32, %arg0, %c0_i32_0 : i32, i32, i32
  }
  func.func @transform_3(%arg0: i32) -> (i32, i32, i32) {
    %c0_i32 = arith.constant 0 : i32
    %c0_i32_0 = arith.constant 0 : i32
    %c0_i32_1 = arith.constant 0 : i32
    return %c0_i32, %arg0, %c0_i32_0 : i32, i32, i32
  }
}

module attributes {stable_mosaic.version = 14 : i64} {
  func.func @_post_body(%arg0: i32, %arg1: memref<2x400x64xbf16, #tpu.memory_space<vmem>>, %arg2: memref<2x400x1xf32, #tpu.memory_space<vmem>>, %arg3: memref<1x128xf32, #tpu.memory_space<vmem>>, %arg4: memref<400x128xf32, #tpu.memory_space<vmem>>, %arg5: memref<2x128xf32, #tpu.memory_space<vmem>>, %arg6: memref<2x128xf32, #tpu.memory_space<vmem>>) attributes {dimension_semantics = [#tpu.dimension_semantics<arbitrary>], iteration_bounds = array<i64: 25>, scalar_prefetch = 0 : i64, scratch_operands = 1 : i64, tpu.core_type = #tpu.core_type<tc>, window_params = [{transform_indices = @transform_0, window_bounds = array<i64: 2, 400, 64>}, {transform_indices = @transform_1, window_bounds = array<i64: 2, 400, 1>}, {pipeline_mode = #tpu.pipeline_mode<synchronous>, transform_indices = @transform_2, window_bounds = array<i64: 1, 128>}, {transform_indices = @transform_3, window_bounds = array<i64: 400, 128>}, {pipeline_mode = #tpu.pipeline_mode<synchronous>, transform_indices = @transform_4, window_bounds = array<i64: 2, 128>}]} {
    %get3A = arith.constant 0 : index
    %get3A_0 = arith.constant 0 : index
    %get3A_1 = arith.constant 0 : index
    %get3A_2 = vector.load %arg2[%get3A, %get3A_0, %get3A_1] : memref<2x400x1xf32, #tpu.memory_space<vmem>>, vector<1x400x1xf32>
    %get3A_3 = vector.shape_cast %get3A_2 : vector<1x400x1xf32> to vector<400x1xf32>
    %get3A_4 = arith.constant 1 : index
    %get3A_5 = arith.constant 0 : index
    %get3A_6 = arith.constant 0 : index
    %get3A_7 = vector.load %arg2[%get3A_4, %get3A_5, %get3A_6] : memref<2x400x1xf32, #tpu.memory_space<vmem>>, vector<1x400x1xf32>
    %get3A_8 = vector.shape_cast %get3A_7 : vector<1x400x1xf32> to vector<400x1xf32>
    %add3A = arith.addf %get3A_3, %get3A_8 : vector<400x1xf32>
    %rsqrt3A = math.rsqrt %add3A : vector<400x1xf32>
    %get3A_9 = arith.constant 0 : index
    %get3A_10 = arith.constant 0 : index
    %get3A_11 = arith.constant 0 : index
    %get3A_12 = vector.load %arg1[%get3A_9, %get3A_10, %get3A_11] : memref<2x400x64xbf16, #tpu.memory_space<vmem>>, vector<1x400x64xbf16>
    %get3A_13 = vector.shape_cast %get3A_12 : vector<1x400x64xbf16> to vector<400x64xbf16>
    %get3A_14 = arith.constant 1 : index
    %get3A_15 = arith.constant 0 : index
    %get3A_16 = arith.constant 0 : index
    %get3A_17 = vector.load %arg1[%get3A_14, %get3A_15, %get3A_16] : memref<2x400x64xbf16, #tpu.memory_space<vmem>>, vector<1x400x64xbf16>
    %get3A_18 = vector.shape_cast %get3A_17 : vector<1x400x64xbf16> to vector<400x64xbf16>
    %concatenate3A = tpu.concatenate %get3A_13, %get3A_18 in 1 : vector<400x64xbf16>, vector<400x64xbf16> -> vector<400x128xbf16>
    %convert_element_type3A = arith.extf %concatenate3A : vector<400x128xbf16> to vector<400x128xf32>
    %mul3A = vector.broadcast %rsqrt3A : vector<400x1xf32> to vector<400x128xf32>
    %mul3A_19 = arith.mulf %convert_element_type3A, %mul3A : vector<400x128xf32>
    %get3A_20 = arith.constant 0 : index
    %get3A_21 = arith.constant 0 : index
    %get3A_22 = vector.load %arg3[%get3A_20, %get3A_21] : memref<1x128xf32, #tpu.memory_space<vmem>>, vector<1x128xf32>
    %add3A_23 = vector.broadcast %get3A_22 : vector<1x128xf32> to vector<400x128xf32>
    %add3A_24 = arith.addf %mul3A_19, %add3A_23 : vector<400x128xf32>
    %swap3A = arith.constant 0 : index
    %swap3A_25 = arith.constant 0 : index
    %swap3A_26 = vector.load %arg4[%swap3A, %swap3A_25] : memref<400x128xf32, #tpu.memory_space<vmem>>, vector<400x128xf32>
    tpu.vector_store %arg4[%swap3A, %swap3A_25], %add3A_24 {strides = array<i32>} : memref<400x128xf32, #tpu.memory_space<vmem>>, vector<400x128xf32>,
    %eq3A = arith.constant 0 : i32
    %eq3A_27 = arith.cmpi eq, %arg0, %eq3A : i32
    %convert_element_type3A_28 = arith.extui %eq3A_27 : i1 to i32
    %cond3A = arith.constant 0 : i32
    %cond3A_29 = arith.cmpi ne, %convert_element_type3A_28, %cond3A : i32
    scf.if %cond3A_29 {
      %broadcast_in_dim3A_54 = arith.constant 0.000000e+00 : f32
      %broadcast_in_dim3A_55 = vector.broadcast %broadcast_in_dim3A_54 : f32 to vector<2x128xf32>
      %swap3A_56 = arith.constant 0 : index
      %swap3A_57 = arith.constant 0 : index
      %swap3A_58 = vector.load %arg6[%swap3A_56, %swap3A_57] : memref<2x128xf32, #tpu.memory_space<vmem>>, vector<2x128xf32>
      tpu.vector_store %arg6[%swap3A_56, %swap3A_57], %broadcast_in_dim3A_55 {strides = array<i32>} : memref<2x128xf32, #tpu.memory_space<vmem>>, vector<2x128xf32>,
    } else {
    }
    %get3A_30 = arith.constant 0 : index
    %get3A_31 = arith.constant 0 : index
    %get3A_32 = vector.load %arg6[%get3A_30, %get3A_31] : memref<2x128xf32, #tpu.memory_space<vmem>>, vector<1x128xf32>
    %reduce_sum3A = arith.constant dense<0.000000e+00> : vector<128xf32>
    %reduce_sum3A_33 = vector.multi_reduction <add>, %add3A_24, %reduce_sum3A [0] : vector<400x128xf32> to vector<128xf32>
    %broadcast_in_dim3A = vector.shape_cast %reduce_sum3A_33 : vector<128xf32> to vector<1x128xf32>
    %add3A_34 = arith.addf %get3A_32, %broadcast_in_dim3A : vector<1x128xf32>
    %swap3A_35 = arith.constant 0 : index
    %swap3A_36 = arith.constant 0 : index
    %swap3A_37 = vector.load %arg6[%swap3A_35, %swap3A_36] : memref<2x128xf32, #tpu.memory_space<vmem>>, vector<1x128xf32>
    tpu.vector_store %arg6[%swap3A_35, %swap3A_36], %add3A_34 {strides = array<i32>} : memref<2x128xf32, #tpu.memory_space<vmem>>, vector<1x128xf32>,
    %get3A_38 = arith.constant 1 : index
    %get3A_39 = arith.constant 0 : index
    %get3A_40 = vector.load %arg6[%get3A_38, %get3A_39] : memref<2x128xf32, #tpu.memory_space<vmem>>, vector<1x128xf32>
    %mul3A_41 = arith.mulf %add3A_24, %add3A_24 : vector<400x128xf32>
    %reduce_sum3A_42 = arith.constant dense<0.000000e+00> : vector<128xf32>
    %reduce_sum3A_43 = vector.multi_reduction <add>, %mul3A_41, %reduce_sum3A_42 [0] : vector<400x128xf32> to vector<128xf32>
    %broadcast_in_dim3A_44 = vector.shape_cast %reduce_sum3A_43 : vector<128xf32> to vector<1x128xf32>
    %add3A_45 = arith.addf %get3A_40, %broadcast_in_dim3A_44 : vector<1x128xf32>
    %swap3A_46 = arith.constant 1 : index
    %swap3A_47 = arith.constant 0 : index
    %swap3A_48 = vector.load %arg6[%swap3A_46, %swap3A_47] : memref<2x128xf32, #tpu.memory_space<vmem>>, vector<1x128xf32>
    tpu.vector_store %arg6[%swap3A_46, %swap3A_47], %add3A_45 {strides = array<i32>} : memref<2x128xf32, #tpu.memory_space<vmem>>, vector<1x128xf32>,
    %eq3A_49 = arith.constant 24 : i32
    %eq3A_50 = arith.cmpi eq, %arg0, %eq3A_49 : i32
    %convert_element_type3A_51 = arith.extui %eq3A_50 : i1 to i32
    %cond3A_52 = arith.constant 0 : i32
    %cond3A_53 = arith.cmpi ne, %convert_element_type3A_51, %cond3A_52 : i32
    scf.if %cond3A_53 {
      %get3A_54 = arith.constant 0 : index
      %get3A_55 = arith.constant 0 : index
      %get3A_56 = vector.load %arg6[%get3A_54, %get3A_55] : memref<2x128xf32, #tpu.memory_space<vmem>>, vector<1x128xf32>
      %div3A = arith.constant 1.000000e+04 : f32
      %div3A_57 = vector.broadcast %div3A : f32 to vector<1x128xf32>
      %div3A_58 = arith.divf %get3A_56, %div3A_57 : vector<1x128xf32>
      %get3A_59 = arith.constant 1 : index
      %get3A_60 = arith.constant 0 : index
      %get3A_61 = vector.load %arg6[%get3A_59, %get3A_60] : memref<2x128xf32, #tpu.memory_space<vmem>>, vector<1x128xf32>
      %div3A_62 = arith.constant 1.000000e+04 : f32
      %div3A_63 = vector.broadcast %div3A_62 : f32 to vector<1x128xf32>
      %div3A_64 = arith.divf %get3A_61, %div3A_63 : vector<1x128xf32>
      %mul3A_65 = arith.mulf %div3A_58, %div3A_58 : vector<1x128xf32>
      %sub3A = arith.subf %div3A_64, %mul3A_65 : vector<1x128xf32>
      %concatenate3A_66 = tpu.concatenate %div3A_58, %sub3A in 0 : vector<1x128xf32>, vector<1x128xf32> -> vector<2x128xf32>
      %swap3A_67 = arith.constant 0 : index
      %swap3A_68 = arith.constant 0 : index
      %swap3A_69 = vector.load %arg5[%swap3A_67, %swap3A_68] : memref<2x128xf32, #tpu.memory_space<vmem>>, vector<2x128xf32>
      tpu.vector_store %arg5[%swap3A_67, %swap3A_68], %concatenate3A_66 {strides = array<i32>} : memref<2x128xf32, #tpu.memory_space<vmem>>, vector<2x128xf32>,
    } else {
    }
    return
  }
  func.func @transform_0(%arg0: i32) -> (i32, i32, i32) {
    %c0_i32 = arith.constant 0 : i32
    %c0_i32_0 = arith.constant 0 : i32
    %c0_i32_1 = arith.constant 0 : i32
    return %c0_i32, %arg0, %c0_i32_0 : i32, i32, i32
  }
  func.func @transform_1(%arg0: i32) -> (i32, i32, i32) {
    %c0_i32 = arith.constant 0 : i32
    %c0_i32_0 = arith.constant 0 : i32
    %c0_i32_1 = arith.constant 0 : i32
    return %c0_i32, %arg0, %c0_i32_0 : i32, i32, i32
  }
  func.func @transform_2(%arg0: i32) -> (i32, i32) {
    %c0_i32 = arith.constant 0 : i32
    %c0_i32_0 = arith.constant 0 : i32
    %c0_i32_1 = arith.constant 0 : i32
    return %c0_i32, %c0_i32_0 : i32, i32
  }
  func.func @transform_3(%arg0: i32) -> (i32, i32) {
    %c0_i32 = arith.constant 0 : i32
    %c0_i32_0 = arith.constant 0 : i32
    return %arg0, %c0_i32 : i32, i32
  }
  func.func @transform_4(%arg0: i32) -> (i32, i32) {
    %c0_i32 = arith.constant 0 : i32
    %c0_i32_0 = arith.constant 0 : i32
    %c0_i32_1 = arith.constant 0 : i32
    return %c0_i32, %c0_i32_0 : i32, i32
  }
}

module attributes {stable_mosaic.version = 14 : i64} {
  func.func @_bnmm_body(%arg0: i32, %arg1: memref<400x128xf32, #tpu.memory_space<vmem>>, %arg2: memref<2x128xf32, #tpu.memory_space<vmem>>, %arg3: memref<1x128xf32, #tpu.memory_space<vmem>>, %arg4: memref<1x128xf32, #tpu.memory_space<vmem>>, %arg5: memref<128x128xf32, #tpu.memory_space<vmem>>, %arg6: memref<2x400x1xf32, #tpu.memory_space<vmem>>, %arg7: memref<2x400x64xbf16, #tpu.memory_space<vmem>>) attributes {dimension_semantics = [#tpu.dimension_semantics<arbitrary>], iteration_bounds = array<i64: 25>, scalar_prefetch = 0 : i64, scratch_operands = 0 : i64, tpu.core_type = #tpu.core_type<tc>, window_params = [{transform_indices = @transform_0, window_bounds = array<i64: 400, 128>}, {pipeline_mode = #tpu.pipeline_mode<synchronous>, transform_indices = @transform_1, window_bounds = array<i64: 2, 128>}, {pipeline_mode = #tpu.pipeline_mode<synchronous>, transform_indices = @transform_2, window_bounds = array<i64: 1, 128>}, {pipeline_mode = #tpu.pipeline_mode<synchronous>, transform_indices = @transform_3, window_bounds = array<i64: 1, 128>}, {pipeline_mode = #tpu.pipeline_mode<synchronous>, transform_indices = @transform_4, window_bounds = array<i64: 128, 128>}, {transform_indices = @transform_5, window_bounds = array<i64: 2, 400, 1>}, {transform_indices = @transform_6, window_bounds = array<i64: 2, 400, 64>}]} {
    %get3A = arith.constant 0 : index
    %get3A_0 = arith.constant 0 : index
    %get3A_1 = vector.load %arg2[%get3A, %get3A_0] : memref<2x128xf32, #tpu.memory_space<vmem>>, vector<1x128xf32>
    %get3A_2 = arith.constant 1 : index
    %get3A_3 = arith.constant 0 : index
    %get3A_4 = vector.load %arg2[%get3A_2, %get3A_3] : memref<2x128xf32, #tpu.memory_space<vmem>>, vector<1x128xf32>
    %get3A_5 = arith.constant 0 : index
    %get3A_6 = arith.constant 0 : index
    %get3A_7 = vector.load %arg1[%get3A_5, %get3A_6] : memref<400x128xf32, #tpu.memory_space<vmem>>, vector<400x128xf32>
    %sub3A = vector.broadcast %get3A_1 : vector<1x128xf32> to vector<400x128xf32>
    %sub3A_8 = arith.subf %get3A_7, %sub3A : vector<400x128xf32>
    %add3A = arith.constant 9.99999974E-6 : f32
    %add3A_9 = vector.broadcast %add3A : f32 to vector<1x128xf32>
    %add3A_10 = arith.addf %get3A_4, %add3A_9 : vector<1x128xf32>
    %rsqrt3A = math.rsqrt %add3A_10 : vector<1x128xf32>
    %mul3A = vector.broadcast %rsqrt3A : vector<1x128xf32> to vector<400x128xf32>
    %mul3A_11 = arith.mulf %sub3A_8, %mul3A : vector<400x128xf32>
    %get3A_12 = arith.constant 0 : index
    %get3A_13 = arith.constant 0 : index
    %get3A_14 = vector.load %arg3[%get3A_12, %get3A_13] : memref<1x128xf32, #tpu.memory_space<vmem>>, vector<1x128xf32>
    %mul3A_15 = vector.broadcast %get3A_14 : vector<1x128xf32> to vector<400x128xf32>
    %mul3A_16 = arith.mulf %mul3A_11, %mul3A_15 : vector<400x128xf32>
    %get3A_17 = arith.constant 0 : index
    %get3A_18 = arith.constant 0 : index
    %get3A_19 = vector.load %arg4[%get3A_17, %get3A_18] : memref<1x128xf32, #tpu.memory_space<vmem>>, vector<1x128xf32>
    %add3A_20 = vector.broadcast %get3A_19 : vector<1x128xf32> to vector<400x128xf32>
    %add3A_21 = arith.addf %mul3A_16, %add3A_20 : vector<400x128xf32>
    %max3A = arith.constant 0.000000e+00 : f32
    %max3A_22 = vector.broadcast %max3A : f32 to vector<400x128xf32>
    %max3A_23 = arith.maximumf %add3A_21, %max3A_22 : vector<400x128xf32>
    %get3A_24 = arith.constant 0 : index
    %get3A_25 = arith.constant 0 : index
    %get3A_26 = arith.constant 0 : index
    %get3A_27 = vector.load %arg6[%get3A_24, %get3A_25, %get3A_26] : memref<2x400x1xf32, #tpu.memory_space<vmem>>, vector<1x400x1xf32>
    %get3A_28 = vector.shape_cast %get3A_27 : vector<1x400x1xf32> to vector<400x1xf32>
    %get3A_29 = arith.constant 1 : index
    %get3A_30 = arith.constant 0 : index
    %get3A_31 = arith.constant 0 : index
    %get3A_32 = vector.load %arg6[%get3A_29, %get3A_30, %get3A_31] : memref<2x400x1xf32, #tpu.memory_space<vmem>>, vector<1x400x1xf32>
    %get3A_33 = vector.shape_cast %get3A_32 : vector<1x400x1xf32> to vector<400x1xf32>
    %add3A_34 = arith.addf %get3A_28, %get3A_33 : vector<400x1xf32>
    %rsqrt3A_35 = math.rsqrt %add3A_34 : vector<400x1xf32>
    %get3A_36 = arith.constant 0 : index
    %get3A_37 = arith.constant 0 : index
    %get3A_38 = vector.load %arg5[%get3A_36, %get3A_37] : memref<128x128xf32, #tpu.memory_space<vmem>>, vector<128x128xf32>
    %dot_general3A = arith.constant dense<0.000000e+00> : vector<400x128xf32>
    %dot_general3A_39 = tpu.matmul %max3A_23, %get3A_38, %dot_general3A {dimension_numbers = #tpu.dot_dimension_numbers<[1], [0], [0], [1], [0, 0, 1, 1], [], []>, transpose_lhs_hint = false} : vector<400x128xf32>, vector<128x128xf32>, vector<400x128xf32> -> vector<400x128xf32>
    %mul3A_40 = vector.broadcast %rsqrt3A_35 : vector<400x1xf32> to vector<400x128xf32>
    %mul3A_41 = arith.mulf %dot_general3A_39, %mul3A_40 : vector<400x128xf32>
    %convert_element_type3A = arith.truncf %mul3A_41 : vector<400x128xf32> to vector<400x128xbf16>
    %slice3A = vector.extract_strided_slice %convert_element_type3A {offsets = [0, 0], sizes = [400, 64], strides = [1, 1]} : vector<400x128xbf16> to vector<400x64xbf16>
    %swap3A = arith.constant 0 : index
    %swap3A_42 = arith.constant 0 : index
    %swap3A_43 = arith.constant 0 : index
    %swap3A_44 = vector.load %arg7[%swap3A, %swap3A_42, %swap3A_43] : memref<2x400x64xbf16, #tpu.memory_space<vmem>>, vector<1x400x64xbf16>
    %swap3A_45 = vector.shape_cast %swap3A_44 : vector<1x400x64xbf16> to vector<400x64xbf16>
    %swap3A_46 = vector.shape_cast %slice3A : vector<400x64xbf16> to vector<1x400x64xbf16>
    tpu.vector_store %arg7[%swap3A, %swap3A_42, %swap3A_43], %swap3A_46 {strides = array<i32>} : memref<2x400x64xbf16, #tpu.memory_space<vmem>>, vector<1x400x64xbf16>,
    %slice3A_47 = vector.extract_strided_slice %convert_element_type3A {offsets = [0, 64], sizes = [400, 64], strides = [1, 1]} : vector<400x128xbf16> to vector<400x64xbf16>
    %swap3A_48 = arith.constant 1 : index
    %swap3A_49 = arith.constant 0 : index
    %swap3A_50 = arith.constant 0 : index
    %swap3A_51 = vector.load %arg7[%swap3A_48, %swap3A_49, %swap3A_50] : memref<2x400x64xbf16, #tpu.memory_space<vmem>>, vector<1x400x64xbf16>
    %swap3A_52 = vector.shape_cast %swap3A_51 : vector<1x400x64xbf16> to vector<400x64xbf16>
    %swap3A_53 = vector.shape_cast %slice3A_47 : vector<400x64xbf16> to vector<1x400x64xbf16>
    tpu.vector_store %arg7[%swap3A_48, %swap3A_49, %swap3A_50], %swap3A_53 {strides = array<i32>} : memref<2x400x64xbf16, #tpu.memory_space<vmem>>, vector<1x400x64xbf16>,
    return
  }
  func.func @transform_0(%arg0: i32) -> (i32, i32) {
    %c0_i32 = arith.constant 0 : i32
    %c0_i32_0 = arith.constant 0 : i32
    return %arg0, %c0_i32 : i32, i32
  }
  func.func @transform_1(%arg0: i32) -> (i32, i32) {
    %c0_i32 = arith.constant 0 : i32
    %c0_i32_0 = arith.constant 0 : i32
    %c0_i32_1 = arith.constant 0 : i32
    return %c0_i32, %c0_i32_0 : i32, i32
  }
  func.func @transform_2(%arg0: i32) -> (i32, i32) {
    %c0_i32 = arith.constant 0 : i32
    %c0_i32_0 = arith.constant 0 : i32
    %c0_i32_1 = arith.constant 0 : i32
    return %c0_i32, %c0_i32_0 : i32, i32
  }
  func.func @transform_3(%arg0: i32) -> (i32, i32) {
    %c0_i32 = arith.constant 0 : i32
    %c0_i32_0 = arith.constant 0 : i32
    %c0_i32_1 = arith.constant 0 : i32
    return %c0_i32, %c0_i32_0 : i32, i32
  }
  func.func @transform_4(%arg0: i32) -> (i32, i32) {
    %c0_i32 = arith.constant 0 : i32
    %c0_i32_0 = arith.constant 0 : i32
    %c0_i32_1 = arith.constant 0 : i32
    return %c0_i32, %c0_i32_0 : i32, i32
  }
  func.func @transform_5(%arg0: i32) -> (i32, i32, i32) {
    %c0_i32 = arith.constant 0 : i32
    %c0_i32_0 = arith.constant 0 : i32
    %c0_i32_1 = arith.constant 0 : i32
    return %c0_i32, %arg0, %c0_i32_0 : i32, i32, i32
  }
  func.func @transform_6(%arg0: i32) -> (i32, i32, i32) {
    %c0_i32 = arith.constant 0 : i32
    %c0_i32_0 = arith.constant 0 : i32
    %c0_i32_1 = arith.constant 0 : i32
    return %c0_i32, %arg0, %c0_i32_0 : i32, i32, i32
  }
}

module attributes {stable_mosaic.version = 14 : i64} {
  func.func @_head_body(%arg0: i32, %arg1: memref<400x128xf32, #tpu.memory_space<vmem>>, %arg2: memref<2x128xf32, #tpu.memory_space<vmem>>, %arg3: memref<1x128xf32, #tpu.memory_space<vmem>>, %arg4: memref<1x128xf32, #tpu.memory_space<vmem>>, %arg5: memref<400x1xi32, #tpu.memory_space<vmem>>, %arg6: memref<128x64xf32, #tpu.memory_space<vmem>>, %arg7: memref<1x64xf32, #tpu.memory_space<vmem>>, %arg8: memref<64x1xf32, #tpu.memory_space<vmem>>, %arg9: memref<1x1xf32, #tpu.memory_space<vmem>>, %arg10: memref<64x1xf32, #tpu.memory_space<vmem>>, %arg11: memref<64x128xf32, #tpu.memory_space<vmem>>, %arg12: memref<64x1xf32, #tpu.memory_space<vmem>>) attributes {dimension_semantics = [#tpu.dimension_semantics<arbitrary>], iteration_bounds = array<i64: 25>, scalar_prefetch = 0 : i64, scratch_operands = 2 : i64, tpu.core_type = #tpu.core_type<tc>, window_params = [{transform_indices = @transform_0, window_bounds = array<i64: 400, 128>}, {pipeline_mode = #tpu.pipeline_mode<synchronous>, transform_indices = @transform_1, window_bounds = array<i64: 2, 128>}, {pipeline_mode = #tpu.pipeline_mode<synchronous>, transform_indices = @transform_2, window_bounds = array<i64: 1, 128>}, {pipeline_mode = #tpu.pipeline_mode<synchronous>, transform_indices = @transform_3, window_bounds = array<i64: 1, 128>}, {transform_indices = @transform_4, window_bounds = array<i64: 400, 1>}, {pipeline_mode = #tpu.pipeline_mode<synchronous>, transform_indices = @transform_5, window_bounds = array<i64: 128, 64>}, {pipeline_mode = #tpu.pipeline_mode<synchronous>, transform_indices = @transform_6, window_bounds = array<i64: 1, 64>}, {pipeline_mode = #tpu.pipeline_mode<synchronous>, transform_indices = @transform_7, window_bounds = array<i64: 64, 1>}, {pipeline_mode = #tpu.pipeline_mode<synchronous>, transform_indices = @transform_8, window_bounds = array<i64: 1, 1>}, {pipeline_mode = #tpu.pipeline_mode<synchronous>, transform_indices = @transform_9, window_bounds = array<i64: 64, 1>}]} {
    %get3A = arith.constant 0 : index
    %get3A_0 = arith.constant 0 : index
    %get3A_1 = vector.load %arg2[%get3A, %get3A_0] : memref<2x128xf32, #tpu.memory_space<vmem>>, vector<1x128xf32>
    %get3A_2 = arith.constant 1 : index
    %get3A_3 = arith.constant 0 : index
    %get3A_4 = vector.load %arg2[%get3A_2, %get3A_3] : memref<2x128xf32, #tpu.memory_space<vmem>>, vector<1x128xf32>
    %get3A_5 = arith.constant 0 : index
    %get3A_6 = arith.constant 0 : index
    %get3A_7 = vector.load %arg1[%get3A_5, %get3A_6] : memref<400x128xf32, #tpu.memory_space<vmem>>, vector<400x128xf32>
    %sub3A = vector.broadcast %get3A_1 : vector<1x128xf32> to vector<400x128xf32>
    %sub3A_8 = arith.subf %get3A_7, %sub3A : vector<400x128xf32>
    %add3A = arith.constant 9.99999974E-6 : f32
    %add3A_9 = vector.broadcast %add3A : f32 to vector<1x128xf32>
    %add3A_10 = arith.addf %get3A_4, %add3A_9 : vector<1x128xf32>
    %rsqrt3A = math.rsqrt %add3A_10 : vector<1x128xf32>
    %mul3A = vector.broadcast %rsqrt3A : vector<1x128xf32> to vector<400x128xf32>
    %mul3A_11 = arith.mulf %sub3A_8, %mul3A : vector<400x128xf32>
    %get3A_12 = arith.constant 0 : index
    %get3A_13 = arith.constant 0 : index
    %get3A_14 = vector.load %arg3[%get3A_12, %get3A_13] : memref<1x128xf32, #tpu.memory_space<vmem>>, vector<1x128xf32>
    %mul3A_15 = vector.broadcast %get3A_14 : vector<1x128xf32> to vector<400x128xf32>
    %mul3A_16 = arith.mulf %mul3A_11, %mul3A_15 : vector<400x128xf32>
    %get3A_17 = arith.constant 0 : index
    %get3A_18 = arith.constant 0 : index
    %get3A_19 = vector.load %arg4[%get3A_17, %get3A_18] : memref<1x128xf32, #tpu.memory_space<vmem>>, vector<1x128xf32>
    %add3A_20 = vector.broadcast %get3A_19 : vector<1x128xf32> to vector<400x128xf32>
    %add3A_21 = arith.addf %mul3A_16, %add3A_20 : vector<400x128xf32>
    %max3A = arith.constant 0.000000e+00 : f32
    %max3A_22 = vector.broadcast %max3A : f32 to vector<400x128xf32>
    %max3A_23 = arith.maximumf %add3A_21, %max3A_22 : vector<400x128xf32>
    %eq3A = arith.constant 0 : i32
    %eq3A_24 = arith.cmpi eq, %arg0, %eq3A : i32
    %convert_element_type3A = arith.extui %eq3A_24 : i1 to i32
    %cond3A = arith.constant 0 : i32
    %cond3A_25 = arith.cmpi ne, %convert_element_type3A, %cond3A : i32
    scf.if %cond3A_25 {
      %broadcast_in_dim3A_56 = arith.constant 0.000000e+00 : f32
      %broadcast_in_dim3A_57 = vector.broadcast %broadcast_in_dim3A_56 : f32 to vector<64x128xf32>
      %swap3A_58 = arith.constant 0 : index
      %swap3A_59 = arith.constant 0 : index
      %swap3A_60 = vector.load %arg11[%swap3A_58, %swap3A_59] : memref<64x128xf32, #tpu.memory_space<vmem>>, vector<64x128xf32>
      tpu.vector_store %arg11[%swap3A_58, %swap3A_59], %broadcast_in_dim3A_57 {strides = array<i32>} : memref<64x128xf32, #tpu.memory_space<vmem>>, vector<64x128xf32>,
      %broadcast_in_dim3A_61 = arith.constant 0.000000e+00 : f32
      %broadcast_in_dim3A_62 = vector.broadcast %broadcast_in_dim3A_61 : f32 to vector<64x1xf32>
      %swap3A_63 = arith.constant 0 : index
      %swap3A_64 = arith.constant 0 : index
      %swap3A_65 = vector.load %arg12[%swap3A_63, %swap3A_64] : memref<64x1xf32, #tpu.memory_space<vmem>>, vector<64x1xf32>
      tpu.vector_store %arg12[%swap3A_63, %swap3A_64], %broadcast_in_dim3A_62 {strides = array<i32>} : memref<64x1xf32, #tpu.memory_space<vmem>>, vector<64x1xf32>,
    } else {
    }
    %get3A_26 = arith.constant 0 : index
    %get3A_27 = arith.constant 0 : index
    %get3A_28 = vector.load %arg5[%get3A_26, %get3A_27] : memref<400x1xi32, #tpu.memory_space<vmem>>, vector<400x1xi32>
    %iota3A = tpu.iota {dimensions = array<i32: 1>} : vector<1x64xi32>
    %eq3A_29 = vector.broadcast %get3A_28 : vector<400x1xi32> to vector<400x64xi32>
    %eq3A_30 = vector.broadcast %iota3A : vector<1x64xi32> to vector<400x64xi32>
    %eq3A_31 = arith.cmpi eq, %eq3A_29, %eq3A_30 : vector<400x64xi32>
    %convert_element_type3A_32 = arith.extui %eq3A_31 : vector<400x64xi1> to vector<400x64xi32>
    %convert_element_type3A_33 = arith.sitofp %convert_element_type3A_32 : vector<400x64xi32> to vector<400x64xf32>
    %get3A_34 = arith.constant 0 : index
    %get3A_35 = arith.constant 0 : index
    %get3A_36 = vector.load %arg11[%get3A_34, %get3A_35] : memref<64x128xf32, #tpu.memory_space<vmem>>, vector<64x128xf32>
    %dot_general3A = arith.constant dense<0.000000e+00> : vector<64x128xf32>
    %dot_general3A_37 = tpu.matmul %convert_element_type3A_33, %max3A_23, %dot_general3A {dimension_numbers = #tpu.dot_dimension_numbers<[0], [0], [1], [1], [0, 1, 1, 1], [], []>, transpose_lhs_hint = false} : vector<400x64xf32>, vector<400x128xf32>, vector<64x128xf32> -> vector<64x128xf32>
    %add3A_38 = arith.addf %get3A_36, %dot_general3A_37 : vector<64x128xf32>
    %swap3A = arith.constant 0 : index
    %swap3A_39 = arith.constant 0 : index
    %swap3A_40 = vector.load %arg11[%swap3A, %swap3A_39] : memref<64x128xf32, #tpu.memory_space<vmem>>, vector<64x128xf32>
    tpu.vector_store %arg11[%swap3A, %swap3A_39], %add3A_38 {strides = array<i32>} : memref<64x128xf32, #tpu.memory_space<vmem>>, vector<64x128xf32>,
    %get3A_41 = arith.constant 0 : index
    %get3A_42 = arith.constant 0 : index
    %get3A_43 = vector.load %arg12[%get3A_41, %get3A_42] : memref<64x1xf32, #tpu.memory_space<vmem>>, vector<64x1xf32>
    %broadcast_in_dim3A = arith.constant 1.000000e+00 : f32
    %broadcast_in_dim3A_44 = vector.broadcast %broadcast_in_dim3A : f32 to vector<400x1xf32>
    %dot_general3A_45 = arith.constant dense<0.000000e+00> : vector<64x1xf32>
    %dot_general3A_46 = tpu.matmul %convert_element_type3A_33, %broadcast_in_dim3A_44, %dot_general3A_45 {dimension_numbers = #tpu.dot_dimension_numbers<[0], [0], [1], [1], [0, 1, 1, 1], [], []>, transpose_lhs_hint = false} : vector<400x64xf32>, vector<400x1xf32>, vector<64x1xf32> -> vector<64x1xf32>
    %add3A_47 = arith.addf %get3A_43, %dot_general3A_46 : vector<64x1xf32>
    %swap3A_48 = arith.constant 0 : index
    %swap3A_49 = arith.constant 0 : index
    %swap3A_50 = vector.load %arg12[%swap3A_48, %swap3A_49] : memref<64x1xf32, #tpu.memory_space<vmem>>, vector<64x1xf32>
    tpu.vector_store %arg12[%swap3A_48, %swap3A_49], %add3A_47 {strides = array<i32>} : memref<64x1xf32, #tpu.memory_space<vmem>>, vector<64x1xf32>,
    %eq3A_51 = arith.constant 24 : i32
    %eq3A_52 = arith.cmpi eq, %arg0, %eq3A_51 : i32
    %convert_element_type3A_53 = arith.extui %eq3A_52 : i1 to i32
    %cond3A_54 = arith.constant 0 : i32
    %cond3A_55 = arith.cmpi ne, %convert_element_type3A_53, %cond3A_54 : i32
    scf.if %cond3A_55 {
      %get3A_56 = arith.constant 0 : index
      %get3A_57 = arith.constant 0 : index
      %get3A_58 = vector.load %arg11[%get3A_56, %get3A_57] : memref<64x128xf32, #tpu.memory_space<vmem>>, vector<64x128xf32>
      %get3A_59 = arith.constant 0 : index
      %get3A_60 = arith.constant 0 : index
      %get3A_61 = vector.load %arg12[%get3A_59, %get3A_60] : memref<64x1xf32, #tpu.memory_space<vmem>>, vector<64x1xf32>
      %max3A_62 = arith.constant 1.000000e+00 : f32
      %max3A_63 = vector.broadcast %max3A_62 : f32 to vector<64x1xf32>
      %max3A_64 = arith.maximumf %get3A_61, %max3A_63 : vector<64x1xf32>
      %div3A = vector.broadcast %max3A_64 : vector<64x1xf32> to vector<64x128xf32>
      %div3A_65 = arith.divf %get3A_58, %div3A : vector<64x128xf32>
      %get3A_66 = arith.constant 0 : index
      %get3A_67 = arith.constant 0 : index
      %get3A_68 = vector.load %arg6[%get3A_66, %get3A_67] : memref<128x64xf32, #tpu.memory_space<vmem>>, vector<128x64xf32>
      %dot_general3A_69 = arith.constant dense<0.000000e+00> : vector<64x64xf32>
      %dot_general3A_70 = tpu.matmul %div3A_65, %get3A_68, %dot_general3A_69 {dimension_numbers = #tpu.dot_dimension_numbers<[1], [0], [0], [1], [0, 0, 1, 1], [], []>, transpose_lhs_hint = false} : vector<64x128xf32>, vector<128x64xf32>, vector<64x64xf32> -> vector<64x64xf32>
      %get3A_71 = arith.constant 0 : index
      %get3A_72 = arith.constant 0 : index
      %get3A_73 = vector.load %arg7[%get3A_71, %get3A_72] : memref<1x64xf32, #tpu.memory_space<vmem>>, vector<1x64xf32>
      %add3A_74 = vector.broadcast %get3A_73 : vector<1x64xf32> to vector<64x64xf32>
      %add3A_75 = arith.addf %dot_general3A_70, %add3A_74 : vector<64x64xf32>
      %max3A_76 = arith.constant 0.000000e+00 : f32
      %max3A_77 = vector.broadcast %max3A_76 : f32 to vector<64x64xf32>
      %max3A_78 = arith.maximumf %add3A_75, %max3A_77 : vector<64x64xf32>
      %get3A_79 = arith.constant 0 : index
      %get3A_80 = arith.constant 0 : index
      %get3A_81 = vector.load %arg8[%get3A_79, %get3A_80] : memref<64x1xf32, #tpu.memory_space<vmem>>, vector<64x1xf32>
      %dot_general3A_82 = arith.constant dense<0.000000e+00> : vector<64x1xf32>
      %dot_general3A_83 = tpu.matmul %max3A_78, %get3A_81, %dot_general3A_82 {dimension_numbers = #tpu.dot_dimension_numbers<[1], [0], [0], [1], [0, 0, 1, 1], [], []>, transpose_lhs_hint = false} : vector<64x64xf32>, vector<64x1xf32>, vector<64x1xf32> -> vector<64x1xf32>
      %get3A_84 = arith.constant 0 : index
      %get3A_85 = arith.constant 0 : index
      %get3A_86 = vector.load %arg9[%get3A_84, %get3A_85] : memref<1x1xf32, #tpu.memory_space<vmem>>, vector<1x1xf32>
      %add3A_87 = vector.broadcast %get3A_86 : vector<1x1xf32> to vector<64x1xf32>
      %add3A_88 = arith.addf %dot_general3A_83, %add3A_87 : vector<64x1xf32>
      %swap3A_89 = arith.constant 0 : index
      %swap3A_90 = arith.constant 0 : index
      %swap3A_91 = vector.load %arg10[%swap3A_89, %swap3A_90] : memref<64x1xf32, #tpu.memory_space<vmem>>, vector<64x1xf32>
      tpu.vector_store %arg10[%swap3A_89, %swap3A_90], %add3A_88 {strides = array<i32>} : memref<64x1xf32, #tpu.memory_space<vmem>>, vector<64x1xf32>,
    } else {
    }
    return
  }
  func.func @transform_0(%arg0: i32) -> (i32, i32) {
    %c0_i32 = arith.constant 0 : i32
    %c0_i32_0 = arith.constant 0 : i32
    return %arg0, %c0_i32 : i32, i32
  }
  func.func @transform_1(%arg0: i32) -> (i32, i32) {
    %c0_i32 = arith.constant 0 : i32
    %c0_i32_0 = arith.constant 0 : i32
    %c0_i32_1 = arith.constant 0 : i32
    return %c0_i32, %c0_i32_0 : i32, i32
  }
  func.func @transform_2(%arg0: i32) -> (i32, i32) {
    %c0_i32 = arith.constant 0 : i32
    %c0_i32_0 = arith.constant 0 : i32
    %c0_i32_1 = arith.constant 0 : i32
    return %c0_i32, %c0_i32_0 : i32, i32
  }
  func.func @transform_3(%arg0: i32) -> (i32, i32) {
    %c0_i32 = arith.constant 0 : i32
    %c0_i32_0 = arith.constant 0 : i32
    %c0_i32_1 = arith.constant 0 : i32
    return %c0_i32, %c0_i32_0 : i32, i32
  }
  func.func @transform_4(%arg0: i32) -> (i32, i32) {
    %c0_i32 = arith.constant 0 : i32
    %c0_i32_0 = arith.constant 0 : i32
    return %arg0, %c0_i32 : i32, i32
  }
  func.func @transform_5(%arg0: i32) -> (i32, i32) {
    %c0_i32 = arith.constant 0 : i32
    %c0_i32_0 = arith.constant 0 : i32
    %c0_i32_1 = arith.constant 0 : i32
    return %c0_i32, %c0_i32_0 : i32, i32
  }
  func.func @transform_6(%arg0: i32) -> (i32, i32) {
    %c0_i32 = arith.constant 0 : i32
    %c0_i32_0 = arith.constant 0 : i32
    %c0_i32_1 = arith.constant 0 : i32
    return %c0_i32, %c0_i32_0 : i32, i32
  }
  func.func @transform_7(%arg0: i32) -> (i32, i32) {
    %c0_i32 = arith.constant 0 : i32
    %c0_i32_0 = arith.constant 0 : i32
    %c0_i32_1 = arith.constant 0 : i32
    return %c0_i32, %c0_i32_0 : i32, i32
  }
  func.func @transform_8(%arg0: i32) -> (i32, i32) {
    %c0_i32 = arith.constant 0 : i32
    %c0_i32_0 = arith.constant 0 : i32
    %c0_i32_1 = arith.constant 0 : i32
    return %c0_i32, %c0_i32_0 : i32, i32
  }
  func.func @transform_9(%arg0: i32) -> (i32, i32) {
    %c0_i32 = arith.constant 0 : i32
    %c0_i32_0 = arith.constant 0 : i32
    %c0_i32_1 = arith.constant 0 : i32
    return %c0_i32, %c0_i32_0 : i32, i32
  }
}

</mosaic_0001>

<sc_bundles>
// kernel: kernel.13.cloned.1.call-start
scs
__scs_entry_jumppad:
0x0: {  	(pc) =	sbr.rel $0x88, $3  }
0x1: {  	(tag) =	ssettag $0x0;
	lr =	simm.s32 $0x1  }
0x2: {  	[smem:$0x3F8E] =	sst lr;
	_ =	strace $0xD0000000  }
0x3: {  	_ = 	snop  }
0x4: {  	_ = 	snop  }
0x5: {  	_ = 	snop  }
0x6: {  	_ = 	snop  }
0x7: {  	_ = 	snop  }
__scs_overlays_trampoline_lowered:
0x8: {  	[smem:$0x3F9D] =	sst s0  }
0x9: {  	[smem:$0x3F9E] =	sst s1  }
0xa: {  	[smem:$0x3F9F] =	sst s2  }
0xb: {  	[smem:$0x3FA0] =	sst s3  }
0xc: {  	[smem:$0x3FA1] =	sst s4  }
0xd: {  	[smem:$0x3FA2] =	sst s5  }
0xe: {  	[smem:$0x3FA3] =	sst s6  }
0xf: {  	[smem:$0x3FA4] =	sst s7  }
0x10: {  	[smem:$0x3FA5] =	sst s8  }
0x11: {  	[smem:$0x3FA6] =	sst s9;
	s0 =	simm.s32 @!p0 $0x0  }
0x12: {  	s1 =	sld [smem:$0x3F8C];
	s0 =	simm.s32 @p0 $0x1  }
0x13: {  	[smem:$0x3FA7] =	sst s0;
	s0 =	simm.s32 @!p1 $0x0  }
0x14: {  	s2 =	sld [smem:$0x3F8B];
	s0 =	simm.s32 @p1 $0x1  }
0x15: {  	[smem:$0x3FA8] =	sst s0;
	s0 =	simm.s32 @!p2 $0x0  }
0x16: {  	s3 =	sld [smem:$0x3FDB];
	s0 =	simm.s32 @p2 $0x1  }
0x17: {  	s4 =	simm.s32 $0x1BF5;
	[smem:$0x3FAA] =	sst s0  }
0x18: {  	s0 =	sld [smem:$0x3F8D];
	_ =	swait.ge [sflag:s4], $0x0  }
0x19: {  	s7 =	sld [smem:$0x3F8E]  }
0x1a: {  	s8 =	sadd.s32 $0xFFFFE003, lr  }
0x1b: {  	s9 =	sadd.s32 $0xFFFFFEF7, lr;
	s5 =	simm.s32 $0xFFFFFFFF;
	p2 =	slt.u32 s8, $0xFFFFF086  }
0x1c: {  	p1 =	slt.u32 s9, $0xF7A;
	s5 =	simm.s32 @!p2 $0x0  }
0x1d: {  	s5 =	simm.s32 @p1 $0x1;
	p0 =	seq.s32 s7, s2  }
0x1e: {  	s7 =	smul.u32 @!p0 $0xF7A, s2;
	p2 =	seq.s32 @!p0 s5, $0x0  }
0x1f: {  	s9 =	smul.u32 $0xF7A, s1;
	s8 =	simm.s32 @!p0 $0x1BF5;
	p2 =	por !p2, p0  }
0x20: {  	[sflag:s8] =	ssyncset.s32 @!p0 $0xFFFFF086;
	s6 =	sadd.s32 @!p0 s3, s7;
	s7 =	simm.s32 @!p0 $0x108  }
0x21: {  	s3 =	sadd.s32 s3, s9;
	s6 =	sadd.s32 @!p0 $0x88, s6;
	s7 =	simm.s32 @p2 $0x1082  }
0x22: {  	[simem:s7], [sflag:s8] =	dma.local @!p0 [hbm:s6], $0xF7A  }
0x23: {  	s9 =	sor.u32 $0xD0000000, s2;
	s6 =	simm.s32 $0x108;
	_ =	swait.ge @!p0 [sflag:s8], $0x0  }
0x24: {  	s3 =	sadd.s32 $0x88, s3;
	s6 =	simm.s32 @!p1 $0x1082;
	[sflag:s4] =	ssyncset.s32 $0xFFFFF086  }
0x25: {  	[simem:s6], [sflag:s4] =	dma.local [hbm:s3], $0xF7A  }
0x26: {  	[smem:$0x3F8E] =	sst s1;
	(tag) =	ssettag s2;
	_ =	strace s9  }
0x27: {  	s1 =	sld [smem:$0x3F9E]  }
0x28: {  	s2 =	sld [smem:$0x3F9F]  }
0x29: {  	s4 =	sld [smem:$0x3FA1]  }
0x2a: {  	p0 =	seq.s32 s5, $0x0;
	s5 =	sld [smem:$0x3FA2]  }
0x2b: {  	s6 =	sld [smem:$0x3FA3]  }
0x2c: {  	s7 =	sld [smem:$0x3FA4]  }
0x2d: {  	s3 =	simm.s32 $0x108;
	s8 =	sld [smem:$0x3FA5]  }
0x2e: {  	s3 =	simm.s32 @!p0 $0x1082;
	s9 =	sld [smem:$0x3FA6]  }
0x2f: {  	lr =	sadd.s32 s0, s3;
	s0 =	sld [smem:$0x3F9D]  }
0x30: {  	s3 =	sld [smem:$0x3FA0]  }
0x31: {  	[smem:$0x3FA9] =	sst s10  }
0x32: {  	s10 =	sld [smem:$0x3FA7];
	_ =	sdelay $0x3  }
0x33: {  	p0 =	seq.s32 s10, $0x1;
	s10 =	sld [smem:$0x3FA9];
	_ =	sdelay $0x3  }
0x34: {  	[smem:$0x3FA9] =	sst s10  }
0x35: {  	s10 =	sld [smem:$0x3FA8];
	_ =	sdelay $0x3  }
0x36: {  	p1 =	seq.s32 s10, $0x1;
	s10 =	sld [smem:$0x3FA9];
	_ =	sdelay $0x3  }
0x37: {  	[smem:$0x3FA9] =	sst s10  }
0x38: {  	s10 =	sld [smem:$0x3FAA]  }
0x39: {  	_ = 	snop;
	(pc) =	sbr.ind lr, $3  }
0x3a: {  	_ = 	snop  }
0x3b: {  	_ = 	snop  }
0x3c: {  	p2 =	seq.s32 s10, $0x1;
	s10 =	sld [smem:$0x3FA9]  }
0x3d: {  	_ =	shalt  }
0x3e: {  	_ =	shalt  }
0x3f: {  	_ =	shalt  }
0x40: {  	_ =	shalt  }
0x41: {  	_ =	shalt  }
0x42: {  	_ =	shalt  }
0x43: {  	_ =	shalt  }
0x44: {  	_ =	shalt  }
0x45: {  	_ =	shalt  }
0x46: {  	_ =	shalt  }
0x47: {  	_ =	shalt  }
0x48: {  	_ =	shalt  }
0x49: {  	_ =	shalt  }
0x4a: {  	_ =	shalt  }
0x4b: {  	_ =	shalt  }
0x4c: {  	_ =	shalt  }
0x4d: {  	_ =	shalt  }
0x4e: {  	_ =	shalt  }
0x4f: {  	_ =	shalt  }
0x50: {  	_ =	shalt  }
0x51: {  	_ =	shalt  }
0x52: {  	_ =	shalt  }
0x53: {  	_ =	shalt  }
0x54: {  	_ =	shalt  }
0x55: {  	_ =	shalt  }
0x56: {  	_ =	shalt  }
0x57: {  	_ =	shalt  }
0x58: {  	_ =	shalt  }
0x59: {  	_ =	shalt  }
0x5a: {  	_ =	shalt  }
0x5b: {  	_ =	shalt  }
0x5c: {  	_ =	shalt  }
0x5d: {  	_ =	shalt  }
0x5e: {  	_ =	shalt  }
0x5f: {  	_ =	shalt  }
0x60: {  	_ =	shalt  }
0x61: {  	_ =	shalt  }
0x62: {  	_ =	shalt  }
0x63: {  	_ =	shalt  }
0x64: {  	_ =	shalt  }
0x65: {  	_ =	shalt  }
0x66: {  	_ =	shalt  }
0x67: {  	_ =	shalt  }
0x68: {  	_ =	shalt  }
0x69: {  	_ =	shalt  }
0x6a: {  	_ =	shalt  }
0x6b: {  	_ =	shalt  }
0x6c: {  	_ =	shalt  }
0x6d: {  	_ =	shalt  }
0x6e: {  	_ =	shalt  }
0x6f: {  	_ =	shalt  }
0x70: {  	_ =	shalt  }
0x71: {  	_ =	shalt  }
0x72: {  	_ =	shalt  }
0x73: {  	_ =	shalt  }
0x74: {  	_ =	shalt  }
0x75: {  	_ =	shalt  }
0x76: {  	_ =	shalt  }
0x77: {  	_ =	shalt  }
0x78: {  	_ =	shalt  }
0x79: {  	_ =	shalt  }
0x7a: {  	_ =	shalt  }
0x7b: {  	_ =	shalt  }
0x7c: {  	_ =	shalt  }
0x7d: {  	_ =	shalt  }
0x7e: {  	_ =	shalt  }
0x7f: {  	_ =	shalt  }
0x80: {  	_ =	shalt  }
0x81: {  	_ =	shalt  }
0x82: {  	_ =	shalt  }
0x83: {  	_ =	shalt  }
0x84: {  	_ =	shalt  }
0x85: {  	_ =	shalt  }
0x86: {  	_ =	shalt  }
0x87: {  	_ =	shalt  }
.Lfunc_end0:
.L_simem_size_0:
called_computation_lowered:
.L_overlay_start_0:
0x88: {  	s2 =	sld [smem:$0x3FD9]  }
0x89: {  	s3 =	sld [smem:$0x3FFE];
	_ =	sdelay $0x1  }
0x8a: {  	s1 =	srdreg.scid  }
0x8b: {  	s0 =	sand.u32 $0x1, s1  }
0x8c: {  	s16 =	sshll.u32 s0, $0xA;
	s2 =	sadd.s32 s3, s2  }
0x8d: {  	s2 =	sadd.s32 s2, s16  }
0x8e: {  	[smem:$0x3FB5] =	sst s2  }
0x8f: {  	_ = 	snop  }
0x90: {  	(tm) =	ssettm $0x1  }
0x91: {  	s17 =	sld [smem:$0x3FFB];
	_ =	sdelay $0x3  }
0x92: {  	_ =	strace s17  }
0x93: {  	s2 =	sld [smem:$0x3FFC];
	_ =	sdelay $0x3  }
0x94: {  	_ =	strace s2  }
0x95: {  	s2 =	sld [smem:$0x3FFD];
	_ =	sdelay $0x3  }
0x96: {  	_ =	strace s2  }
0x97: {  	_ =	strace $0x8FFFFFFF  }
0x98: {  	s18 =	sld [smem:$0x3FDB];
	_ =	sdelay $0x1  }
0x99: {  	s19 =	simm.s32 $_scs_section_size  }
0x9a: {  	s4 =	simm.s32 $_size__tile_overlayer_lowered;
	s5 =	simm.s32 $_tile_overlayer_lowered  }
0x9b: {  	s22 =	simm.s32 $0x1BFF;
	s21 =	sshll.u32 s5, $0x1;
	s2 =	sadd.s32 s19, s18  }
0x9c: {  	s6 =	simm.s32 $0x0;
	s20 =	sshll.u32 s4, $0x1;
	s4 =	sadd.s32 s21, s2  }
0x9d: {  	[timem:s6], [sflag:s22] =	dma.local [hbm:s4], s20  }
0x9e: {  	_ =	swait.ge [sflag:s22], s20  }
0x9f: {  	s3 =	ssub.s32 $0x0, s20;
	[sflag:s22] =	ssyncset.done $0x0  }
0xa0: {  	[sflag:s22] =	ssyncadd.s32 s3;
	_ =	sdelay $0x1  }
0xa1: {  	s23 =	simm.s32 $0x1B8B  }
0xa2: {  	_ =	swait.ge [sflag:s23], $0x1  }
0xa3: {  	[sflag:s23] =	ssyncset.done $0x0  }
0xa4: {  	s25 =	simm.s32 $0x1B8E;
	s24 =	sld [smem:$0x3FFE];
	[sflag:s23] =	ssyncadd.s32 $0xFFFFFFFF  }
0xa5: {  	s26 =	simm.s32 $execute0_lowered;
	[smem:$0x3FD2] =	sst s25  }
0xa6: {  	s4 =	sshll.u32 s26, $0x1;
	_ =	strace $0x80000046;
	[dreg:$0x1] =	wrdreg $0xFFFFFFFF  }
0xa7: {  	s28 =	simm.s32 $_size_execute0_lowered;
	s2 =	sadd.s32 s2, s4;
	[dreg:$0x0] =	wrdreg $0x0  }
0xa8: {  	s4 =	sshll.u32 s28, $0x1;
	[dreg:$0x2] =	wrdreg s2  }
0xa9: {  	[dreg:$0x3] =	wrdreg s4  }
0xaa: {  	[dreg:$0x4] =	wrdreg $0xC0  }
0xab: {  	_ =	task [dreg:s6], $0x5FFFF  }
0xac: {  	[dreg:$0x1] =	wrdreg $0xFFFFFFFF  }
0xad: {  	[dreg:$0x0] =	wrdreg $0x60  }
0xae: {  	[dreg:$0x2] =	wrdreg s24  }
0xaf: {  	[dreg:$0x3] =	wrdreg $0x0  }
0xb0: {  	[dreg:$0x4] =	wrdreg $0x9  }
0xb1: {  	_ =	task.clear_ibuf [dreg:s6], $0x5FFFF;
	_ =	strace $0x90000046  }
0xb2: {  	s29 =	simm.s32 $0x9;
	_ =	strace $0x80000048  }
0xb3: {  	_ =	swait.ge [sflag:s29], $0x1  }
0xb4: {  	[sflag:s29] =	ssyncadd.s32 $0xFFFFFFFF  }
0xb5: {  	_ =	strace $0x90000048  }
0xb6: {  	_ =	sfence  }
0xb7: {  	s30 =	sld [smem:$0x0];
	_ =	sdelay $0x2  }
0xb8: {  	s31 =	sshll.u32 s1, $0xD;
	s1 =	sshrl.u32 s1, $0x2  }
0xb9: {  	s3 =	sand.u32 $0x4000, s31;
	s1 =	sadd.s32 s1, s30  }
0xba: {  	s0 =	sor.u32 s3, s0;
	s1 =	sshll.u32 s1, $0x11  }
0xbb: {  	s0 =	sor.u32 s1, s0  }
0xbc: {  	s0 =	sadd.s32 $0x8F2B, s0  }
0xbd: {  	[sflag:s0] =	ssyncadd.remote.s32 $0x1  }
0xbe: {  	_ =	sfence.sel $0xFFFF  }
0xbf: {  	[dreg:$0x0] =	wrdreg $0xFFFFFFFF;
	(pc) =	sbr.abs _section_cstart, $3  }
0xc0: {  	[dreg:$0x1] =	wrdreg $0xFFFFFFFF  }
0xc1: {  	_ =	task.clear_ibuf [dreg:s6], $0x2FFFF;
	_ =	strace $0x9FFFFFFF  }
0xc2: {  	(tm) =	ssettm $0x7FFFFFFF  }
0xc3: {  	_ =	shalt  }
tec
execute0_lowered:
.L_overlay_start_1:
0x0: {  	(tag) =	ssettag $0x1  }
0x1: {  	s0 =	srdreg.scid;
	s6 =	rddreg [dreg:$0x0]  }
0x2: {  	s2 =	rddreg [dreg:$0x1];
	s3 =	simm.s32 $0x0;
	s12 =	simm.s32 $0x80  }
0x3: {  	s13 =	simm.s32 $0x2E80;
	s14 =	simm.s32 $0x20;
	s15 =	simm.s32 $0x10  }
0x4: {  	s16 =	simm.s32 $0x0;
	s5 =	sand.u32 $0x1, s0;
	s0 =	stileid.u32  }
0x5: {  	[smem:$0x7FF] =	sst s3;
	s1 =	sshll.u32 s5, $0x4;
	s7 =	smul.u32 $0x500, s0  }
0x6: {  	s8 =	sshll.u32 s5, $0x7;
	s29 =	smul.u32 $0xA00, s0;
	s5 =	ssub.s32 $0x2, s5  }
0x7: {  	s31 =	sshll.u32 s0, $0x6;
	s4 =	sor.u32 s0, s1;
	s1 =	rddreg [dreg:$0x2]  }
0x8: {  	_ =	strace $0x80000047;
	s30 =	sshrl.u32 s5, $0x1;
	s4 =	smul.u32 $0x580, s4  }
0x9: {  	s7 =	sor.u32 s8, s7;
	s8 =	sshrl.u32 s29, $0x2;
	s10 =	ssub.s32 s5, s30  }
0xa: {  	s5 =	sor.u32 $0x1C01, s31;
	s7 =	sshrl.u32 s7, $0x3;
	s11 =	sadd.s32 s8, s2  }
0xb: {  	s8 =	smax.u32 s10, $0x1;
	s10 =	simm.s32 $0x1;
	s9 =	sadd.s32 s4, s6  }
0xc: {  	s4 =	sadd.s32 $0x18C00, s6;
	s7 =	sadd.s32 s7, s6;
	s6 =	sadd.s32 $0xDC00, s9  }
0xd: {  	v0 =	vimm.f32 $1.000000000e+00;
	s7 =	sadd.s32 $0x18E00, s7;
	s9 =	sshrl.u32 s11, $0x3;
	s11 =	simm.s32 $0x280  }
.LBB2_1:
0xe: {  	[spmem:s9], [sflag:s5] =	dma.local [hbm:s4], $0x50  }
0xf: {  	_ =	swait.ge [sflag:s10], $0x50  }
0x10: {  	[sflag:s10] =	ssyncset.done $0x0  }
0x11: {  	[sflag:s10] =	ssyncadd.s32 $0xFFFFFFB0  }
0x12: {  	[tilespmem:s11], [sflag:$0x1] =	stream.linear.gather [hbm4b:s6+s3], $0x2900, $0x38;
	[tilespmem:$0x2F00] =	vst v63  }
0x13: {  	_ =	swait.ge [sflag:s10], $0x2900  }
0x14: {  	[sflag:s10] =	ssyncset.done $0x0  }
0x15: {  	[sflag:s10] =	ssyncadd.s32 $0xFFFFD700  }
0x16: {  	[tilespmem:$0x2E80] =	vst v0  }
0x17: {  	[tilespmem:$0x2E90] =	vst v0  }
0x18: {  	[tilespmem:$0x2EA0] =	vst v0  }
0x19: {  	[tilespmem:$0x2EB0] =	vst v0  }
0x1a: {  	[tilespmem:$0x2EC0] =	vst v0  }
0x1b: {  	[tilespmem:$0x2ED0] =	vst v0  }
0x1c: {  	[tilespmem:$0x2EE0] =	vst v0  }
0x1d: {  	[tilespmem:$0x2EF0] =	vst v0  }
0x1e: {  	s17 =	simm.s32 $0x280;
	[bflag:$0x0] =	sbarrier.arrive $0xFFFF  }
0x1f: {  	[spmem:s2] =	stream.indirect.scatter.add.f32 [tilespmem:s13], [sflag:$0x1], $0x1, s17, s12, $0xb8;
	[tilespmem:$0x2F00] =	vst v63  }
0x20: {  	s17 =	simm.s32 $0x200;
	_ =	swait.ge [sflag:s10], $0x80  }
.LBB2_2:
0x21: {  	s18 =	sshra.s32 s17, $0x2;
	[sflag:s10] =	ssyncset.done $0x0;
	p0 =	sne.s32 s17, $0xA200  }
.Ltmp0:
0x22: {  	s18 =	sadd.s32 $0x280, s18;
	[sflag:s10] =	ssyncadd.s32 $0xFFFFFF80;
	(pc) =	sbr.rel @p0 .LBB2_2-.Ltmp0, $3  }
0x23: {  	[spmem:s2] =	stream.indirect.scatter.add.f32 [tilespmem:s13], [sflag:$0x1], $0x1, s18, s12, $0xb8;
	[tilespmem:$0x2F00] =	vst v63  }
0x24: {  	s17 =	sadd.s32 $0x200, s17;
	_ =	sdelay $0x1  }
0x25: {  	_ =	swait.ge [sflag:s10], $0x80  }
0x26: {  	[sflag:s10] =	ssyncset.done $0x0;
	s16 =	sadd.s32 $0x1, s16  }
0x27: {  	[sflag:s10] =	ssyncadd.s32 $0xFFFFFF80;
	p0 =	sne.s32 s16, s8  }
.Ltmp1:
0x28: {  	[bflag:$0x0] =	sbarrier.arrive $0xFFFF;
	(pc) =	sbr.rel @p0 .LBB2_1-.Ltmp1, $4  }
0x29: {  	[hbm:s7@s14], [sflag:s5] =	dma.strided [spmem:s9@s15], $0x50, s10, $0x10   }
0x2a: {  	_ =	swait.ge [sflag:s10], $0x50  }
0x2b: {  	[sflag:s10] =	ssyncset.done $0x0  }
0x2c: {  	[sflag:s10] =	ssyncadd.s32 $0xFFFFFFB0  }
0x2d: {  	_ =	sfence.sel $0x180000  }
0x2e: {  	[bflag:$0x0] =	sbarrier.arrive $0xFFFF  }
0x2f: {  	p0 =	sne.s32 s0, $0x0;
	_ =	strace $0x90000047  }
0x30: {  	s0 =	sadd.s32 @!p0 $0x100000, s1;
	[bflag:$0x2] =	sbarrier.arrive $0xFFFF  }
0x31: {  	[sflag:s0] =	ssyncadd.tile.s32 @!p0 $0x1;
	_ =	shalt  }
.Lfunc_end2:
_tile_overlayer_lowered:
.L_overlay_start_2:
0x32: {  	(tag) =	ssettag $0x2  }
0x33: {  	s0 =	rddreg [dreg:$0x0];
	s2 =	stileid.u32  }
0x34: {  	s1 =	rddreg [dreg:$0x1];
	p0 =	sne.s32 s2, $0x0  }
0x35: {  	s3 =	rddreg [dreg:$0x2];
	[bflag:$0x3] =	sbarrier.arrive $0xFFFF;
	s2 =	simm.s32 @!p0 $0x1C01  }
0x36: {  	[timem:s3], [sflag:s2] =	dma.local @!p0 [hbm:s0], s1  }
0x37: {  	s0 =	simm.s32 @!p0 $0x1  }
0x38: {  	_ =	swait.ge @!p0 [sflag:s0], s1  }
0x39: {  	s1 =	ssub.s32 @!p0 $0x0, s1;
	[sflag:s0] =	ssyncset.done @!p0 $0x0  }
0x3a: {  	[sflag:s0] =	ssyncadd.s32 @!p0 s1  }
0x3b: {  	[bflag:$0x3] =	sbarrier.arrive $0xFFFF  }
0x3c: {  	_ =	shalt  }

// kernel: kernel.16.cloned.1.call-start
scs
__scs_entry_jumppad:
0x0: {  	(pc) =	sbr.rel $0x88, $3  }
0x1: {  	(tag) =	ssettag $0x0;
	lr =	simm.s32 $0x1  }
0x2: {  	[smem:$0x3F8E] =	sst lr;
	_ =	strace $0xD0000000  }
0x3: {  	_ = 	snop  }
0x4: {  	_ = 	snop  }
0x5: {  	_ = 	snop  }
0x6: {  	_ = 	snop  }
0x7: {  	_ = 	snop  }
__scs_overlays_trampoline_lowered:
0x8: {  	[smem:$0x3F9D] =	sst s0  }
0x9: {  	[smem:$0x3F9E] =	sst s1  }
0xa: {  	[smem:$0x3F9F] =	sst s2  }
0xb: {  	[smem:$0x3FA0] =	sst s3  }
0xc: {  	[smem:$0x3FA1] =	sst s4  }
0xd: {  	[smem:$0x3FA2] =	sst s5  }
0xe: {  	[smem:$0x3FA3] =	sst s6  }
0xf: {  	[smem:$0x3FA4] =	sst s7  }
0x10: {  	[smem:$0x3FA5] =	sst s8  }
0x11: {  	[smem:$0x3FA6] =	sst s9;
	s0 =	simm.s32 @!p0 $0x0  }
0x12: {  	s1 =	sld [smem:$0x3F8C];
	s0 =	simm.s32 @p0 $0x1  }
0x13: {  	[smem:$0x3FA7] =	sst s0;
	s0 =	simm.s32 @!p1 $0x0  }
0x14: {  	s2 =	sld [smem:$0x3F8B];
	s0 =	simm.s32 @p1 $0x1  }
0x15: {  	[smem:$0x3FA8] =	sst s0;
	s0 =	simm.s32 @!p2 $0x0  }
0x16: {  	s3 =	sld [smem:$0x3FDB];
	s0 =	simm.s32 @p2 $0x1  }
0x17: {  	s4 =	simm.s32 $0x1BF5;
	[smem:$0x3FAA] =	sst s0  }
0x18: {  	s0 =	sld [smem:$0x3F8D];
	_ =	swait.ge [sflag:s4], $0x0  }
0x19: {  	s7 =	sld [smem:$0x3F8E]  }
0x1a: {  	s8 =	sadd.s32 $0xFFFFE003, lr  }
0x1b: {  	s9 =	sadd.s32 $0xFFFFFEF7, lr;
	s5 =	simm.s32 $0xFFFFFFFF;
	p2 =	slt.u32 s8, $0xFFFFF086  }
0x1c: {  	p1 =	slt.u32 s9, $0xF7A;
	s5 =	simm.s32 @!p2 $0x0  }
0x1d: {  	s5 =	simm.s32 @p1 $0x1;
	p0 =	seq.s32 s7, s2  }
0x1e: {  	s7 =	smul.u32 @!p0 $0xF7A, s2;
	p2 =	seq.s32 @!p0 s5, $0x0  }
0x1f: {  	s9 =	smul.u32 $0xF7A, s1;
	s8 =	simm.s32 @!p0 $0x1BF5;
	p2 =	por !p2, p0  }
0x20: {  	[sflag:s8] =	ssyncset.s32 @!p0 $0xFFFFF086;
	s6 =	sadd.s32 @!p0 s3, s7;
	s7 =	simm.s32 @!p0 $0x108  }
0x21: {  	s3 =	sadd.s32 s3, s9;
	s6 =	sadd.s32 @!p0 $0x88, s6;
	s7 =	simm.s32 @p2 $0x1082  }
0x22: {  	[simem:s7], [sflag:s8] =	dma.local @!p0 [hbm:s6], $0xF7A  }
0x23: {  	s9 =	sor.u32 $0xD0000000, s2;
	s6 =	simm.s32 $0x108;
	_ =	swait.ge @!p0 [sflag:s8], $0x0  }
0x24: {  	s3 =	sadd.s32 $0x88, s3;
	s6 =	simm.s32 @!p1 $0x1082;
	[sflag:s4] =	ssyncset.s32 $0xFFFFF086  }
0x25: {  	[simem:s6], [sflag:s4] =	dma.local [hbm:s3], $0xF7A  }
0x26: {  	[smem:$0x3F8E] =	sst s1;
	(tag) =	ssettag s2;
	_ =	strace s9  }
0x27: {  	s1 =	sld [smem:$0x3F9E]  }
0x28: {  	s2 =	sld [smem:$0x3F9F]  }
0x29: {  	s4 =	sld [smem:$0x3FA1]  }
0x2a: {  	p0 =	seq.s32 s5, $0x0;
	s5 =	sld [smem:$0x3FA2]  }
0x2b: {  	s6 =	sld [smem:$0x3FA3]  }
0x2c: {  	s7 =	sld [smem:$0x3FA4]  }
0x2d: {  	s3 =	simm.s32 $0x108;
	s8 =	sld [smem:$0x3FA5]  }
0x2e: {  	s3 =	simm.s32 @!p0 $0x1082;
	s9 =	sld [smem:$0x3FA6]  }
0x2f: {  	lr =	sadd.s32 s0, s3;
	s0 =	sld [smem:$0x3F9D]  }
0x30: {  	s3 =	sld [smem:$0x3FA0]  }
0x31: {  	[smem:$0x3FA9] =	sst s10  }
0x32: {  	s10 =	sld [smem:$0x3FA7];
	_ =	sdelay $0x3  }
0x33: {  	p0 =	seq.s32 s10, $0x1;
	s10 =	sld [smem:$0x3FA9];
	_ =	sdelay $0x3  }
0x34: {  	[smem:$0x3FA9] =	sst s10  }
0x35: {  	s10 =	sld [smem:$0x3FA8];
	_ =	sdelay $0x3  }
0x36: {  	p1 =	seq.s32 s10, $0x1;
	s10 =	sld [smem:$0x3FA9];
	_ =	sdelay $0x3  }
0x37: {  	[smem:$0x3FA9] =	sst s10  }
0x38: {  	s10 =	sld [smem:$0x3FAA]  }
0x39: {  	_ = 	snop;
	(pc) =	sbr.ind lr, $3  }
0x3a: {  	_ = 	snop  }
0x3b: {  	_ = 	snop  }
0x3c: {  	p2 =	seq.s32 s10, $0x1;
	s10 =	sld [smem:$0x3FA9]  }
0x3d: {  	_ =	shalt  }
0x3e: {  	_ =	shalt  }
0x3f: {  	_ =	shalt  }
0x40: {  	_ =	shalt  }
0x41: {  	_ =	shalt  }
0x42: {  	_ =	shalt  }
0x43: {  	_ =	shalt  }
0x44: {  	_ =	shalt  }
0x45: {  	_ =	shalt  }
0x46: {  	_ =	shalt  }
0x47: {  	_ =	shalt  }
0x48: {  	_ =	shalt  }
0x49: {  	_ =	shalt  }
0x4a: {  	_ =	shalt  }
0x4b: {  	_ =	shalt  }
0x4c: {  	_ =	shalt  }
0x4d: {  	_ =	shalt  }
0x4e: {  	_ =	shalt  }
0x4f: {  	_ =	shalt  }
0x50: {  	_ =	shalt  }
0x51: {  	_ =	shalt  }
0x52: {  	_ =	shalt  }
0x53: {  	_ =	shalt  }
0x54: {  	_ =	shalt  }
0x55: {  	_ =	shalt  }
0x56: {  	_ =	shalt  }
0x57: {  	_ =	shalt  }
0x58: {  	_ =	shalt  }
0x59: {  	_ =	shalt  }
0x5a: {  	_ =	shalt  }
0x5b: {  	_ =	shalt  }
0x5c: {  	_ =	shalt  }
0x5d: {  	_ =	shalt  }
0x5e: {  	_ =	shalt  }
0x5f: {  	_ =	shalt  }
0x60: {  	_ =	shalt  }
0x61: {  	_ =	shalt  }
0x62: {  	_ =	shalt  }
0x63: {  	_ =	shalt  }
0x64: {  	_ =	shalt  }
0x65: {  	_ =	shalt  }
0x66: {  	_ =	shalt  }
0x67: {  	_ =	shalt  }
0x68: {  	_ =	shalt  }
0x69: {  	_ =	shalt  }
0x6a: {  	_ =	shalt  }
0x6b: {  	_ =	shalt  }
0x6c: {  	_ =	shalt  }
0x6d: {  	_ =	shalt  }
0x6e: {  	_ =	shalt  }
0x6f: {  	_ =	shalt  }
0x70: {  	_ =	shalt  }
0x71: {  	_ =	shalt  }
0x72: {  	_ =	shalt  }
0x73: {  	_ =	shalt  }
0x74: {  	_ =	shalt  }
0x75: {  	_ =	shalt  }
0x76: {  	_ =	shalt  }
0x77: {  	_ =	shalt  }
0x78: {  	_ =	shalt  }
0x79: {  	_ =	shalt  }
0x7a: {  	_ =	shalt  }
0x7b: {  	_ =	shalt  }
0x7c: {  	_ =	shalt  }
0x7d: {  	_ =	shalt  }
0x7e: {  	_ =	shalt  }
0x7f: {  	_ =	shalt  }
0x80: {  	_ =	shalt  }
0x81: {  	_ =	shalt  }
0x82: {  	_ =	shalt  }
0x83: {  	_ =	shalt  }
0x84: {  	_ =	shalt  }
0x85: {  	_ =	shalt  }
0x86: {  	_ =	shalt  }
0x87: {  	_ =	shalt  }
.Lfunc_end0:
.L_simem_size_0:
called_computation.1_lowered:
.L_overlay_start_0:
0x88: {  	s2 =	sld [smem:$0x3FD9]  }
0x89: {  	s3 =	sld [smem:$0x3FFE];
	_ =	sdelay $0x1  }
0x8a: {  	s1 =	srdreg.scid  }
0x8b: {  	s0 =	sand.u32 $0x1, s1  }
0x8c: {  	s16 =	sshll.u32 s0, $0xA;
	s2 =	sadd.s32 s3, s2  }
0x8d: {  	s2 =	sadd.s32 s2, s16  }
0x8e: {  	[smem:$0x3FB5] =	sst s2  }
0x8f: {  	_ = 	snop  }
0x90: {  	(tm) =	ssettm $0x1  }
0x91: {  	s17 =	sld [smem:$0x3FFB];
	_ =	sdelay $0x3  }
0x92: {  	_ =	strace s17  }
0x93: {  	s2 =	sld [smem:$0x3FFC];
	_ =	sdelay $0x3  }
0x94: {  	_ =	strace s2  }
0x95: {  	s2 =	sld [smem:$0x3FFD];
	_ =	sdelay $0x3  }
0x96: {  	_ =	strace s2  }
0x97: {  	_ =	strace $0x8FFFFFFF  }
0x98: {  	s18 =	sld [smem:$0x3FDB];
	_ =	sdelay $0x1  }
0x99: {  	s19 =	simm.s32 $_scs_section_size  }
0x9a: {  	s4 =	simm.s32 $_size__tile_overlayer_lowered;
	s5 =	simm.s32 $_tile_overlayer_lowered  }
0x9b: {  	s22 =	simm.s32 $0x1BFF;
	s21 =	sshll.u32 s5, $0x1;
	s2 =	sadd.s32 s19, s18  }
0x9c: {  	s6 =	simm.s32 $0x0;
	s20 =	sshll.u32 s4, $0x1;
	s4 =	sadd.s32 s21, s2  }
0x9d: {  	[timem:s6], [sflag:s22] =	dma.local [hbm:s4], s20  }
0x9e: {  	_ =	swait.ge [sflag:s22], s20  }
0x9f: {  	s3 =	ssub.s32 $0x0, s20;
	[sflag:s22] =	ssyncset.done $0x0  }
0xa0: {  	[sflag:s22] =	ssyncadd.s32 s3;
	_ =	sdelay $0x1  }
0xa1: {  	s23 =	simm.s32 $0x1B8B  }
0xa2: {  	_ =	swait.ge [sflag:s23], $0x1  }
0xa3: {  	[sflag:s23] =	ssyncset.done $0x0  }
0xa4: {  	s25 =	simm.s32 $0x1B8E;
	s24 =	sld [smem:$0x3FFE];
	[sflag:s23] =	ssyncadd.s32 $0xFFFFFFFF  }
0xa5: {  	s26 =	simm.s32 $execute0_lowered;
	[smem:$0x3FD2] =	sst s25  }
0xa6: {  	s4 =	sshll.u32 s26, $0x1;
	_ =	strace $0x80000049;
	[dreg:$0x1] =	wrdreg $0xFFFFFFFF  }
0xa7: {  	s28 =	simm.s32 $_size_execute0_lowered;
	s2 =	sadd.s32 s2, s4;
	[dreg:$0x0] =	wrdreg $0x0  }
0xa8: {  	s4 =	sshll.u32 s28, $0x1;
	[dreg:$0x2] =	wrdreg s2  }
0xa9: {  	[dreg:$0x3] =	wrdreg s4  }
0xaa: {  	[dreg:$0x4] =	wrdreg $0xC0  }
0xab: {  	_ =	task [dreg:s6], $0x5FFFF  }
0xac: {  	[dreg:$0x1] =	wrdreg $0xFFFFFFFF  }
0xad: {  	[dreg:$0x0] =	wrdreg $0x60  }
0xae: {  	[dreg:$0x2] =	wrdreg s24  }
0xaf: {  	[dreg:$0x3] =	wrdreg $0x0  }
0xb0: {  	[dreg:$0x4] =	wrdreg $0x9  }
0xb1: {  	_ =	task.clear_ibuf [dreg:s6], $0x5FFFF;
	_ =	strace $0x90000049  }
0xb2: {  	s29 =	simm.s32 $0x9;
	_ =	strace $0x8000004B  }
0xb3: {  	_ =	swait.ge [sflag:s29], $0x1  }
0xb4: {  	[sflag:s29] =	ssyncadd.s32 $0xFFFFFFFF  }
0xb5: {  	_ =	strace $0x9000004B  }
0xb6: {  	_ =	sfence  }
0xb7: {  	s30 =	sld [smem:$0x0];
	_ =	sdelay $0x2  }
0xb8: {  	s31 =	sshll.u32 s1, $0xD;
	s1 =	sshrl.u32 s1, $0x2  }
0xb9: {  	s3 =	sand.u32 $0x4000, s31;
	s1 =	sadd.s32 s1, s30  }
0xba: {  	s0 =	sor.u32 s3, s0;
	s1 =	sshll.u32 s1, $0x11  }
0xbb: {  	s0 =	sor.u32 s1, s0  }
0xbc: {  	s0 =	sadd.s32 $0x8F2B, s0  }
0xbd: {  	[sflag:s0] =	ssyncadd.remote.s32 $0x1  }
0xbe: {  	_ =	sfence.sel $0xFFFF  }
0xbf: {  	[dreg:$0x0] =	wrdreg $0xFFFFFFFF;
	(pc) =	sbr.abs _section_cstart, $3  }
0xc0: {  	[dreg:$0x1] =	wrdreg $0xFFFFFFFF  }
0xc1: {  	_ =	task.clear_ibuf [dreg:s6], $0x2FFFF;
	_ =	strace $0x9FFFFFFF  }
0xc2: {  	(tm) =	ssettm $0x7FFFFFFF  }
0xc3: {  	_ =	shalt  }
tec
execute0_lowered:
.L_overlay_start_1:
0x0: {  	(tag) =	ssettag $0x1  }
0x1: {  	s0 =	srdreg.scid;
	s1 =	rddreg [dreg:$0x0]  }
0x2: {  	s3 =	stileid.u32;
	s2 =	rddreg [dreg:$0x1];
	s6 =	simm.s32 $0x0  }
0x3: {  	s10 =	simm.s32 $0x4F00;
	s11 =	simm.s32 $0x9;
	s12 =	simm.s32 $0xA100  }
0x4: {  	s15 =	simm.s32 $0x80;
	s16 =	simm.s32 $0xF300;
	s18 =	simm.s32 $0x10300  }
0x5: {  	s20 =	simm.s32 $0x11300;
	s22 =	simm.s32 $0x12300;
	s29 =	simm.s32 $0x3  }
0x6: {  	s31 =	simm.s32 $0x6;
	s19 =	simm.s32 $0x7;
	s5 =	smul.u32 $0x5200, s3  }
0x7: {  	s28 =	simm.s32 $0x0;
	s0 =	sand.u32 $0x1, s0;
	s7 =	smul.u32 $0x9E00, s3  }
0x8: {  	[smem:$0x7FF] =	sst s6;
	s24 =	sadd.s32 $0x2E000, s1;
	s4 =	smul.u32 $0x52000, s0  }
0x9: {  	s30 =	sshll.u32 s3, $0x6;
	s8 =	smul.u32 $0x9E000, s0;
	_ =	strace $0x8000004A  }
0xa: {  	s0 =	ssub.s32 $0x2, s0;
	[dreg:$0x3] =	wrdreg s24;
	s13 =	sor.u32 $0x1C09, s30  }
0xb: {  	s24 =	simm.s32 $0x2;
	s25 =	sshrl.u32 s0, $0x1;
	s26 =	sshrl.u32 s7, $0x1  }
0xc: {  	s23 =	sadd.s32 s5, s4;
	s4 =	sadd.s32 $0x2EA00, s1;
	s5 =	sshrl.u32 s5, $0x3  }
0xd: {  	s8 =	sadd.s32 s7, s8;
	s0 =	ssub.s32 s0, s25;
	s14 =	sadd.s32 s26, s2  }
.Ltmp0:
0xe: {  	s26 =	simm.s32 $0x5;
	s25 =	simm.s32 $0x8;
	(pc) =	sbr.rel .LBB2_1-.Ltmp0, $4  }
0xf: {  	s6 =	sshrl.u32 s23, $0x3;
	s9 =	sadd.s32 s5, s1;
	s8 =	sshrl.u32 s8, $0x4  }
0x10: {  	s14 =	sshrl.u32 s14, $0x3;
	s23 =	simm.s32 $0x1;
	s6 =	sadd.s32 s6, s1  }
0x11: {  	s1 =	sadd.s32 s8, s1;
	s7 =	sadd.s32 $0x3800, s9;
	s9 =	smax.u32 s0, $0x1  }
0x12: {  	s0 =	simm.s32 $0x4;
	s6 =	sadd.s32 $0x19800, s6;
	s8 =	sadd.s32 $0x42400, s1  }
.LBB2_4:
0x13: {  	_ =	swait.ge [sflag:s26], $0x1000  }
0x14: {  	[sflag:s26] =	ssyncset.done $0x0  }
0x15: {  	[sflag:s26] =	ssyncadd.s32 $0xFFFFF000  }
0x16: {  	_ =	swait.ge [sflag:s31], $0x1000  }
0x17: {  	[sflag:s31] =	ssyncset.done $0x0  }
0x18: {  	[sflag:s31] =	ssyncadd.s32 $0xFFFFF000  }
0x19: {  	_ =	swait.ge [sflag:s19], $0x1000  }
0x1a: {  	[sflag:s19] =	ssyncset.done $0x0  }
0x1b: {  	[sflag:s19] =	ssyncadd.s32 $0xFFFFF000  }
0x1c: {  	_ =	swait.ge [sflag:s25], $0x1000  }
0x1d: {  	s28 =	sadd.s32 $0x1, s28;
	[sflag:s25] =	ssyncset.done $0x0  }
0x1e: {  	p0 =	sne.s32 s28, s9;
	[sflag:s25] =	ssyncadd.s32 $0xFFFFF000  }
.Ltmp1:
0x1f: {  	[bflag:$0x0] =	sbarrier.arrive $0xFFFF;
	(pc) =	sbr.rel @!p0 .LBB2_5-.Ltmp1, $4  }
0x20: {  	[hbm:s8], [sflag:s13] =	dma.local [spmem:s14], $0x9E0  }
0x21: {  	_ =	swait.ge [sflag:s11], $0x9E0  }
0x22: {  	[sflag:s11] =	ssyncset.done $0x0  }
0x23: {  	[sflag:s11] =	ssyncadd.s32 $0xFFFFF620  }
.LBB2_1:
0x24: {  	s1 =	simm.s32 $0x0  }
0x25: {  	[tilespmem:s10], [sflag:$0x9] =	stream.linear.gather [hbm4b:s6+s1], $0x5200, $0x38;
	[tilespmem:$0x13300] =	vst v63  }
0x26: {  	_ =	swait.ge [sflag:s11], $0x5200  }
0x27: {  	[sflag:s11] =	ssyncset.done $0x0  }
0x28: {  	[sflag:s11] =	ssyncadd.s32 $0xFFFFAE00  }
0x29: {  	[tilespmem:s12], [sflag:$0x9] =	stream.linear.gather [hbm4b:s7+s1], $0x5200, $0x38;
	[tilespmem:$0x13300] =	vst v63  }
0x2a: {  	_ =	swait.ge [sflag:s11], $0x5200  }
0x2b: {  	[sflag:s11] =	ssyncset.done $0x0  }
0x2c: {  	s17 =	rddreg [dreg:$0x3];
	[sflag:s11] =	ssyncadd.s32 $0xFFFFAE00  }
0x2d: {  	[spmem:s14], [sflag:s13] =	dma.local [hbm:s17], $0x9E0  }
0x2e: {  	_ =	swait.ge [sflag:s11], $0x9E0  }
0x2f: {  	[sflag:s11] =	ssyncset.done $0x0  }
0x30: {  	[sflag:s11] =	ssyncadd.s32 $0xFFFFF620  }
0x31: {  	[tilespmem:s16], [sflag:$0x1] =	stream.indirect.gather [hbm4b:s4+s15], $0x20, s10, s15, $0xb8;
	[tilespmem:$0x13300] =	vst v63  }
0x32: {  	s21 =	simm.s32 $0x4F80  }
0x33: {  	[tilespmem:s18], [sflag:$0x2] =	stream.indirect.gather [hbm4b:s4+s15], $0x20, s21, s15, $0xb8;
	[tilespmem:$0x13300] =	vst v63  }
0x34: {  	s3 =	simm.s32 $0x5000  }
0x35: {  	[tilespmem:s20], [sflag:$0x3] =	stream.indirect.gather [hbm4b:s4+s15], $0x20, s3, s15, $0xb8;
	[tilespmem:$0x13300] =	vst v63  }
0x36: {  	s5 =	simm.s32 $0x5080  }
0x37: {  	[tilespmem:s22], [sflag:$0x4] =	stream.indirect.gather [hbm4b:s4+s15], $0x20, s5, s15, $0xb8;
	[tilespmem:$0x13300] =	vst v63  }
0x38: {  	[bflag:$0x0] =	sbarrier.arrive $0xFFFF  }
0x39: {  	_ =	swait.ge [sflag:s23], $0x1000  }
0x3a: {  	[sflag:s23] =	ssyncset.done $0x0  }
0x3b: {  	[sflag:s23] =	ssyncadd.s32 $0xFFFFF000  }
0x3c: {  	[spmem:s2] =	stream.indirect.scatter.add.bf16 [tilespmem:s16], [sflag:$0x5], $0x20, s12, s15, $0xb8;
	[tilespmem:$0x13300] =	vst v63  }
0x3d: {  	_ =	swait.ge [sflag:s24], $0x1000  }
0x3e: {  	[sflag:s24] =	ssyncset.done $0x0  }
0x3f: {  	s17 =	simm.s32 $0xA180;
	[sflag:s24] =	ssyncadd.s32 $0xFFFFF000  }
0x40: {  	[spmem:s2] =	stream.indirect.scatter.add.bf16 [tilespmem:s18], [sflag:$0x6], $0x20, s17, s15, $0xb8;
	[tilespmem:$0x13300] =	vst v63  }
0x41: {  	_ =	swait.ge [sflag:s26], $0x1000  }
0x42: {  	[sflag:s26] =	ssyncset.done $0x0  }
0x43: {  	s21 =	simm.s32 $0x5100;
	[sflag:s26] =	ssyncadd.s32 $0xFFFFF000  }
0x44: {  	[tilespmem:s16], [sflag:$0x1] =	stream.indirect.gather [hbm4b:s4+s15], $0x20, s21, s15, $0xb8;
	[tilespmem:$0x13300] =	vst v63  }
0x45: {  	_ =	swait.ge [sflag:s29], $0x1000  }
0x46: {  	[sflag:s29] =	ssyncset.done $0x0  }
0x47: {  	s3 =	simm.s32 $0xA200;
	[sflag:s29] =	ssyncadd.s32 $0xFFFFF000  }
0x48: {  	[spmem:s2] =	stream.indirect.scatter.add.bf16 [tilespmem:s20], [sflag:$0x7], $0x20, s3, s15, $0xb8;
	[tilespmem:$0x13300] =	vst v63  }
0x49: {  	_ =	swait.ge [sflag:s31], $0x1000  }
0x4a: {  	[sflag:s31] =	ssyncset.done $0x0  }
0x4b: {  	s5 =	simm.s32 $0x5180;
	[sflag:s31] =	ssyncadd.s32 $0xFFFFF000  }
0x4c: {  	[tilespmem:s18], [sflag:$0x2] =	stream.indirect.gather [hbm4b:s4+s15], $0x20, s5, s15, $0xb8;
	[tilespmem:$0x13300] =	vst v63  }
0x4d: {  	_ =	swait.ge [sflag:s0], $0x1000  }
0x4e: {  	[sflag:s0] =	ssyncset.done $0x0  }
0x4f: {  	s17 =	simm.s32 $0xA280;
	[sflag:s0] =	ssyncadd.s32 $0xFFFFF000  }
0x50: {  	[spmem:s2] =	stream.indirect.scatter.add.bf16 [tilespmem:s22], [sflag:$0x8], $0x20, s17, s15, $0xb8;
	[tilespmem:$0x13300] =	vst v63  }
0x51: {  	_ =	swait.ge [sflag:s19], $0x1000  }
0x52: {  	[sflag:s19] =	ssyncset.done $0x0  }
0x53: {  	s30 =	simm.s32 $0x0;
	s21 =	simm.s32 $0x5200;
	[sflag:s19] =	ssyncadd.s32 $0xFFFFF000  }
0x54: {  	[tilespmem:s20], [sflag:$0x3] =	stream.indirect.gather [hbm4b:s4+s15], $0x20, s21, s15, $0xb8;
	[tilespmem:$0x13300] =	vst v63  }
.LBB2_2:
0x55: {  	_ =	swait.ge [sflag:s23], $0x1000  }
0x56: {  	s1 =	sshra.s32 s30, $0x2;
	[sflag:s23] =	ssyncset.done $0x0  }
0x57: {  	s17 =	sadd.s32 $0xA300, s1;
	[sflag:s23] =	ssyncadd.s32 $0xFFFFF000  }
0x58: {  	[spmem:s2] =	stream.indirect.scatter.add.bf16 [tilespmem:s16], [sflag:$0x5], $0x20, s17, s15, $0xb8;
	[tilespmem:$0x13300] =	vst v63  }
0x59: {  	_ =	swait.ge [sflag:s25], $0x1000  }
0x5a: {  	[sflag:s25] =	ssyncset.done $0x0  }
0x5b: {  	s3 =	sadd.s32 $0x5280, s1;
	[sflag:s25] =	ssyncadd.s32 $0xFFFFF000  }
0x5c: {  	[tilespmem:s22], [sflag:$0x4] =	stream.indirect.gather [hbm4b:s4+s15], $0x20, s3, s15, $0xb8;
	[tilespmem:$0x13300] =	vst v63  }
0x5d: {  	_ =	swait.ge [sflag:s24], $0x1000  }
0x5e: {  	p0 =	seq.s32 s30, $0x13800;
	[sflag:s24] =	ssyncset.done $0x0  }
0x5f: {  	s5 =	sadd.s32 $0xA380, s1;
	s17 =	simm.s32 @p0 $0x3;
	[sflag:s24] =	ssyncadd.s32 $0xFFFFF000  }
0x60: {  	[spmem:s2] =	stream.indirect.scatter.add.bf16 [tilespmem:s18], [sflag:$0x6], $0x20, s5, s15, $0xb8;
	[tilespmem:$0x13300] =	vst v63  }
0x61: {  	_ =	swait.ge @p0 [sflag:s17], $0x1000  }
0x62: {  	[sflag:s17] =	ssyncset.done @p0 $0x0  }
0x63: {  	[sflag:s17] =	ssyncadd.s32 @p0 $0xFFFFF000;
	s17 =	sshra.s32 @p0 s30, $0x2  }
0x64: {  	s21 =	simm.s32 @p0 $0x80;
	s3 =	simm.s32 @p0 $0x11300;
	s17 =	sadd.s32 @p0 $0xA400, s17  }
0x65: {  	[spmem:s2] =	stream.indirect.scatter.add.bf16 @p0 [tilespmem:s3], [sflag:$0x7], $0x20, s17, s21, $0xb8;
	[tilespmem:$0x13300] =	vst v63  }
0x66: {  	s3 =	simm.s32 @!p0 $0x5  }
0x67: {  	_ =	swait.ge @!p0 [sflag:s3], $0x1000  }
0x68: {  	[sflag:s3] =	ssyncset.done @!p0 $0x0  }
0x69: {  	[sflag:s3] =	ssyncadd.s32 @!p0 $0xFFFFF000;
	s3 =	sshra.s32 @!p0 s30, $0x2  }
0x6a: {  	s5 =	simm.s32 @!p0 $0xF300;
	s21 =	simm.s32 @!p0 $0x80;
	s17 =	sadd.s32 @!p0 $0x5300, s3  }
0x6b: {  	[tilespmem:s5], [sflag:$0x1] =	stream.indirect.gather @!p0 [hbm4b:s4+s21], $0x20, s17, s21, $0xb8;
	[tilespmem:$0x13300] =	vst v63  }
0x6c: {  	s5 =	simm.s32 @!p0 $0x3  }
0x6d: {  	_ =	swait.ge @!p0 [sflag:s5], $0x1000  }
0x6e: {  	[sflag:s5] =	ssyncset.done @!p0 $0x0  }
0x6f: {  	s17 =	simm.s32 @!p0 $0x11300;
	[sflag:s5] =	ssyncadd.s32 @!p0 $0xFFFFF000;
	s5 =	sadd.s32 @!p0 $0xA400, s3  }
0x70: {  	[spmem:s2] =	stream.indirect.scatter.add.bf16 @!p0 [tilespmem:s17], [sflag:$0x7], $0x20, s5, s21, $0xb8;
	[tilespmem:$0x13300] =	vst v63  }
0x71: {  	s5 =	simm.s32 @!p0 $0x6  }
0x72: {  	_ =	swait.ge @!p0 [sflag:s5], $0x1000  }
0x73: {  	[sflag:s5] =	ssyncset.done @!p0 $0x0  }
0x74: {  	s3 =	sadd.s32 @!p0 $0x5380, s3;
	[sflag:s5] =	ssyncadd.s32 @!p0 $0xFFFFF000;
	s5 =	simm.s32 @!p0 $0x10300  }
0x75: {  	[tilespmem:s5], [sflag:$0x2] =	stream.indirect.gather @!p0 [hbm4b:s4+s21], $0x20, s3, s21, $0xb8;
	[tilespmem:$0x13300] =	vst v63  }
.Ltmp2:
0x76: {  	_ = 	snop;
	(pc) =	sbr.rel @p0 .LBB2_4-.Ltmp2, $4  }
0x77: {  	_ =	swait.ge [sflag:s0], $0x1000  }
0x78: {  	[sflag:s0] =	ssyncset.done $0x0  }
0x79: {  	s21 =	sadd.s32 $0xA480, s1;
	[sflag:s0] =	ssyncadd.s32 $0xFFFFF000  }
0x7a: {  	[spmem:s2] =	stream.indirect.scatter.add.bf16 [tilespmem:s22], [sflag:$0x8], $0x20, s21, s15, $0xb8;
	[tilespmem:$0x13300] =	vst v63  }
.Ltmp3:
0x7b: {  	(pc) =	sbr.rel .LBB2_2-.Ltmp3, $4  }
0x7c: {  	_ =	swait.ge [sflag:s19], $0x1000  }
0x7d: {  	[sflag:s19] =	ssyncset.done $0x0  }
0x7e: {  	s1 =	sadd.s32 $0x5400, s1;
	s30 =	sadd.s32 $0x800, s30;
	[sflag:s19] =	ssyncadd.s32 $0xFFFFF000  }
0x7f: {  	[tilespmem:s20], [sflag:$0x3] =	stream.indirect.gather [hbm4b:s4+s15], $0x20, s1, s15, $0xb8;
	[tilespmem:$0x13300] =	vst v63  }
.LBB2_5:
0x80: {  	_ =	sfence.sel $0x180000  }
0x81: {  	[bflag:$0x0] =	sbarrier.arrive $0xFFFF  }
0x82: {  	_ =	strace $0x9000004A  }
0x83: {  	s0 =	stileid.u32;
	[bflag:$0x2] =	sbarrier.arrive $0xFFFF  }
0x84: {  	p0 =	sne.s32 s0, $0x0;
	s0 =	rddreg [dreg:$0x2]  }
0x85: {  	s0 =	sadd.s32 @!p0 $0x100000, s0  }
0x86: {  	[sflag:s0] =	ssyncadd.tile.s32 @!p0 $0x1;
	_ =	shalt  }
.Lfunc_end2:
_tile_overlayer_lowered:
.L_overlay_start_2:
0x87: {  	(tag) =	ssettag $0x2  }
0x88: {  	s0 =	rddreg [dreg:$0x0];
	s2 =	stileid.u32  }
0x89: {  	s1 =	rddreg [dreg:$0x1];
	p0 =	sne.s32 s2, $0x0  }
0x8a: {  	s3 =	rddreg [dreg:$0x2];
	[bflag:$0x3] =	sbarrier.arrive $0xFFFF;
	s2 =	simm.s32 @!p0 $0x1C09  }
0x8b: {  	[timem:s3], [sflag:s2] =	dma.local @!p0 [hbm:s0], s1  }
0x8c: {  	s0 =	simm.s32 @!p0 $0x9  }
0x8d: {  	_ =	swait.ge @!p0 [sflag:s0], s1  }
0x8e: {  	s1 =	ssub.s32 @!p0 $0x0, s1;
	[sflag:s0] =	ssyncset.done @!p0 $0x0  }
0x8f: {  	[sflag:s0] =	ssyncadd.s32 @!p0 s1  }
0x90: {  	[bflag:$0x3] =	sbarrier.arrive $0xFFFF  }
0x91: {  	_ =	shalt  }

// kernel: kernel.19.cloned.1.call-start
scs
__scs_entry_jumppad:
0x0: {  	(pc) =	sbr.rel $0x88, $3  }
0x1: {  	(tag) =	ssettag $0x0;
	lr =	simm.s32 $0x1  }
0x2: {  	[smem:$0x3F8E] =	sst lr;
	_ =	strace $0xD0000000  }
0x3: {  	_ = 	snop  }
0x4: {  	_ = 	snop  }
0x5: {  	_ = 	snop  }
0x6: {  	_ = 	snop  }
0x7: {  	_ = 	snop  }
__scs_overlays_trampoline_lowered:
0x8: {  	[smem:$0x3F9D] =	sst s0  }
0x9: {  	[smem:$0x3F9E] =	sst s1  }
0xa: {  	[smem:$0x3F9F] =	sst s2  }
0xb: {  	[smem:$0x3FA0] =	sst s3  }
0xc: {  	[smem:$0x3FA1] =	sst s4  }
0xd: {  	[smem:$0x3FA2] =	sst s5  }
0xe: {  	[smem:$0x3FA3] =	sst s6  }
0xf: {  	[smem:$0x3FA4] =	sst s7  }
0x10: {  	[smem:$0x3FA5] =	sst s8  }
0x11: {  	[smem:$0x3FA6] =	sst s9;
	s0 =	simm.s32 @!p0 $0x0  }
0x12: {  	s1 =	sld [smem:$0x3F8C];
	s0 =	simm.s32 @p0 $0x1  }
0x13: {  	[smem:$0x3FA7] =	sst s0;
	s0 =	simm.s32 @!p1 $0x0  }
0x14: {  	s2 =	sld [smem:$0x3F8B];
	s0 =	simm.s32 @p1 $0x1  }
0x15: {  	[smem:$0x3FA8] =	sst s0;
	s0 =	simm.s32 @!p2 $0x0  }
0x16: {  	s3 =	sld [smem:$0x3FDB];
	s0 =	simm.s32 @p2 $0x1  }
0x17: {  	s4 =	simm.s32 $0x1BF5;
	[smem:$0x3FAA] =	sst s0  }
0x18: {  	s0 =	sld [smem:$0x3F8D];
	_ =	swait.ge [sflag:s4], $0x0  }
0x19: {  	s7 =	sld [smem:$0x3F8E]  }
0x1a: {  	s8 =	sadd.s32 $0xFFFFE003, lr  }
0x1b: {  	s9 =	sadd.s32 $0xFFFFFEF7, lr;
	s5 =	simm.s32 $0xFFFFFFFF;
	p2 =	slt.u32 s8, $0xFFFFF086  }
0x1c: {  	p1 =	slt.u32 s9, $0xF7A;
	s5 =	simm.s32 @!p2 $0x0  }
0x1d: {  	s5 =	simm.s32 @p1 $0x1;
	p0 =	seq.s32 s7, s2  }
0x1e: {  	s7 =	smul.u32 @!p0 $0xF7A, s2;
	p2 =	seq.s32 @!p0 s5, $0x0  }
0x1f: {  	s9 =	smul.u32 $0xF7A, s1;
	s8 =	simm.s32 @!p0 $0x1BF5;
	p2 =	por !p2, p0  }
0x20: {  	[sflag:s8] =	ssyncset.s32 @!p0 $0xFFFFF086;
	s6 =	sadd.s32 @!p0 s3, s7;
	s7 =	simm.s32 @!p0 $0x108  }
0x21: {  	s3 =	sadd.s32 s3, s9;
	s6 =	sadd.s32 @!p0 $0x88, s6;
	s7 =	simm.s32 @p2 $0x1082  }
0x22: {  	[simem:s7], [sflag:s8] =	dma.local @!p0 [hbm:s6], $0xF7A  }
0x23: {  	s9 =	sor.u32 $0xD0000000, s2;
	s6 =	simm.s32 $0x108;
	_ =	swait.ge @!p0 [sflag:s8], $0x0  }
0x24: {  	s3 =	sadd.s32 $0x88, s3;
	s6 =	simm.s32 @!p1 $0x1082;
	[sflag:s4] =	ssyncset.s32 $0xFFFFF086  }
0x25: {  	[simem:s6], [sflag:s4] =	dma.local [hbm:s3], $0xF7A  }
0x26: {  	[smem:$0x3F8E] =	sst s1;
	(tag) =	ssettag s2;
	_ =	strace s9  }
0x27: {  	s1 =	sld [smem:$0x3F9E]  }
0x28: {  	s2 =	sld [smem:$0x3F9F]  }
0x29: {  	s4 =	sld [smem:$0x3FA1]  }
0x2a: {  	p0 =	seq.s32 s5, $0x0;
	s5 =	sld [smem:$0x3FA2]  }
0x2b: {  	s6 =	sld [smem:$0x3FA3]  }
0x2c: {  	s7 =	sld [smem:$0x3FA4]  }
0x2d: {  	s3 =	simm.s32 $0x108;
	s8 =	sld [smem:$0x3FA5]  }
0x2e: {  	s3 =	simm.s32 @!p0 $0x1082;
	s9 =	sld [smem:$0x3FA6]  }
0x2f: {  	lr =	sadd.s32 s0, s3;
	s0 =	sld [smem:$0x3F9D]  }
0x30: {  	s3 =	sld [smem:$0x3FA0]  }
0x31: {  	[smem:$0x3FA9] =	sst s10  }
0x32: {  	s10 =	sld [smem:$0x3FA7];
	_ =	sdelay $0x3  }
0x33: {  	p0 =	seq.s32 s10, $0x1;
	s10 =	sld [smem:$0x3FA9];
	_ =	sdelay $0x3  }
0x34: {  	[smem:$0x3FA9] =	sst s10  }
0x35: {  	s10 =	sld [smem:$0x3FA8];
	_ =	sdelay $0x3  }
0x36: {  	p1 =	seq.s32 s10, $0x1;
	s10 =	sld [smem:$0x3FA9];
	_ =	sdelay $0x3  }
0x37: {  	[smem:$0x3FA9] =	sst s10  }
0x38: {  	s10 =	sld [smem:$0x3FAA]  }
0x39: {  	_ = 	snop;
	(pc) =	sbr.ind lr, $3  }
0x3a: {  	_ = 	snop  }
0x3b: {  	_ = 	snop  }
0x3c: {  	p2 =	seq.s32 s10, $0x1;
	s10 =	sld [smem:$0x3FA9]  }
0x3d: {  	_ =	shalt  }
0x3e: {  	_ =	shalt  }
0x3f: {  	_ =	shalt  }
0x40: {  	_ =	shalt  }
0x41: {  	_ =	shalt  }
0x42: {  	_ =	shalt  }
0x43: {  	_ =	shalt  }
0x44: {  	_ =	shalt  }
0x45: {  	_ =	shalt  }
0x46: {  	_ =	shalt  }
0x47: {  	_ =	shalt  }
0x48: {  	_ =	shalt  }
0x49: {  	_ =	shalt  }
0x4a: {  	_ =	shalt  }
0x4b: {  	_ =	shalt  }
0x4c: {  	_ =	shalt  }
0x4d: {  	_ =	shalt  }
0x4e: {  	_ =	shalt  }
0x4f: {  	_ =	shalt  }
0x50: {  	_ =	shalt  }
0x51: {  	_ =	shalt  }
0x52: {  	_ =	shalt  }
0x53: {  	_ =	shalt  }
0x54: {  	_ =	shalt  }
0x55: {  	_ =	shalt  }
0x56: {  	_ =	shalt  }
0x57: {  	_ =	shalt  }
0x58: {  	_ =	shalt  }
0x59: {  	_ =	shalt  }
0x5a: {  	_ =	shalt  }
0x5b: {  	_ =	shalt  }
0x5c: {  	_ =	shalt  }
0x5d: {  	_ =	shalt  }
0x5e: {  	_ =	shalt  }
0x5f: {  	_ =	shalt  }
0x60: {  	_ =	shalt  }
0x61: {  	_ =	shalt  }
0x62: {  	_ =	shalt  }
0x63: {  	_ =	shalt  }
0x64: {  	_ =	shalt  }
0x65: {  	_ =	shalt  }
0x66: {  	_ =	shalt  }
0x67: {  	_ =	shalt  }
0x68: {  	_ =	shalt  }
0x69: {  	_ =	shalt  }
0x6a: {  	_ =	shalt  }
0x6b: {  	_ =	shalt  }
0x6c: {  	_ =	shalt  }
0x6d: {  	_ =	shalt  }
0x6e: {  	_ =	shalt  }
0x6f: {  	_ =	shalt  }
0x70: {  	_ =	shalt  }
0x71: {  	_ =	shalt  }
0x72: {  	_ =	shalt  }
0x73: {  	_ =	shalt  }
0x74: {  	_ =	shalt  }
0x75: {  	_ =	shalt  }
0x76: {  	_ =	shalt  }
0x77: {  	_ =	shalt  }
0x78: {  	_ =	shalt  }
0x79: {  	_ =	shalt  }
0x7a: {  	_ =	shalt  }
0x7b: {  	_ =	shalt  }
0x7c: {  	_ =	shalt  }
0x7d: {  	_ =	shalt  }
0x7e: {  	_ =	shalt  }
0x7f: {  	_ =	shalt  }
0x80: {  	_ =	shalt  }
0x81: {  	_ =	shalt  }
0x82: {  	_ =	shalt  }
0x83: {  	_ =	shalt  }
0x84: {  	_ =	shalt  }
0x85: {  	_ =	shalt  }
0x86: {  	_ =	shalt  }
0x87: {  	_ =	shalt  }
.Lfunc_end0:
.L_simem_size_0:
called_computation.2_lowered:
.L_overlay_start_0:
0x88: {  	s2 =	sld [smem:$0x3FD9]  }
0x89: {  	s3 =	sld [smem:$0x3FFE];
	_ =	sdelay $0x1  }
0x8a: {  	s1 =	srdreg.scid  }
0x8b: {  	s0 =	sand.u32 $0x1, s1  }
0x8c: {  	s16 =	sshll.u32 s0, $0xA;
	s2 =	sadd.s32 s3, s2  }
0x8d: {  	s2 =	sadd.s32 s2, s16  }
0x8e: {  	[smem:$0x3FB5] =	sst s2  }
0x8f: {  	_ = 	snop  }
0x90: {  	(tm) =	ssettm $0x1  }
0x91: {  	s17 =	sld [smem:$0x3FFB];
	_ =	sdelay $0x3  }
0x92: {  	_ =	strace s17  }
0x93: {  	s2 =	sld [smem:$0x3FFC];
	_ =	sdelay $0x3  }
0x94: {  	_ =	strace s2  }
0x95: {  	s2 =	sld [smem:$0x3FFD];
	_ =	sdelay $0x3  }
0x96: {  	_ =	strace s2  }
0x97: {  	_ =	strace $0x8FFFFFFF  }
0x98: {  	s18 =	sld [smem:$0x3FDB];
	_ =	sdelay $0x1  }
0x99: {  	s19 =	simm.s32 $_scs_section_size  }
0x9a: {  	s4 =	simm.s32 $_size__tile_overlayer_lowered;
	s5 =	simm.s32 $_tile_overlayer_lowered  }
0x9b: {  	s22 =	simm.s32 $0x1BFF;
	s21 =	sshll.u32 s5, $0x1;
	s2 =	sadd.s32 s19, s18  }
0x9c: {  	s6 =	simm.s32 $0x0;
	s20 =	sshll.u32 s4, $0x1;
	s4 =	sadd.s32 s21, s2  }
0x9d: {  	[timem:s6], [sflag:s22] =	dma.local [hbm:s4], s20  }
0x9e: {  	_ =	swait.ge [sflag:s22], s20  }
0x9f: {  	s3 =	ssub.s32 $0x0, s20;
	[sflag:s22] =	ssyncset.done $0x0  }
0xa0: {  	[sflag:s22] =	ssyncadd.s32 s3;
	_ =	sdelay $0x1  }
0xa1: {  	s23 =	simm.s32 $0x1B8B  }
0xa2: {  	_ =	swait.ge [sflag:s23], $0x1  }
0xa3: {  	[sflag:s23] =	ssyncset.done $0x0  }
0xa4: {  	s25 =	simm.s32 $0x1B8E;
	s24 =	sld [smem:$0x3FFE];
	[sflag:s23] =	ssyncadd.s32 $0xFFFFFFFF  }
0xa5: {  	s26 =	simm.s32 $execute0_lowered;
	[smem:$0x3FD2] =	sst s25  }
0xa6: {  	s4 =	sshll.u32 s26, $0x1;
	_ =	strace $0x8000004C;
	[dreg:$0x1] =	wrdreg $0xFFFFFFFF  }
0xa7: {  	s28 =	simm.s32 $_size_execute0_lowered;
	s2 =	sadd.s32 s2, s4;
	[dreg:$0x0] =	wrdreg $0x0  }
0xa8: {  	s4 =	sshll.u32 s28, $0x1;
	[dreg:$0x2] =	wrdreg s2  }
0xa9: {  	[dreg:$0x3] =	wrdreg s4  }
0xaa: {  	[dreg:$0x4] =	wrdreg $0xC0  }
0xab: {  	_ =	task [dreg:s6], $0x5FFFF  }
0xac: {  	[dreg:$0x1] =	wrdreg $0xFFFFFFFF  }
0xad: {  	[dreg:$0x0] =	wrdreg $0x60  }
0xae: {  	[dreg:$0x2] =	wrdreg s24  }
0xaf: {  	[dreg:$0x3] =	wrdreg $0x0  }
0xb0: {  	[dreg:$0x4] =	wrdreg $0x9  }
0xb1: {  	_ =	task.clear_ibuf [dreg:s6], $0x5FFFF;
	_ =	strace $0x9000004C  }
0xb2: {  	s29 =	simm.s32 $0x9;
	_ =	strace $0x8000004E  }
0xb3: {  	_ =	swait.ge [sflag:s29], $0x1  }
0xb4: {  	[sflag:s29] =	ssyncadd.s32 $0xFFFFFFFF  }
0xb5: {  	_ =	strace $0x9000004E  }
0xb6: {  	_ =	sfence  }
0xb7: {  	s30 =	sld [smem:$0x0];
	_ =	sdelay $0x2  }
0xb8: {  	s31 =	sshll.u32 s1, $0xD;
	s1 =	sshrl.u32 s1, $0x2  }
0xb9: {  	s3 =	sand.u32 $0x4000, s31;
	s1 =	sadd.s32 s1, s30  }
0xba: {  	s0 =	sor.u32 s3, s0;
	s1 =	sshll.u32 s1, $0x11  }
0xbb: {  	s0 =	sor.u32 s1, s0  }
0xbc: {  	s0 =	sadd.s32 $0x8F2B, s0  }
0xbd: {  	[sflag:s0] =	ssyncadd.remote.s32 $0x1  }
0xbe: {  	_ =	sfence.sel $0xFFFF  }
0xbf: {  	[dreg:$0x0] =	wrdreg $0xFFFFFFFF;
	(pc) =	sbr.abs _section_cstart, $3  }
0xc0: {  	[dreg:$0x1] =	wrdreg $0xFFFFFFFF  }
0xc1: {  	_ =	task.clear_ibuf [dreg:s6], $0x2FFFF;
	_ =	strace $0x9FFFFFFF  }
0xc2: {  	(tm) =	ssettm $0x7FFFFFFF  }
0xc3: {  	_ =	shalt  }
tec
execute0_lowered:
.L_overlay_start_1:
0x0: {  	(tag) =	ssettag $0x1  }
0x1: {  	s0 =	srdreg.scid;
	s1 =	rddreg [dreg:$0x0]  }
0x2: {  	s3 =	stileid.u32;
	s2 =	rddreg [dreg:$0x1];
	s6 =	simm.s32 $0x0  }
0x3: {  	s10 =	simm.s32 $0x4F00;
	s11 =	simm.s32 $0x9;
	s12 =	simm.s32 $0xA100  }
0x4: {  	s15 =	simm.s32 $0x80;
	s16 =	simm.s32 $0xF300;
	s18 =	simm.s32 $0x10300  }
0x5: {  	s20 =	simm.s32 $0x11300;
	s22 =	simm.s32 $0x12300;
	s29 =	simm.s32 $0x3  }
0x6: {  	s31 =	simm.s32 $0x6;
	s19 =	simm.s32 $0x7;
	s5 =	smul.u32 $0x5200, s3  }
0x7: {  	s28 =	simm.s32 $0x0;
	s0 =	sand.u32 $0x1, s0;
	s7 =	smul.u32 $0x9E00, s3  }
0x8: {  	[smem:$0x7FF] =	sst s6;
	s24 =	sadd.s32 $0x2E000, s1;
	s4 =	smul.u32 $0x52000, s0  }
0x9: {  	s30 =	sshll.u32 s3, $0x6;
	s8 =	smul.u32 $0x9E000, s0;
	_ =	strace $0x8000004D  }
0xa: {  	s0 =	ssub.s32 $0x2, s0;
	[dreg:$0x3] =	wrdreg s24;
	s13 =	sor.u32 $0x1C09, s30  }
0xb: {  	s24 =	simm.s32 $0x2;
	s25 =	sshrl.u32 s0, $0x1;
	s26 =	sshrl.u32 s7, $0x1  }
0xc: {  	s23 =	sadd.s32 s5, s4;
	s4 =	sadd.s32 $0x2EA00, s1;
	s5 =	sshrl.u32 s5, $0x3  }
0xd: {  	s8 =	sadd.s32 s7, s8;
	s0 =	ssub.s32 s0, s25;
	s14 =	sadd.s32 s26, s2  }
.Ltmp0:
0xe: {  	s26 =	simm.s32 $0x5;
	s25 =	simm.s32 $0x8;
	(pc) =	sbr.rel .LBB2_1-.Ltmp0, $4  }
0xf: {  	s6 =	sshrl.u32 s23, $0x3;
	s9 =	sadd.s32 s5, s1;
	s8 =	sshrl.u32 s8, $0x4  }
0x10: {  	s14 =	sshrl.u32 s14, $0x3;
	s23 =	simm.s32 $0x1;
	s6 =	sadd.s32 s6, s1  }
0x11: {  	s1 =	sadd.s32 s8, s1;
	s7 =	sadd.s32 $0x3800, s9;
	s9 =	smax.u32 s0, $0x1  }
0x12: {  	s0 =	simm.s32 $0x4;
	s6 =	sadd.s32 $0x19800, s6;
	s8 =	sadd.s32 $0x42400, s1  }
.LBB2_4:
0x13: {  	_ =	swait.ge [sflag:s26], $0x1000  }
0x14: {  	[sflag:s26] =	ssyncset.done $0x0  }
0x15: {  	[sflag:s26] =	ssyncadd.s32 $0xFFFFF000  }
0x16: {  	_ =	swait.ge [sflag:s31], $0x1000  }
0x17: {  	[sflag:s31] =	ssyncset.done $0x0  }
0x18: {  	[sflag:s31] =	ssyncadd.s32 $0xFFFFF000  }
0x19: {  	_ =	swait.ge [sflag:s19], $0x1000  }
0x1a: {  	[sflag:s19] =	ssyncset.done $0x0  }
0x1b: {  	[sflag:s19] =	ssyncadd.s32 $0xFFFFF000  }
0x1c: {  	_ =	swait.ge [sflag:s25], $0x1000  }
0x1d: {  	s28 =	sadd.s32 $0x1, s28;
	[sflag:s25] =	ssyncset.done $0x0  }
0x1e: {  	p0 =	sne.s32 s28, s9;
	[sflag:s25] =	ssyncadd.s32 $0xFFFFF000  }
.Ltmp1:
0x1f: {  	[bflag:$0x0] =	sbarrier.arrive $0xFFFF;
	(pc) =	sbr.rel @!p0 .LBB2_5-.Ltmp1, $4  }
0x20: {  	[hbm:s8], [sflag:s13] =	dma.local [spmem:s14], $0x9E0  }
0x21: {  	_ =	swait.ge [sflag:s11], $0x9E0  }
0x22: {  	[sflag:s11] =	ssyncset.done $0x0  }
0x23: {  	[sflag:s11] =	ssyncadd.s32 $0xFFFFF620  }
.LBB2_1:
0x24: {  	s1 =	simm.s32 $0x0  }
0x25: {  	[tilespmem:s10], [sflag:$0x9] =	stream.linear.gather [hbm4b:s6+s1], $0x5200, $0x38;
	[tilespmem:$0x13300] =	vst v63  }
0x26: {  	_ =	swait.ge [sflag:s11], $0x5200  }
0x27: {  	[sflag:s11] =	ssyncset.done $0x0  }
0x28: {  	[sflag:s11] =	ssyncadd.s32 $0xFFFFAE00  }
0x29: {  	[tilespmem:s12], [sflag:$0x9] =	stream.linear.gather [hbm4b:s7+s1], $0x5200, $0x38;
	[tilespmem:$0x13300] =	vst v63  }
0x2a: {  	_ =	swait.ge [sflag:s11], $0x5200  }
0x2b: {  	[sflag:s11] =	ssyncset.done $0x0  }
0x2c: {  	s17 =	rddreg [dreg:$0x3];
	[sflag:s11] =	ssyncadd.s32 $0xFFFFAE00  }
0x2d: {  	[spmem:s14], [sflag:s13] =	dma.local [hbm:s17], $0x9E0  }
0x2e: {  	_ =	swait.ge [sflag:s11], $0x9E0  }
0x2f: {  	[sflag:s11] =	ssyncset.done $0x0  }
0x30: {  	[sflag:s11] =	ssyncadd.s32 $0xFFFFF620  }
0x31: {  	[tilespmem:s16], [sflag:$0x1] =	stream.indirect.gather [hbm4b:s4+s15], $0x20, s10, s15, $0xb8;
	[tilespmem:$0x13300] =	vst v63  }
0x32: {  	s21 =	simm.s32 $0x4F80  }
0x33: {  	[tilespmem:s18], [sflag:$0x2] =	stream.indirect.gather [hbm4b:s4+s15], $0x20, s21, s15, $0xb8;
	[tilespmem:$0x13300] =	vst v63  }
0x34: {  	s3 =	simm.s32 $0x5000  }
0x35: {  	[tilespmem:s20], [sflag:$0x3] =	stream.indirect.gather [hbm4b:s4+s15], $0x20, s3, s15, $0xb8;
	[tilespmem:$0x13300] =	vst v63  }
0x36: {  	s5 =	simm.s32 $0x5080  }
0x37: {  	[tilespmem:s22], [sflag:$0x4] =	stream.indirect.gather [hbm4b:s4+s15], $0x20, s5, s15, $0xb8;
	[tilespmem:$0x13300] =	vst v63  }
0x38: {  	[bflag:$0x0] =	sbarrier.arrive $0xFFFF  }
0x39: {  	_ =	swait.ge [sflag:s23], $0x1000  }
0x3a: {  	[sflag:s23] =	ssyncset.done $0x0  }
0x3b: {  	[sflag:s23] =	ssyncadd.s32 $0xFFFFF000  }
0x3c: {  	[spmem:s2] =	stream.indirect.scatter.add.bf16 [tilespmem:s16], [sflag:$0x5], $0x20, s12, s15, $0xb8;
	[tilespmem:$0x13300] =	vst v63  }
0x3d: {  	_ =	swait.ge [sflag:s24], $0x1000  }
0x3e: {  	[sflag:s24] =	ssyncset.done $0x0  }
0x3f: {  	s17 =	simm.s32 $0xA180;
	[sflag:s24] =	ssyncadd.s32 $0xFFFFF000  }
0x40: {  	[spmem:s2] =	stream.indirect.scatter.add.bf16 [tilespmem:s18], [sflag:$0x6], $0x20, s17, s15, $0xb8;
	[tilespmem:$0x13300] =	vst v63  }
0x41: {  	_ =	swait.ge [sflag:s26], $0x1000  }
0x42: {  	[sflag:s26] =	ssyncset.done $0x0  }
0x43: {  	s21 =	simm.s32 $0x5100;
	[sflag:s26] =	ssyncadd.s32 $0xFFFFF000  }
0x44: {  	[tilespmem:s16], [sflag:$0x1] =	stream.indirect.gather [hbm4b:s4+s15], $0x20, s21, s15, $0xb8;
	[tilespmem:$0x13300] =	vst v63  }
0x45: {  	_ =	swait.ge [sflag:s29], $0x1000  }
0x46: {  	[sflag:s29] =	ssyncset.done $0x0  }
0x47: {  	s3 =	simm.s32 $0xA200;
	[sflag:s29] =	ssyncadd.s32 $0xFFFFF000  }
0x48: {  	[spmem:s2] =	stream.indirect.scatter.add.bf16 [tilespmem:s20], [sflag:$0x7], $0x20, s3, s15, $0xb8;
	[tilespmem:$0x13300] =	vst v63  }
0x49: {  	_ =	swait.ge [sflag:s31], $0x1000  }
0x4a: {  	[sflag:s31] =	ssyncset.done $0x0  }
0x4b: {  	s5 =	simm.s32 $0x5180;
	[sflag:s31] =	ssyncadd.s32 $0xFFFFF000  }
0x4c: {  	[tilespmem:s18], [sflag:$0x2] =	stream.indirect.gather [hbm4b:s4+s15], $0x20, s5, s15, $0xb8;
	[tilespmem:$0x13300] =	vst v63  }
0x4d: {  	_ =	swait.ge [sflag:s0], $0x1000  }
0x4e: {  	[sflag:s0] =	ssyncset.done $0x0  }
0x4f: {  	s17 =	simm.s32 $0xA280;
	[sflag:s0] =	ssyncadd.s32 $0xFFFFF000  }
0x50: {  	[spmem:s2] =	stream.indirect.scatter.add.bf16 [tilespmem:s22], [sflag:$0x8], $0x20, s17, s15, $0xb8;
	[tilespmem:$0x13300] =	vst v63  }
0x51: {  	_ =	swait.ge [sflag:s19], $0x1000  }
0x52: {  	[sflag:s19] =	ssyncset.done $0x0  }
0x53: {  	s30 =	simm.s32 $0x0;
	s21 =	simm.s32 $0x5200;
	[sflag:s19] =	ssyncadd.s32 $0xFFFFF000  }
0x54: {  	[tilespmem:s20], [sflag:$0x3] =	stream.indirect.gather [hbm4b:s4+s15], $0x20, s21, s15, $0xb8;
	[tilespmem:$0x13300] =	vst v63  }
.LBB2_2:
0x55: {  	_ =	swait.ge [sflag:s23], $0x1000  }
0x56: {  	s1 =	sshra.s32 s30, $0x2;
	[sflag:s23] =	ssyncset.done $0x0  }
0x57: {  	s17 =	sadd.s32 $0xA300, s1;
	[sflag:s23] =	ssyncadd.s32 $0xFFFFF000  }
0x58: {  	[spmem:s2] =	stream.indirect.scatter.add.bf16 [tilespmem:s16], [sflag:$0x5], $0x20, s17, s15, $0xb8;
	[tilespmem:$0x13300] =	vst v63  }
0x59: {  	_ =	swait.ge [sflag:s25], $0x1000  }
0x5a: {  	[sflag:s25] =	ssyncset.done $0x0  }
0x5b: {  	s3 =	sadd.s32 $0x5280, s1;
	[sflag:s25] =	ssyncadd.s32 $0xFFFFF000  }
0x5c: {  	[tilespmem:s22], [sflag:$0x4] =	stream.indirect.gather [hbm4b:s4+s15], $0x20, s3, s15, $0xb8;
	[tilespmem:$0x13300] =	vst v63  }
0x5d: {  	_ =	swait.ge [sflag:s24], $0x1000  }
0x5e: {  	p0 =	seq.s32 s30, $0x13800;
	[sflag:s24] =	ssyncset.done $0x0  }
0x5f: {  	s5 =	sadd.s32 $0xA380, s1;
	s17 =	simm.s32 @p0 $0x3;
	[sflag:s24] =	ssyncadd.s32 $0xFFFFF000  }
0x60: {  	[spmem:s2] =	stream.indirect.scatter.add.bf16 [tilespmem:s18], [sflag:$0x6], $0x20, s5, s15, $0xb8;
	[tilespmem:$0x13300] =	vst v63  }
0x61: {  	_ =	swait.ge @p0 [sflag:s17], $0x1000  }
0x62: {  	[sflag:s17] =	ssyncset.done @p0 $0x0  }
0x63: {  	[sflag:s17] =	ssyncadd.s32 @p0 $0xFFFFF000;
	s17 =	sshra.s32 @p0 s30, $0x2  }
0x64: {  	s21 =	simm.s32 @p0 $0x80;
	s3 =	simm.s32 @p0 $0x11300;
	s17 =	sadd.s32 @p0 $0xA400, s17  }
0x65: {  	[spmem:s2] =	stream.indirect.scatter.add.bf16 @p0 [tilespmem:s3], [sflag:$0x7], $0x20, s17, s21, $0xb8;
	[tilespmem:$0x13300] =	vst v63  }
0x66: {  	s3 =	simm.s32 @!p0 $0x5  }
0x67: {  	_ =	swait.ge @!p0 [sflag:s3], $0x1000  }
0x68: {  	[sflag:s3] =	ssyncset.done @!p0 $0x0  }
0x69: {  	[sflag:s3] =	ssyncadd.s32 @!p0 $0xFFFFF000;
	s3 =	sshra.s32 @!p0 s30, $0x2  }
0x6a: {  	s5 =	simm.s32 @!p0 $0xF300;
	s21 =	simm.s32 @!p0 $0x80;
	s17 =	sadd.s32 @!p0 $0x5300, s3  }
0x6b: {  	[tilespmem:s5], [sflag:$0x1] =	stream.indirect.gather @!p0 [hbm4b:s4+s21], $0x20, s17, s21, $0xb8;
	[tilespmem:$0x13300] =	vst v63  }
0x6c: {  	s5 =	simm.s32 @!p0 $0x3  }
0x6d: {  	_ =	swait.ge @!p0 [sflag:s5], $0x1000  }
0x6e: {  	[sflag:s5] =	ssyncset.done @!p0 $0x0  }
0x6f: {  	s17 =	simm.s32 @!p0 $0x11300;
	[sflag:s5] =	ssyncadd.s32 @!p0 $0xFFFFF000;
	s5 =	sadd.s32 @!p0 $0xA400, s3  }
0x70: {  	[spmem:s2] =	stream.indirect.scatter.add.bf16 @!p0 [tilespmem:s17], [sflag:$0x7], $0x20, s5, s21, $0xb8;
	[tilespmem:$0x13300] =	vst v63  }
0x71: {  	s5 =	simm.s32 @!p0 $0x6  }
0x72: {  	_ =	swait.ge @!p0 [sflag:s5], $0x1000  }
0x73: {  	[sflag:s5] =	ssyncset.done @!p0 $0x0  }
0x74: {  	s3 =	sadd.s32 @!p0 $0x5380, s3;
	[sflag:s5] =	ssyncadd.s32 @!p0 $0xFFFFF000;
	s5 =	simm.s32 @!p0 $0x10300  }
0x75: {  	[tilespmem:s5], [sflag:$0x2] =	stream.indirect.gather @!p0 [hbm4b:s4+s21], $0x20, s3, s21, $0xb8;
	[tilespmem:$0x13300] =	vst v63  }
.Ltmp2:
0x76: {  	_ = 	snop;
	(pc) =	sbr.rel @p0 .LBB2_4-.Ltmp2, $4  }
0x77: {  	_ =	swait.ge [sflag:s0], $0x1000  }
0x78: {  	[sflag:s0] =	ssyncset.done $0x0  }
0x79: {  	s21 =	sadd.s32 $0xA480, s1;
	[sflag:s0] =	ssyncadd.s32 $0xFFFFF000  }
0x7a: {  	[spmem:s2] =	stream.indirect.scatter.add.bf16 [tilespmem:s22], [sflag:$0x8], $0x20, s21, s15, $0xb8;
	[tilespmem:$0x13300] =	vst v63  }
.Ltmp3:
0x7b: {  	(pc) =	sbr.rel .LBB2_2-.Ltmp3, $4  }
0x7c: {  	_ =	swait.ge [sflag:s19], $0x1000  }
0x7d: {  	[sflag:s19] =	ssyncset.done $0x0  }
0x7e: {  	s1 =	sadd.s32 $0x5400, s1;
	s30 =	sadd.s32 $0x800, s30;
	[sflag:s19] =	ssyncadd.s32 $0xFFFFF000  }
0x7f: {  	[tilespmem:s20], [sflag:$0x3] =	stream.indirect.gather [hbm4b:s4+s15], $0x20, s1, s15, $0xb8;
	[tilespmem:$0x13300] =	vst v63  }
.LBB2_5:
0x80: {  	_ =	sfence.sel $0x180000  }
0x81: {  	[bflag:$0x0] =	sbarrier.arrive $0xFFFF  }
0x82: {  	_ =	strace $0x9000004D  }
0x83: {  	s0 =	stileid.u32;
	[bflag:$0x2] =	sbarrier.arrive $0xFFFF  }
0x84: {  	p0 =	sne.s32 s0, $0x0;
	s0 =	rddreg [dreg:$0x2]  }
0x85: {  	s0 =	sadd.s32 @!p0 $0x100000, s0  }
0x86: {  	[sflag:s0] =	ssyncadd.tile.s32 @!p0 $0x1;
	_ =	shalt  }
.Lfunc_end2:
_tile_overlayer_lowered:
.L_overlay_start_2:
0x87: {  	(tag) =	ssettag $0x2  }
0x88: {  	s0 =	rddreg [dreg:$0x0];
	s2 =	stileid.u32  }
0x89: {  	s1 =	rddreg [dreg:$0x1];
	p0 =	sne.s32 s2, $0x0  }
0x8a: {  	s3 =	rddreg [dreg:$0x2];
	[bflag:$0x3] =	sbarrier.arrive $0xFFFF;
	s2 =	simm.s32 @!p0 $0x1C09  }
0x8b: {  	[timem:s3], [sflag:s2] =	dma.local @!p0 [hbm:s0], s1  }
0x8c: {  	s0 =	simm.s32 @!p0 $0x9  }
0x8d: {  	_ =	swait.ge @!p0 [sflag:s0], s1  }
0x8e: {  	s1 =	ssub.s32 @!p0 $0x0, s1;
	[sflag:s0] =	ssyncset.done @!p0 $0x0  }
0x8f: {  	[sflag:s0] =	ssyncadd.s32 @!p0 s1  }
0x90: {  	[bflag:$0x3] =	sbarrier.arrive $0xFFFF  }
0x91: {  	_ =	shalt  }

// kernel: kernel.22.cloned.1.call-start
scs
__scs_entry_jumppad:
0x0: {  	(pc) =	sbr.rel $0x88, $3  }
0x1: {  	(tag) =	ssettag $0x0;
	lr =	simm.s32 $0x1  }
0x2: {  	[smem:$0x3F8E] =	sst lr;
	_ =	strace $0xD0000000  }
0x3: {  	_ = 	snop  }
0x4: {  	_ = 	snop  }
0x5: {  	_ = 	snop  }
0x6: {  	_ = 	snop  }
0x7: {  	_ = 	snop  }
__scs_overlays_trampoline_lowered:
0x8: {  	[smem:$0x3F9D] =	sst s0  }
0x9: {  	[smem:$0x3F9E] =	sst s1  }
0xa: {  	[smem:$0x3F9F] =	sst s2  }
0xb: {  	[smem:$0x3FA0] =	sst s3  }
0xc: {  	[smem:$0x3FA1] =	sst s4  }
0xd: {  	[smem:$0x3FA2] =	sst s5  }
0xe: {  	[smem:$0x3FA3] =	sst s6  }
0xf: {  	[smem:$0x3FA4] =	sst s7  }
0x10: {  	[smem:$0x3FA5] =	sst s8  }
0x11: {  	[smem:$0x3FA6] =	sst s9;
	s0 =	simm.s32 @!p0 $0x0  }
0x12: {  	s1 =	sld [smem:$0x3F8C];
	s0 =	simm.s32 @p0 $0x1  }
0x13: {  	[smem:$0x3FA7] =	sst s0;
	s0 =	simm.s32 @!p1 $0x0  }
0x14: {  	s2 =	sld [smem:$0x3F8B];
	s0 =	simm.s32 @p1 $0x1  }
0x15: {  	[smem:$0x3FA8] =	sst s0;
	s0 =	simm.s32 @!p2 $0x0  }
0x16: {  	s3 =	sld [smem:$0x3FDB];
	s0 =	simm.s32 @p2 $0x1  }
0x17: {  	s4 =	simm.s32 $0x1BF5;
	[smem:$0x3FAA] =	sst s0  }
0x18: {  	s0 =	sld [smem:$0x3F8D];
	_ =	swait.ge [sflag:s4], $0x0  }
0x19: {  	s7 =	sld [smem:$0x3F8E]  }
0x1a: {  	s8 =	sadd.s32 $0xFFFFE003, lr  }
0x1b: {  	s9 =	sadd.s32 $0xFFFFFEF7, lr;
	s5 =	simm.s32 $0xFFFFFFFF;
	p2 =	slt.u32 s8, $0xFFFFF086  }
0x1c: {  	p1 =	slt.u32 s9, $0xF7A;
	s5 =	simm.s32 @!p2 $0x0  }
0x1d: {  	s5 =	simm.s32 @p1 $0x1;
	p0 =	seq.s32 s7, s2  }
0x1e: {  	s7 =	smul.u32 @!p0 $0xF7A, s2;
	p2 =	seq.s32 @!p0 s5, $0x0  }
0x1f: {  	s9 =	smul.u32 $0xF7A, s1;
	s8 =	simm.s32 @!p0 $0x1BF5;
	p2 =	por !p2, p0  }
0x20: {  	[sflag:s8] =	ssyncset.s32 @!p0 $0xFFFFF086;
	s6 =	sadd.s32 @!p0 s3, s7;
	s7 =	simm.s32 @!p0 $0x108  }
0x21: {  	s3 =	sadd.s32 s3, s9;
	s6 =	sadd.s32 @!p0 $0x88, s6;
	s7 =	simm.s32 @p2 $0x1082  }
0x22: {  	[simem:s7], [sflag:s8] =	dma.local @!p0 [hbm:s6], $0xF7A  }
0x23: {  	s9 =	sor.u32 $0xD0000000, s2;
	s6 =	simm.s32 $0x108;
	_ =	swait.ge @!p0 [sflag:s8], $0x0  }
0x24: {  	s3 =	sadd.s32 $0x88, s3;
	s6 =	simm.s32 @!p1 $0x1082;
	[sflag:s4] =	ssyncset.s32 $0xFFFFF086  }
0x25: {  	[simem:s6], [sflag:s4] =	dma.local [hbm:s3], $0xF7A  }
0x26: {  	[smem:$0x3F8E] =	sst s1;
	(tag) =	ssettag s2;
	_ =	strace s9  }
0x27: {  	s1 =	sld [smem:$0x3F9E]  }
0x28: {  	s2 =	sld [smem:$0x3F9F]  }
0x29: {  	s4 =	sld [smem:$0x3FA1]  }
0x2a: {  	p0 =	seq.s32 s5, $0x0;
	s5 =	sld [smem:$0x3FA2]  }
0x2b: {  	s6 =	sld [smem:$0x3FA3]  }
0x2c: {  	s7 =	sld [smem:$0x3FA4]  }
0x2d: {  	s3 =	simm.s32 $0x108;
	s8 =	sld [smem:$0x3FA5]  }
0x2e: {  	s3 =	simm.s32 @!p0 $0x1082;
	s9 =	sld [smem:$0x3FA6]  }
0x2f: {  	lr =	sadd.s32 s0, s3;
	s0 =	sld [smem:$0x3F9D]  }
0x30: {  	s3 =	sld [smem:$0x3FA0]  }
0x31: {  	[smem:$0x3FA9] =	sst s10  }
0x32: {  	s10 =	sld [smem:$0x3FA7];
	_ =	sdelay $0x3  }
0x33: {  	p0 =	seq.s32 s10, $0x1;
	s10 =	sld [smem:$0x3FA9];
	_ =	sdelay $0x3  }
0x34: {  	[smem:$0x3FA9] =	sst s10  }
0x35: {  	s10 =	sld [smem:$0x3FA8];
	_ =	sdelay $0x3  }
0x36: {  	p1 =	seq.s32 s10, $0x1;
	s10 =	sld [smem:$0x3FA9];
	_ =	sdelay $0x3  }
0x37: {  	[smem:$0x3FA9] =	sst s10  }
0x38: {  	s10 =	sld [smem:$0x3FAA]  }
0x39: {  	_ = 	snop;
	(pc) =	sbr.ind lr, $3  }
0x3a: {  	_ = 	snop  }
0x3b: {  	_ = 	snop  }
0x3c: {  	p2 =	seq.s32 s10, $0x1;
	s10 =	sld [smem:$0x3FA9]  }
0x3d: {  	_ =	shalt  }
0x3e: {  	_ =	shalt  }
0x3f: {  	_ =	shalt  }
0x40: {  	_ =	shalt  }
0x41: {  	_ =	shalt  }
0x42: {  	_ =	shalt  }
0x43: {  	_ =	shalt  }
0x44: {  	_ =	shalt  }
0x45: {  	_ =	shalt  }
0x46: {  	_ =	shalt  }
0x47: {  	_ =	shalt  }
0x48: {  	_ =	shalt  }
0x49: {  	_ =	shalt  }
0x4a: {  	_ =	shalt  }
0x4b: {  	_ =	shalt  }
0x4c: {  	_ =	shalt  }
0x4d: {  	_ =	shalt  }
0x4e: {  	_ =	shalt  }
0x4f: {  	_ =	shalt  }
0x50: {  	_ =	shalt  }
0x51: {  	_ =	shalt  }
0x52: {  	_ =	shalt  }
0x53: {  	_ =	shalt  }
0x54: {  	_ =	shalt  }
0x55: {  	_ =	shalt  }
0x56: {  	_ =	shalt  }
0x57: {  	_ =	shalt  }
0x58: {  	_ =	shalt  }
0x59: {  	_ =	shalt  }
0x5a: {  	_ =	shalt  }
0x5b: {  	_ =	shalt  }
0x5c: {  	_ =	shalt  }
0x5d: {  	_ =	shalt  }
0x5e: {  	_ =	shalt  }
0x5f: {  	_ =	shalt  }
0x60: {  	_ =	shalt  }
0x61: {  	_ =	shalt  }
0x62: {  	_ =	shalt  }
0x63: {  	_ =	shalt  }
0x64: {  	_ =	shalt  }
0x65: {  	_ =	shalt  }
0x66: {  	_ =	shalt  }
0x67: {  	_ =	shalt  }
0x68: {  	_ =	shalt  }
0x69: {  	_ =	shalt  }
0x6a: {  	_ =	shalt  }
0x6b: {  	_ =	shalt  }
0x6c: {  	_ =	shalt  }
0x6d: {  	_ =	shalt  }
0x6e: {  	_ =	shalt  }
0x6f: {  	_ =	shalt  }
0x70: {  	_ =	shalt  }
0x71: {  	_ =	shalt  }
0x72: {  	_ =	shalt  }
0x73: {  	_ =	shalt  }
0x74: {  	_ =	shalt  }
0x75: {  	_ =	shalt  }
0x76: {  	_ =	shalt  }
0x77: {  	_ =	shalt  }
0x78: {  	_ =	shalt  }
0x79: {  	_ =	shalt  }
0x7a: {  	_ =	shalt  }
0x7b: {  	_ =	shalt  }
0x7c: {  	_ =	shalt  }
0x7d: {  	_ =	shalt  }
0x7e: {  	_ =	shalt  }
0x7f: {  	_ =	shalt  }
0x80: {  	_ =	shalt  }
0x81: {  	_ =	shalt  }
0x82: {  	_ =	shalt  }
0x83: {  	_ =	shalt  }
0x84: {  	_ =	shalt  }
0x85: {  	_ =	shalt  }
0x86: {  	_ =	shalt  }
0x87: {  	_ =	shalt  }
.Lfunc_end0:
.L_simem_size_0:
called_computation.3_lowered:
.L_overlay_start_0:
0x88: {  	s2 =	sld [smem:$0x3FD9]  }
0x89: {  	s3 =	sld [smem:$0x3FFE];
	_ =	sdelay $0x1  }
0x8a: {  	s1 =	srdreg.scid  }
0x8b: {  	s0 =	sand.u32 $0x1, s1  }
0x8c: {  	s16 =	sshll.u32 s0, $0xA;
	s2 =	sadd.s32 s3, s2  }
0x8d: {  	s2 =	sadd.s32 s2, s16  }
0x8e: {  	[smem:$0x3FB5] =	sst s2  }
0x8f: {  	_ = 	snop  }
0x90: {  	(tm) =	ssettm $0x1  }
0x91: {  	s17 =	sld [smem:$0x3FFB];
	_ =	sdelay $0x3  }
0x92: {  	_ =	strace s17  }
0x93: {  	s2 =	sld [smem:$0x3FFC];
	_ =	sdelay $0x3  }
0x94: {  	_ =	strace s2  }
0x95: {  	s2 =	sld [smem:$0x3FFD];
	_ =	sdelay $0x3  }
0x96: {  	_ =	strace s2  }
0x97: {  	_ =	strace $0x8FFFFFFF  }
0x98: {  	s18 =	sld [smem:$0x3FDB];
	_ =	sdelay $0x1  }
0x99: {  	s19 =	simm.s32 $_scs_section_size  }
0x9a: {  	s4 =	simm.s32 $_size__tile_overlayer_lowered;
	s5 =	simm.s32 $_tile_overlayer_lowered  }
0x9b: {  	s22 =	simm.s32 $0x1BFF;
	s21 =	sshll.u32 s5, $0x1;
	s2 =	sadd.s32 s19, s18  }
0x9c: {  	s6 =	simm.s32 $0x0;
	s20 =	sshll.u32 s4, $0x1;
	s4 =	sadd.s32 s21, s2  }
0x9d: {  	[timem:s6], [sflag:s22] =	dma.local [hbm:s4], s20  }
0x9e: {  	_ =	swait.ge [sflag:s22], s20  }
0x9f: {  	s3 =	ssub.s32 $0x0, s20;
	[sflag:s22] =	ssyncset.done $0x0  }
0xa0: {  	[sflag:s22] =	ssyncadd.s32 s3;
	_ =	sdelay $0x1  }
0xa1: {  	s23 =	simm.s32 $0x1B8B  }
0xa2: {  	_ =	swait.ge [sflag:s23], $0x1  }
0xa3: {  	[sflag:s23] =	ssyncset.done $0x0  }
0xa4: {  	s25 =	simm.s32 $0x1B8E;
	s24 =	sld [smem:$0x3FFE];
	[sflag:s23] =	ssyncadd.s32 $0xFFFFFFFF  }
0xa5: {  	s26 =	simm.s32 $execute0_lowered;
	[smem:$0x3FD2] =	sst s25  }
0xa6: {  	s4 =	sshll.u32 s26, $0x1;
	_ =	strace $0x8000004F;
	[dreg:$0x1] =	wrdreg $0xFFFFFFFF  }
0xa7: {  	s28 =	simm.s32 $_size_execute0_lowered;
	s2 =	sadd.s32 s2, s4;
	[dreg:$0x0] =	wrdreg $0x0  }
0xa8: {  	s4 =	sshll.u32 s28, $0x1;
	[dreg:$0x2] =	wrdreg s2  }
0xa9: {  	[dreg:$0x3] =	wrdreg s4  }
0xaa: {  	[dreg:$0x4] =	wrdreg $0xC0  }
0xab: {  	_ =	task [dreg:s6], $0x5FFFF  }
0xac: {  	[dreg:$0x1] =	wrdreg $0xFFFFFFFF  }
0xad: {  	[dreg:$0x0] =	wrdreg $0x60  }
0xae: {  	[dreg:$0x2] =	wrdreg s24  }
0xaf: {  	[dreg:$0x3] =	wrdreg $0x0  }
0xb0: {  	[dreg:$0x4] =	wrdreg $0x9  }
0xb1: {  	_ =	task.clear_ibuf [dreg:s6], $0x5FFFF;
	_ =	strace $0x9000004F  }
0xb2: {  	s29 =	simm.s32 $0x9;
	_ =	strace $0x80000051  }
0xb3: {  	_ =	swait.ge [sflag:s29], $0x1  }
0xb4: {  	[sflag:s29] =	ssyncadd.s32 $0xFFFFFFFF  }
0xb5: {  	_ =	strace $0x90000051  }
0xb6: {  	_ =	sfence  }
0xb7: {  	s30 =	sld [smem:$0x0];
	_ =	sdelay $0x2  }
0xb8: {  	s31 =	sshll.u32 s1, $0xD;
	s1 =	sshrl.u32 s1, $0x2  }
0xb9: {  	s3 =	sand.u32 $0x4000, s31;
	s1 =	sadd.s32 s1, s30  }
0xba: {  	s0 =	sor.u32 s3, s0;
	s1 =	sshll.u32 s1, $0x11  }
0xbb: {  	s0 =	sor.u32 s1, s0  }
0xbc: {  	s0 =	sadd.s32 $0x8F2B, s0  }
0xbd: {  	[sflag:s0] =	ssyncadd.remote.s32 $0x1  }
0xbe: {  	_ =	sfence.sel $0xFFFF  }
0xbf: {  	[dreg:$0x0] =	wrdreg $0xFFFFFFFF;
	(pc) =	sbr.abs _section_cstart, $3  }
0xc0: {  	[dreg:$0x1] =	wrdreg $0xFFFFFFFF  }
0xc1: {  	_ =	task.clear_ibuf [dreg:s6], $0x2FFFF;
	_ =	strace $0x9FFFFFFF  }
0xc2: {  	(tm) =	ssettm $0x7FFFFFFF  }
0xc3: {  	_ =	shalt  }
tec
execute0_lowered:
.L_overlay_start_1:
0x0: {  	(tag) =	ssettag $0x1  }
0x1: {  	s0 =	srdreg.scid;
	s1 =	rddreg [dreg:$0x0]  }
0x2: {  	s3 =	stileid.u32;
	s2 =	rddreg [dreg:$0x1];
	s6 =	simm.s32 $0x0  }
0x3: {  	s10 =	simm.s32 $0x4F00;
	s11 =	simm.s32 $0x9;
	s12 =	simm.s32 $0xA100  }
0x4: {  	s15 =	simm.s32 $0x80;
	s16 =	simm.s32 $0xF300;
	s18 =	simm.s32 $0x10300  }
0x5: {  	s20 =	simm.s32 $0x11300;
	s22 =	simm.s32 $0x12300;
	s29 =	simm.s32 $0x3  }
0x6: {  	s31 =	simm.s32 $0x6;
	s19 =	simm.s32 $0x7;
	s5 =	smul.u32 $0x5200, s3  }
0x7: {  	s28 =	simm.s32 $0x0;
	s0 =	sand.u32 $0x1, s0;
	s7 =	smul.u32 $0x9E00, s3  }
0x8: {  	[smem:$0x7FF] =	sst s6;
	s24 =	sadd.s32 $0x2E000, s1;
	s4 =	smul.u32 $0x52000, s0  }
0x9: {  	s30 =	sshll.u32 s3, $0x6;
	s8 =	smul.u32 $0x9E000, s0;
	_ =	strace $0x80000050  }
0xa: {  	s0 =	ssub.s32 $0x2, s0;
	[dreg:$0x3] =	wrdreg s24;
	s13 =	sor.u32 $0x1C09, s30  }
0xb: {  	s24 =	simm.s32 $0x2;
	s25 =	sshrl.u32 s0, $0x1;
	s26 =	sshrl.u32 s7, $0x1  }
0xc: {  	s23 =	sadd.s32 s5, s4;
	s4 =	sadd.s32 $0x2EA00, s1;
	s5 =	sshrl.u32 s5, $0x3  }
0xd: {  	s8 =	sadd.s32 s7, s8;
	s0 =	ssub.s32 s0, s25;
	s14 =	sadd.s32 s26, s2  }
.Ltmp0:
0xe: {  	s26 =	simm.s32 $0x5;
	s25 =	simm.s32 $0x8;
	(pc) =	sbr.rel .LBB2_1-.Ltmp0, $4  }
0xf: {  	s6 =	sshrl.u32 s23, $0x3;
	s9 =	sadd.s32 s5, s1;
	s8 =	sshrl.u32 s8, $0x4  }
0x10: {  	s14 =	sshrl.u32 s14, $0x3;
	s23 =	simm.s32 $0x1;
	s6 =	sadd.s32 s6, s1  }
0x11: {  	s1 =	sadd.s32 s8, s1;
	s7 =	sadd.s32 $0x3800, s9;
	s9 =	smax.u32 s0, $0x1  }
0x12: {  	s0 =	simm.s32 $0x4;
	s6 =	sadd.s32 $0x19800, s6;
	s8 =	sadd.s32 $0x42400, s1  }
.LBB2_4:
0x13: {  	_ =	swait.ge [sflag:s26], $0x1000  }
0x14: {  	[sflag:s26] =	ssyncset.done $0x0  }
0x15: {  	[sflag:s26] =	ssyncadd.s32 $0xFFFFF000  }
0x16: {  	_ =	swait.ge [sflag:s31], $0x1000  }
0x17: {  	[sflag:s31] =	ssyncset.done $0x0  }
0x18: {  	[sflag:s31] =	ssyncadd.s32 $0xFFFFF000  }
0x19: {  	_ =	swait.ge [sflag:s19], $0x1000  }
0x1a: {  	[sflag:s19] =	ssyncset.done $0x0  }
0x1b: {  	[sflag:s19] =	ssyncadd.s32 $0xFFFFF000  }
0x1c: {  	_ =	swait.ge [sflag:s25], $0x1000  }
0x1d: {  	s28 =	sadd.s32 $0x1, s28;
	[sflag:s25] =	ssyncset.done $0x0  }
0x1e: {  	p0 =	sne.s32 s28, s9;
	[sflag:s25] =	ssyncadd.s32 $0xFFFFF000  }
.Ltmp1:
0x1f: {  	[bflag:$0x0] =	sbarrier.arrive $0xFFFF;
	(pc) =	sbr.rel @!p0 .LBB2_5-.Ltmp1, $4  }
0x20: {  	[hbm:s8], [sflag:s13] =	dma.local [spmem:s14], $0x9E0  }
0x21: {  	_ =	swait.ge [sflag:s11], $0x9E0  }
0x22: {  	[sflag:s11] =	ssyncset.done $0x0  }
0x23: {  	[sflag:s11] =	ssyncadd.s32 $0xFFFFF620  }
.LBB2_1:
0x24: {  	s1 =	simm.s32 $0x0  }
0x25: {  	[tilespmem:s10], [sflag:$0x9] =	stream.linear.gather [hbm4b:s6+s1], $0x5200, $0x38;
	[tilespmem:$0x13300] =	vst v63  }
0x26: {  	_ =	swait.ge [sflag:s11], $0x5200  }
0x27: {  	[sflag:s11] =	ssyncset.done $0x0  }
0x28: {  	[sflag:s11] =	ssyncadd.s32 $0xFFFFAE00  }
0x29: {  	[tilespmem:s12], [sflag:$0x9] =	stream.linear.gather [hbm4b:s7+s1], $0x5200, $0x38;
	[tilespmem:$0x13300] =	vst v63  }
0x2a: {  	_ =	swait.ge [sflag:s11], $0x5200  }
0x2b: {  	[sflag:s11] =	ssyncset.done $0x0  }
0x2c: {  	s17 =	rddreg [dreg:$0x3];
	[sflag:s11] =	ssyncadd.s32 $0xFFFFAE00  }
0x2d: {  	[spmem:s14], [sflag:s13] =	dma.local [hbm:s17], $0x9E0  }
0x2e: {  	_ =	swait.ge [sflag:s11], $0x9E0  }
0x2f: {  	[sflag:s11] =	ssyncset.done $0x0  }
0x30: {  	[sflag:s11] =	ssyncadd.s32 $0xFFFFF620  }
0x31: {  	[tilespmem:s16], [sflag:$0x1] =	stream.indirect.gather [hbm4b:s4+s15], $0x20, s10, s15, $0xb8;
	[tilespmem:$0x13300] =	vst v63  }
0x32: {  	s21 =	simm.s32 $0x4F80  }
0x33: {  	[tilespmem:s18], [sflag:$0x2] =	stream.indirect.gather [hbm4b:s4+s15], $0x20, s21, s15, $0xb8;
	[tilespmem:$0x13300] =	vst v63  }
0x34: {  	s3 =	simm.s32 $0x5000  }
0x35: {  	[tilespmem:s20], [sflag:$0x3] =	stream.indirect.gather [hbm4b:s4+s15], $0x20, s3, s15, $0xb8;
	[tilespmem:$0x13300] =	vst v63  }
0x36: {  	s5 =	simm.s32 $0x5080  }
0x37: {  	[tilespmem:s22], [sflag:$0x4] =	stream.indirect.gather [hbm4b:s4+s15], $0x20, s5, s15, $0xb8;
	[tilespmem:$0x13300] =	vst v63  }
0x38: {  	[bflag:$0x0] =	sbarrier.arrive $0xFFFF  }
0x39: {  	_ =	swait.ge [sflag:s23], $0x1000  }
0x3a: {  	[sflag:s23] =	ssyncset.done $0x0  }
0x3b: {  	[sflag:s23] =	ssyncadd.s32 $0xFFFFF000  }
0x3c: {  	[spmem:s2] =	stream.indirect.scatter.add.bf16 [tilespmem:s16], [sflag:$0x5], $0x20, s12, s15, $0xb8;
	[tilespmem:$0x13300] =	vst v63  }
0x3d: {  	_ =	swait.ge [sflag:s24], $0x1000  }
0x3e: {  	[sflag:s24] =	ssyncset.done $0x0  }
0x3f: {  	s17 =	simm.s32 $0xA180;
	[sflag:s24] =	ssyncadd.s32 $0xFFFFF000  }
0x40: {  	[spmem:s2] =	stream.indirect.scatter.add.bf16 [tilespmem:s18], [sflag:$0x6], $0x20, s17, s15, $0xb8;
	[tilespmem:$0x13300] =	vst v63  }
0x41: {  	_ =	swait.ge [sflag:s26], $0x1000  }
0x42: {  	[sflag:s26] =	ssyncset.done $0x0  }
0x43: {  	s21 =	simm.s32 $0x5100;
	[sflag:s26] =	ssyncadd.s32 $0xFFFFF000  }
0x44: {  	[tilespmem:s16], [sflag:$0x1] =	stream.indirect.gather [hbm4b:s4+s15], $0x20, s21, s15, $0xb8;
	[tilespmem:$0x13300] =	vst v63  }
0x45: {  	_ =	swait.ge [sflag:s29], $0x1000  }
0x46: {  	[sflag:s29] =	ssyncset.done $0x0  }
0x47: {  	s3 =	simm.s32 $0xA200;
	[sflag:s29] =	ssyncadd.s32 $0xFFFFF000  }
0x48: {  	[spmem:s2] =	stream.indirect.scatter.add.bf16 [tilespmem:s20], [sflag:$0x7], $0x20, s3, s15, $0xb8;
	[tilespmem:$0x13300] =	vst v63  }
0x49: {  	_ =	swait.ge [sflag:s31], $0x1000  }
0x4a: {  	[sflag:s31] =	ssyncset.done $0x0  }
0x4b: {  	s5 =	simm.s32 $0x5180;
	[sflag:s31] =	ssyncadd.s32 $0xFFFFF000  }
0x4c: {  	[tilespmem:s18], [sflag:$0x2] =	stream.indirect.gather [hbm4b:s4+s15], $0x20, s5, s15, $0xb8;
	[tilespmem:$0x13300] =	vst v63  }
0x4d: {  	_ =	swait.ge [sflag:s0], $0x1000  }
0x4e: {  	[sflag:s0] =	ssyncset.done $0x0  }
0x4f: {  	s17 =	simm.s32 $0xA280;
	[sflag:s0] =	ssyncadd.s32 $0xFFFFF000  }
0x50: {  	[spmem:s2] =	stream.indirect.scatter.add.bf16 [tilespmem:s22], [sflag:$0x8], $0x20, s17, s15, $0xb8;
	[tilespmem:$0x13300] =	vst v63  }
0x51: {  	_ =	swait.ge [sflag:s19], $0x1000  }
0x52: {  	[sflag:s19] =	ssyncset.done $0x0  }
0x53: {  	s30 =	simm.s32 $0x0;
	s21 =	simm.s32 $0x5200;
	[sflag:s19] =	ssyncadd.s32 $0xFFFFF000  }
0x54: {  	[tilespmem:s20], [sflag:$0x3] =	stream.indirect.gather [hbm4b:s4+s15], $0x20, s21, s15, $0xb8;
	[tilespmem:$0x13300] =	vst v63  }
.LBB2_2:
0x55: {  	_ =	swait.ge [sflag:s23], $0x1000  }
0x56: {  	s1 =	sshra.s32 s30, $0x2;
	[sflag:s23] =	ssyncset.done $0x0  }
0x57: {  	s17 =	sadd.s32 $0xA300, s1;
	[sflag:s23] =	ssyncadd.s32 $0xFFFFF000  }
0x58: {  	[spmem:s2] =	stream.indirect.scatter.add.bf16 [tilespmem:s16], [sflag:$0x5], $0x20, s17, s15, $0xb8;
	[tilespmem:$0x13300] =	vst v63  }
0x59: {  	_ =	swait.ge [sflag:s25], $0x1000  }
0x5a: {  	[sflag:s25] =	ssyncset.done $0x0  }
0x5b: {  	s3 =	sadd.s32 $0x5280, s1;
	[sflag:s25] =	ssyncadd.s32 $0xFFFFF000  }
0x5c: {  	[tilespmem:s22], [sflag:$0x4] =	stream.indirect.gather [hbm4b:s4+s15], $0x20, s3, s15, $0xb8;
	[tilespmem:$0x13300] =	vst v63  }
0x5d: {  	_ =	swait.ge [sflag:s24], $0x1000  }
0x5e: {  	p0 =	seq.s32 s30, $0x13800;
	[sflag:s24] =	ssyncset.done $0x0  }
0x5f: {  	s5 =	sadd.s32 $0xA380, s1;
	s17 =	simm.s32 @p0 $0x3;
	[sflag:s24] =	ssyncadd.s32 $0xFFFFF000  }
0x60: {  	[spmem:s2] =	stream.indirect.scatter.add.bf16 [tilespmem:s18], [sflag:$0x6], $0x20, s5, s15, $0xb8;
	[tilespmem:$0x13300] =	vst v63  }
0x61: {  	_ =	swait.ge @p0 [sflag:s17], $0x1000  }
0x62: {  	[sflag:s17] =	ssyncset.done @p0 $0x0  }
0x63: {  	[sflag:s17] =	ssyncadd.s32 @p0 $0xFFFFF000;
	s17 =	sshra.s32 @p0 s30, $0x2  }
0x64: {  	s21 =	simm.s32 @p0 $0x80;
	s3 =	simm.s32 @p0 $0x11300;
	s17 =	sadd.s32 @p0 $0xA400, s17  }
0x65: {  	[spmem:s2] =	stream.indirect.scatter.add.bf16 @p0 [tilespmem:s3], [sflag:$0x7], $0x20, s17, s21, $0xb8;
	[tilespmem:$0x13300] =	vst v63  }
0x66: {  	s3 =	simm.s32 @!p0 $0x5  }
0x67: {  	_ =	swait.ge @!p0 [sflag:s3], $0x1000  }
0x68: {  	[sflag:s3] =	ssyncset.done @!p0 $0x0  }
0x69: {  	[sflag:s3] =	ssyncadd.s32 @!p0 $0xFFFFF000;
	s3 =	sshra.s32 @!p0 s30, $0x2  }
0x6a: {  	s5 =	simm.s32 @!p0 $0xF300;
	s21 =	simm.s32 @!p0 $0x80;
	s17 =	sadd.s32 @!p0 $0x5300, s3  }
0x6b: {  	[tilespmem:s5], [sflag:$0x1] =	stream.indirect.gather @!p0 [hbm4b:s4+s21], $0x20, s17, s21, $0xb8;
	[tilespmem:$0x13300] =	vst v63  }
0x6c: {  	s5 =	simm.s32 @!p0 $0x3  }
0x6d: {  	_ =	swait.ge @!p0 [sflag:s5], $0x1000  }
0x6e: {  	[sflag:s5] =	ssyncset.done @!p0 $0x0  }
0x6f: {  	s17 =	simm.s32 @!p0 $0x11300;
	[sflag:s5] =	ssyncadd.s32 @!p0 $0xFFFFF000;
	s5 =	sadd.s32 @!p0 $0xA400, s3  }
0x70: {  	[spmem:s2] =	stream.indirect.scatter.add.bf16 @!p0 [tilespmem:s17], [sflag:$0x7], $0x20, s5, s21, $0xb8;
	[tilespmem:$0x13300] =	vst v63  }
0x71: {  	s5 =	simm.s32 @!p0 $0x6  }
0x72: {  	_ =	swait.ge @!p0 [sflag:s5], $0x1000  }
0x73: {  	[sflag:s5] =	ssyncset.done @!p0 $0x0  }
0x74: {  	s3 =	sadd.s32 @!p0 $0x5380, s3;
	[sflag:s5] =	ssyncadd.s32 @!p0 $0xFFFFF000;
	s5 =	simm.s32 @!p0 $0x10300  }
0x75: {  	[tilespmem:s5], [sflag:$0x2] =	stream.indirect.gather @!p0 [hbm4b:s4+s21], $0x20, s3, s21, $0xb8;
	[tilespmem:$0x13300] =	vst v63  }
.Ltmp2:
0x76: {  	_ = 	snop;
	(pc) =	sbr.rel @p0 .LBB2_4-.Ltmp2, $4  }
0x77: {  	_ =	swait.ge [sflag:s0], $0x1000  }
0x78: {  	[sflag:s0] =	ssyncset.done $0x0  }
0x79: {  	s21 =	sadd.s32 $0xA480, s1;
	[sflag:s0] =	ssyncadd.s32 $0xFFFFF000  }
0x7a: {  	[spmem:s2] =	stream.indirect.scatter.add.bf16 [tilespmem:s22], [sflag:$0x8], $0x20, s21, s15, $0xb8;
	[tilespmem:$0x13300] =	vst v63  }
.Ltmp3:
0x7b: {  	(pc) =	sbr.rel .LBB2_2-.Ltmp3, $4  }
0x7c: {  	_ =	swait.ge [sflag:s19], $0x1000  }
0x7d: {  	[sflag:s19] =	ssyncset.done $0x0  }
0x7e: {  	s1 =	sadd.s32 $0x5400, s1;
	s30 =	sadd.s32 $0x800, s30;
	[sflag:s19] =	ssyncadd.s32 $0xFFFFF000  }
0x7f: {  	[tilespmem:s20], [sflag:$0x3] =	stream.indirect.gather [hbm4b:s4+s15], $0x20, s1, s15, $0xb8;
	[tilespmem:$0x13300] =	vst v63  }
.LBB2_5:
0x80: {  	_ =	sfence.sel $0x180000  }
0x81: {  	[bflag:$0x0] =	sbarrier.arrive $0xFFFF  }
0x82: {  	_ =	strace $0x90000050  }
0x83: {  	s0 =	stileid.u32;
	[bflag:$0x2] =	sbarrier.arrive $0xFFFF  }
0x84: {  	p0 =	sne.s32 s0, $0x0;
	s0 =	rddreg [dreg:$0x2]  }
0x85: {  	s0 =	sadd.s32 @!p0 $0x100000, s0  }
0x86: {  	[sflag:s0] =	ssyncadd.tile.s32 @!p0 $0x1;
	_ =	shalt  }
.Lfunc_end2:
_tile_overlayer_lowered:
.L_overlay_start_2:
0x87: {  	(tag) =	ssettag $0x2  }
0x88: {  	s0 =	rddreg [dreg:$0x0];
	s2 =	stileid.u32  }
0x89: {  	s1 =	rddreg [dreg:$0x1];
	p0 =	sne.s32 s2, $0x0  }
0x8a: {  	s3 =	rddreg [dreg:$0x2];
	[bflag:$0x3] =	sbarrier.arrive $0xFFFF;
	s2 =	simm.s32 @!p0 $0x1C09  }
0x8b: {  	[timem:s3], [sflag:s2] =	dma.local @!p0 [hbm:s0], s1  }
0x8c: {  	s0 =	simm.s32 @!p0 $0x9  }
0x8d: {  	_ =	swait.ge @!p0 [sflag:s0], s1  }
0x8e: {  	s1 =	ssub.s32 @!p0 $0x0, s1;
	[sflag:s0] =	ssyncset.done @!p0 $0x0  }
0x8f: {  	[sflag:s0] =	ssyncadd.s32 @!p0 s1  }
0x90: {  	[bflag:$0x3] =	sbarrier.arrive $0xFFFF  }
0x91: {  	_ =	shalt  }

</sc_bundles>
